<compile_context>
chip_gen: v7x
topology: tpu7x:2x2x1
jax: 0.10.2.dev20260603
libtpu: 0.0.44.dev20260713+nightly
codegen_flags: <defaults>
</compile_context>

<pallas_src>
import jax
import jax.numpy as jnp
from jax import lax
from jax.experimental import pallas as pl
from jax.experimental.pallas import tpu as pltpu
from jax.experimental.pallas import tpu_sc as plsc

N = 16 * 512 * 512
LOGNB = 13
NB = 1 << LOGNB
R = NB // 128
C = 128
NC, NS, L = 2, 16, 16
NW = NC * NS
ROWS = 512
CH_ROWS = 32
CHUNK = CH_ROWS * 512
NCHUNK = 256 // CH_ROWS
VPC = CHUNK // L
ZL = 10.0
ZS = NB / (2.0 * ZL)
ZCLAMP = ZL - 1e-3


def _sc_hist_body(x_hbm, y_hbm, out_hbm,
                  x0, x1, x2, y0, y1, y2, hist, sem0, sem1, sem2):
    wid = lax.axis_index("s") * NC + lax.axis_index("c")
    slab = wid // 2
    row0 = (wid % 2) * 256

    zeros16 = jnp.zeros((L,), jnp.float32)
    ones16 = jnp.ones((L,), jnp.float32)

    xb = (x0, x1, x2)
    yb = (y0, y1, y2)
    sems = (sem0, sem1, sem2)
    NSLOT = 3

    def start(ci):
        slot = ci % NSLOT
        r = row0 + ci * CH_ROWS
        pltpu.async_copy(x_hbm.at[slab, pl.ds(r, CH_ROWS), :], xb[slot],
                         sems[slot])
        pltpu.async_copy(y_hbm.at[slab, pl.ds(r, CH_ROWS), :], yb[slot],
                         sems[slot])

    def wait(ci):
        slot = ci % NSLOT
        r = row0 + ci * CH_ROWS
        pltpu.make_async_copy(
            x_hbm.at[slab, pl.ds(r, CH_ROWS), :], xb[slot], sems[slot]).wait()
        pltpu.make_async_copy(
            y_hbm.at[slab, pl.ds(r, CH_ROWS), :], yb[slot], sems[slot]).wait()

    def compute(ci):
        slot = ci % NSLOT
        x_buf = xb[slot]
        y_buf = yb[slot]

        @plsc.parallel_loop(0, VPC, 1, unroll=16)
        def vec_body(i):
            r = i // (512 // L)
            c = (i % (512 // L)) * L
            xv = x_buf[r, pl.ds(c, L)]
            yv = y_buf[r, pl.ds(c, L)]
            zc = jnp.minimum(jnp.maximum(xv, -ZCLAMP), ZCLAMP)
            u = zc * ZS
            bf0 = u + float(NB // 2)
            bf1 = float(NB + NB // 2) - u
            bf = jnp.where(yv != 0, bf1, bf0)
            bi = bf.astype(jnp.int32)
            plsc.addupdate_scatter(hist, [bi], ones16)

    start(0)
    start(1)

    def zero_body(i, carry):
        hist[pl.ds(i * L, L)] = zeros16
        return carry

    lax.fori_loop(0, 2 * NB // L, zero_body, 0, unroll=8)

    for ci in range(NCHUNK):
        if ci + 2 < NCHUNK:
            start(ci + 2)
        wait(ci)
        compute(ci)

    pltpu.sync_copy(hist, out_hbm.at[pl.ds(wid * 2 * NB, 2 * NB)])


_sc_hist = pl.kernel(
    _sc_hist_body,
    out_type=jax.ShapeDtypeStruct((NW * 2 * NB,), jnp.float32),
    mesh=plsc.VectorSubcoreMesh(
        core_axis_name="c", subcore_axis_name="s",
        num_cores=NC, num_subcores=NS),
    scratch_types=[
        pltpu.VMEM((CH_ROWS, 512), jnp.float32),
        pltpu.VMEM((CH_ROWS, 512), jnp.float32),
        pltpu.VMEM((CH_ROWS, 512), jnp.float32),
        pltpu.VMEM((CH_ROWS, 512), jnp.int32),
        pltpu.VMEM((CH_ROWS, 512), jnp.int32),
        pltpu.VMEM((CH_ROWS, 512), jnp.int32),
        pltpu.VMEM((2 * NB,), jnp.float32),
        pltpu.SemaphoreType.DMA,
        pltpu.SemaphoreType.DMA,
        pltpu.SemaphoreType.DMA,
    ],
    compiler_params=pltpu.CompilerParams(needs_layout_passes=False),
)


def _tc_finish_body(h_ref, o_ref):
    h = h_ref[...]
    agg = jnp.sum(h, axis=0)
    m = agg[1]
    n = agg[0] + m

    hi = lax.Precision.HIGHEST
    uc = (lax.broadcasted_iota(jnp.int32, (C, C), 0)
          >= lax.broadcasted_iota(jnp.int32, (C, C), 1)).astype(jnp.float32)
    lr = (lax.broadcasted_iota(jnp.int32, (R, R), 1)
          > lax.broadcasted_iota(jnp.int32, (R, R), 0)).astype(jnp.float32)

    def suffix(v):
        row = jnp.dot(v, uc, precision=hi)
        t = jnp.sum(v, axis=1, keepdims=True)
        st = jnp.dot(lr, t, precision=hi)
        return row + st

    n_inc = suffix(n)
    m_inc = suffix(m)
    gts = jnp.sum(m)

    def jac(nv, mv):
        den = gts + nv - mv
        safe = jnp.where(den > 0.0, den, 1.0)
        return jnp.where(den > 0.0, 1.0 - (gts - mv) / safe, 0.0)

    dj = jac(n_inc, m_inc) - jac(n_inc - n, m_inc - m)
    bidx = (lax.broadcasted_iota(jnp.int32, (R, C), 0) * C
            + lax.broadcasted_iota(jnp.int32, (R, C), 1)).astype(jnp.float32)
    zmid = (bidx + 0.5) * (1.0 / ZS) - ZL
    mid = 1.0 / (1.0 + jnp.exp(-zmid))
    o_ref[...] = jnp.sum(mid * dj).reshape(1, 1)


_tc_finish = pl.pallas_call(
    _tc_finish_body,
    out_shape=jax.ShapeDtypeStruct((1, 1), jnp.float32),
)


def kernel(y_pred, y_true):
    y = y_true.astype(jnp.int32)
    hist = _sc_hist(y_pred, y)
    hist4 = hist.reshape(NW, 2, R, C)
    loss = _tc_finish(hist4)
    return loss[0, 0]

# --- scband reference (transcript-rebuilt; emitter-appended) ---
"""Pipeline reference for scband-lovasz-loss-11639361372514 (READ-ONLY COPY).

The authoritative reference and input builder live on the scoring server;
editing this copy changes nothing except your own understanding.
"""

import jax, jax.numpy as jnp
import numpy as np


def setup_inputs(seed: int = 0) -> dict:
    key = jax.random.key(seed)
    k1, k2 = jax.random.split(key)
    y_pred = jax.random.normal(k1, (16, 512, 512), dtype=jnp.float32)
    y_true = jax.random.randint(k2, (16, 512, 512), 0, 2, dtype=jnp.int64)
    return {"y_pred": y_pred, "y_true": y_true}


def reference(y_pred, y_true):
    yp = y_pred.reshape(-1)
    yt = y_true.reshape(-1).astype(jnp.float32)
    p = jax.nn.sigmoid(yp)
    error = jnp.abs(yt - p)
    perm = jnp.argsort(-error)
    errors_sorted = error[perm]
    yt_sorted = yt[perm]
    gts = yt_sorted.sum()
    intersection = gts - jnp.cumsum(yt_sorted)
    union = gts + jnp.cumsum(1.0 - yt_sorted)
    jaccard = 1.0 - intersection / union
    jaccard = jnp.concatenate([jaccard[:1], jaccard[1:] - jaccard[:-1]])
    loss = jnp.dot(jax.nn.relu(errors_sorted), jaccard)
    return loss

if __name__ == "__main__":
    import jax
    _d = setup_inputs()
    print(jax.jit(kernel)(*tuple(_d.values())))

</pallas_src>

<mosaic_0001>
#map = affine_map<(d0, d1) -> (0, 0, 0)>
#map1 = affine_map<(d0, d1) -> (0)>
module attributes {stable_mosaic.version = 14 : i64} {
  func.func @_sc_hist_body(%arg0: i32, %arg1: i32, %arg2: memref<16x512x512xf32, #tpu.memory_space<hbm>>, %arg3: memref<16x512x512xi32, #tpu.memory_space<hbm>>, %arg4: memref<524288xf32, #tpu.memory_space<hbm>>, %arg5: memref<32x512xf32, #tpu.memory_space<vmem>>, %arg6: memref<32x512xf32, #tpu.memory_space<vmem>>, %arg7: memref<32x512xf32, #tpu.memory_space<vmem>>, %arg8: memref<32x512xi32, #tpu.memory_space<vmem>>, %arg9: memref<32x512xi32, #tpu.memory_space<vmem>>, %arg10: memref<32x512xi32, #tpu.memory_space<vmem>>, %arg11: memref<16384xf32, #tpu.memory_space<vmem>>, %arg12: memref<!tpu.dma_semaphore, #tpu.memory_space<semaphore_mem>>, %arg13: memref<!tpu.dma_semaphore, #tpu.memory_space<semaphore_mem>>, %arg14: memref<!tpu.dma_semaphore, #tpu.memory_space<semaphore_mem>>) attributes {dimension_semantics = [#tpu.dimension_semantics<core_parallel>, #tpu.dimension_semantics<subcore_parallel>], iteration_bounds = array<i64: 2, 16>, scalar_prefetch = 0 : i64, scratch_operands = 10 : i64, tpu.core_type = #tpu.core_type<sc_vector_subcore>, window_params = [{transform_indices = #map}, {transform_indices = #map}, {transform_indices = #map1}]} {
    %mul3A = arith.constant 2 : i32
    %mul3A_0 = arith.muli %arg1, %mul3A : i32
    %add3A = arith.addi %mul3A_0, %arg0 : i32
    %jit3A = arith.constant 2 : i32
    %div3A = arith.divsi %add3A, %jit3A : i32
    %sign3A = arith.constant 0 : i32
    %sign3A_1 = arith.cmpi sgt, %add3A, %sign3A : i32
    %sign3A_2 = arith.extui %sign3A_1 : i1 to i32
    %sign3A_3 = arith.constant 0 : i32
    %sign3A_4 = arith.cmpi slt, %add3A, %sign3A_3 : i32
    %sign3A_5 = arith.extui %sign3A_4 : i1 to i32
    %sign3A_6 = arith.subi %sign3A_2, %sign3A_5 : i32
    %sign3A_7 = arith.constant 0 : i32
    %sign3A_8 = arith.cmpi sgt, %jit3A, %sign3A_7 : i32
    %sign3A_9 = arith.extui %sign3A_8 : i1 to i32
    %sign3A_10 = arith.constant 0 : i32
    %sign3A_11 = arith.cmpi slt, %jit3A, %sign3A_10 : i32
    %sign3A_12 = arith.extui %sign3A_11 : i1 to i32
    %sign3A_13 = arith.subi %sign3A_9, %sign3A_12 : i32
    %ne3A = arith.cmpi ne, %sign3A_6, %sign3A_13 : i32
    %rem3A = arith.remsi %add3A, %jit3A : i32
    %ne3A_14 = arith.constant 0 : i32
    %ne3A_15 = arith.cmpi ne, %rem3A, %ne3A_14 : i32
    %and3A = arith.andi %ne3A, %ne3A_15 : i1
    %sub3A = arith.constant 1 : i32
    %sub3A_16 = arith.subi %div3A, %sub3A : i32
    %select_n3A = arith.select %and3A, %sub3A_16, %div3A : i32
    %jit3A_17 = arith.constant 2 : i32
    %eq3A = arith.constant 0 : i32
    %eq3A_18 = arith.cmpi eq, %jit3A_17, %eq3A : i32
    %jit3A_19 = arith.constant 1 : i32
    %select_n3A_20 = arith.select %eq3A_18, %jit3A_19, %jit3A_17 : i32
    %rem3A_21 = arith.remsi %add3A, %select_n3A_20 : i32
    %ne3A_22 = arith.constant 0 : i32
    %ne3A_23 = arith.cmpi ne, %rem3A_21, %ne3A_22 : i32
    %lt3A = arith.constant 0 : i32
    %lt3A_24 = arith.cmpi slt, %rem3A_21, %lt3A : i32
    %lt3A_25 = arith.constant 0 : i32
    %lt3A_26 = arith.cmpi slt, %select_n3A_20, %lt3A_25 : i32
    %ne3A_27 = arith.xori %lt3A_24, %lt3A_26 : i1
    %and3A_28 = arith.andi %ne3A_27, %ne3A_23 : i1
    %add3A_29 = arith.addi %rem3A_21, %select_n3A_20 : i32
    %select_n3A_30 = arith.select %and3A_28, %add3A_29, %rem3A_21 : i32
    %mul3A_31 = arith.constant 256 : i32
    %mul3A_32 = arith.muli %select_n3A_30, %mul3A_31 : i32
    %broadcast_in_dim3A = arith.constant 0.000000e+00 : f32
    %broadcast_in_dim3A_33 = vector.broadcast %broadcast_in_dim3A : f32 to vector<16xf32>
    %broadcast_in_dim3A_34 = arith.constant 1.000000e+00 : f32
    %broadcast_in_dim3A_35 = vector.broadcast %broadcast_in_dim3A_34 : f32 to vector<16xf32>
    %add3A_36 = arith.constant 0 : i32
    %add3A_37 = arith.addi %mul3A_32, %add3A_36 : i32
    %dma_start3A = arith.constant 0 : i32
    %dma_start3A_38 = tpu.memref_slice %arg2[%select_n3A, %add3A_37, %dma_start3A] : memref<16x512x512xf32, #tpu.memory_space<hbm>> -> memref<1x32x512xf32, #tpu.memory_space<hbm>>
    %dma_start3A_39 = tpu.memref_squeeze %dma_start3A_38 : memref<1x32x512xf32, #tpu.memory_space<hbm>> -> memref<32x512xf32, #tpu.memory_space<hbm>>
    %dma_start3A_40 = arith.constant 0 : i32
    %dma_start3A_41 = tpu.memref_slice %arg2[%select_n3A, %add3A_37, %dma_start3A_40] : memref<16x512x512xf32, #tpu.memory_space<hbm>> -> memref<1x32x512xf32, #tpu.memory_space<hbm>>
    %dma_start3A_42 = tpu.memref_squeeze %dma_start3A_41 : memref<1x32x512xf32, #tpu.memory_space<hbm>> -> memref<32x512xf32, #tpu.memory_space<hbm>>
    tpu.enqueue_dma source(%dma_start3A_42 : memref<32x512xf32, #tpu.memory_space<hbm>>) target(%arg5 : memref<32x512xf32, #tpu.memory_space<vmem>>) target_semaphore(%arg12 : memref<!tpu.dma_semaphore, #tpu.memory_space<semaphore_mem>>)
    %dma_start3A_43 = arith.constant 0 : i32
    %dma_start3A_44 = tpu.memref_slice %arg3[%select_n3A, %add3A_37, %dma_start3A_43] : memref<16x512x512xi32, #tpu.memory_space<hbm>> -> memref<1x32x512xi32, #tpu.memory_space<hbm>>
    %dma_start3A_45 = tpu.memref_squeeze %dma_start3A_44 : memref<1x32x512xi32, #tpu.memory_space<hbm>> -> memref<32x512xi32, #tpu.memory_space<hbm>>
    %dma_start3A_46 = arith.constant 0 : i32
    %dma_start3A_47 = tpu.memref_slice %arg3[%select_n3A, %add3A_37, %dma_start3A_46] : memref<16x512x512xi32, #tpu.memory_space<hbm>> -> memref<1x32x512xi32, #tpu.memory_space<hbm>>
    %dma_start3A_48 = tpu.memref_squeeze %dma_start3A_47 : memref<1x32x512xi32, #tpu.memory_space<hbm>> -> memref<32x512xi32, #tpu.memory_space<hbm>>
    tpu.enqueue_dma source(%dma_start3A_48 : memref<32x512xi32, #tpu.memory_space<hbm>>) target(%arg8 : memref<32x512xi32, #tpu.memory_space<vmem>>) target_semaphore(%arg12 : memref<!tpu.dma_semaphore, #tpu.memory_space<semaphore_mem>>)
    %add3A_49 = arith.constant 32 : i32
    %add3A_50 = arith.addi %mul3A_32, %add3A_49 : i32
    %dma_start3A_51 = arith.constant 0 : i32
    %dma_start3A_52 = tpu.memref_slice %arg2[%select_n3A, %add3A_50, %dma_start3A_51] : memref<16x512x512xf32, #tpu.memory_space<hbm>> -> memref<1x32x512xf32, #tpu.memory_space<hbm>>
    %dma_start3A_53 = tpu.memref_squeeze %dma_start3A_52 : memref<1x32x512xf32, #tpu.memory_space<hbm>> -> memref<32x512xf32, #tpu.memory_space<hbm>>
    %dma_start3A_54 = arith.constant 0 : i32
    %dma_start3A_55 = tpu.memref_slice %arg2[%select_n3A, %add3A_50, %dma_start3A_54] : memref<16x512x512xf32, #tpu.memory_space<hbm>> -> memref<1x32x512xf32, #tpu.memory_space<hbm>>
    %dma_start3A_56 = tpu.memref_squeeze %dma_start3A_55 : memref<1x32x512xf32, #tpu.memory_space<hbm>> -> memref<32x512xf32, #tpu.memory_space<hbm>>
    tpu.enqueue_dma source(%dma_start3A_56 : memref<32x512xf32, #tpu.memory_space<hbm>>) target(%arg6 : memref<32x512xf32, #tpu.memory_space<vmem>>) target_semaphore(%arg13 : memref<!tpu.dma_semaphore, #tpu.memory_space<semaphore_mem>>)
    %dma_start3A_57 = arith.constant 0 : i32
    %dma_start3A_58 = tpu.memref_slice %arg3[%select_n3A, %add3A_50, %dma_start3A_57] : memref<16x512x512xi32, #tpu.memory_space<hbm>> -> memref<1x32x512xi32, #tpu.memory_space<hbm>>
    %dma_start3A_59 = tpu.memref_squeeze %dma_start3A_58 : memref<1x32x512xi32, #tpu.memory_space<hbm>> -> memref<32x512xi32, #tpu.memory_space<hbm>>
    %dma_start3A_60 = arith.constant 0 : i32
    %dma_start3A_61 = tpu.memref_slice %arg3[%select_n3A, %add3A_50, %dma_start3A_60] : memref<16x512x512xi32, #tpu.memory_space<hbm>> -> memref<1x32x512xi32, #tpu.memory_space<hbm>>
    %dma_start3A_62 = tpu.memref_squeeze %dma_start3A_61 : memref<1x32x512xi32, #tpu.memory_space<hbm>> -> memref<32x512xi32, #tpu.memory_space<hbm>>
    tpu.enqueue_dma source(%dma_start3A_62 : memref<32x512xi32, #tpu.memory_space<hbm>>) target(%arg9 : memref<32x512xi32, #tpu.memory_space<vmem>>) target_semaphore(%arg13 : memref<!tpu.dma_semaphore, #tpu.memory_space<semaphore_mem>>)
    %scan3A = arith.constant 0 : i32
    %scan3A_63 = arith.constant 0 : i32
    %scan3A_64 = arith.constant 1024 : i32
    %scan3A_65 = arith.addi %scan3A_63, %scan3A_64 : i32
    %scan3A_66 = arith.constant 8 : i32
    scf.for %scan3A_290 = %scan3A_63 to %scan3A_65 step %scan3A_66  : i32 {
      %mul3A_291 = arith.constant 16 : i32
      %mul3A_292 = arith.muli %scan3A_290, %mul3A_291 : i32
      %swap3A = arith.index_cast %mul3A_292 : i32 to index
      %swap3A_293 = tpu.vector_load %arg11[%swap3A] {strides = array<i32>} : memref<16384xf32, #tpu.memory_space<vmem>>, vector<16xf32>,
      tpu.vector_store %arg11[%swap3A], %broadcast_in_dim3A_33 {strides = array<i32>} : memref<16384xf32, #tpu.memory_space<vmem>>, vector<16xf32>,
      %scan3A_294 = arith.constant 1 : i32
      %scan3A_295 = arith.addi %scan3A_290, %scan3A_294 : i32
      %mul3A_296 = arith.constant 16 : i32
      %mul3A_297 = arith.muli %scan3A_295, %mul3A_296 : i32
      %swap3A_298 = arith.index_cast %mul3A_297 : i32 to index
      %swap3A_299 = tpu.vector_load %arg11[%swap3A_298] {strides = array<i32>} : memref<16384xf32, #tpu.memory_space<vmem>>, vector<16xf32>,
      tpu.vector_store %arg11[%swap3A_298], %broadcast_in_dim3A_33 {strides = array<i32>} : memref<16384xf32, #tpu.memory_space<vmem>>, vector<16xf32>,
      %scan3A_300 = arith.constant 2 : i32
      %scan3A_301 = arith.addi %scan3A_290, %scan3A_300 : i32
      %mul3A_302 = arith.constant 16 : i32
      %mul3A_303 = arith.muli %scan3A_301, %mul3A_302 : i32
      %swap3A_304 = arith.index_cast %mul3A_303 : i32 to index
      %swap3A_305 = tpu.vector_load %arg11[%swap3A_304] {strides = array<i32>} : memref<16384xf32, #tpu.memory_space<vmem>>, vector<16xf32>,
      tpu.vector_store %arg11[%swap3A_304], %broadcast_in_dim3A_33 {strides = array<i32>} : memref<16384xf32, #tpu.memory_space<vmem>>, vector<16xf32>,
      %scan3A_306 = arith.constant 3 : i32
      %scan3A_307 = arith.addi %scan3A_290, %scan3A_306 : i32
      %mul3A_308 = arith.constant 16 : i32
      %mul3A_309 = arith.muli %scan3A_307, %mul3A_308 : i32
      %swap3A_310 = arith.index_cast %mul3A_309 : i32 to index
      %swap3A_311 = tpu.vector_load %arg11[%swap3A_310] {strides = array<i32>} : memref<16384xf32, #tpu.memory_space<vmem>>, vector<16xf32>,
      tpu.vector_store %arg11[%swap3A_310], %broadcast_in_dim3A_33 {strides = array<i32>} : memref<16384xf32, #tpu.memory_space<vmem>>, vector<16xf32>,
      %scan3A_312 = arith.constant 4 : i32
      %scan3A_313 = arith.addi %scan3A_290, %scan3A_312 : i32
      %mul3A_314 = arith.constant 16 : i32
      %mul3A_315 = arith.muli %scan3A_313, %mul3A_314 : i32
      %swap3A_316 = arith.index_cast %mul3A_315 : i32 to index
      %swap3A_317 = tpu.vector_load %arg11[%swap3A_316] {strides = array<i32>} : memref<16384xf32, #tpu.memory_space<vmem>>, vector<16xf32>,
      tpu.vector_store %arg11[%swap3A_316], %broadcast_in_dim3A_33 {strides = array<i32>} : memref<16384xf32, #tpu.memory_space<vmem>>, vector<16xf32>,
      %scan3A_318 = arith.constant 5 : i32
      %scan3A_319 = arith.addi %scan3A_290, %scan3A_318 : i32
      %mul3A_320 = arith.constant 16 : i32
      %mul3A_321 = arith.muli %scan3A_319, %mul3A_320 : i32
      %swap3A_322 = arith.index_cast %mul3A_321 : i32 to index
      %swap3A_323 = tpu.vector_load %arg11[%swap3A_322] {strides = array<i32>} : memref<16384xf32, #tpu.memory_space<vmem>>, vector<16xf32>,
      tpu.vector_store %arg11[%swap3A_322], %broadcast_in_dim3A_33 {strides = array<i32>} : memref<16384xf32, #tpu.memory_space<vmem>>, vector<16xf32>,
      %scan3A_324 = arith.constant 6 : i32
      %scan3A_325 = arith.addi %scan3A_290, %scan3A_324 : i32
      %mul3A_326 = arith.constant 16 : i32
      %mul3A_327 = arith.muli %scan3A_325, %mul3A_326 : i32
      %swap3A_328 = arith.index_cast %mul3A_327 : i32 to index
      %swap3A_329 = tpu.vector_load %arg11[%swap3A_328] {strides = array<i32>} : memref<16384xf32, #tpu.memory_space<vmem>>, vector<16xf32>,
      tpu.vector_store %arg11[%swap3A_328], %broadcast_in_dim3A_33 {strides = array<i32>} : memref<16384xf32, #tpu.memory_space<vmem>>, vector<16xf32>,
      %scan3A_330 = arith.constant 7 : i32
      %scan3A_331 = arith.addi %scan3A_290, %scan3A_330 : i32
      %mul3A_332 = arith.constant 16 : i32
      %mul3A_333 = arith.muli %scan3A_331, %mul3A_332 : i32
      %swap3A_334 = arith.index_cast %mul3A_333 : i32 to index
      %swap3A_335 = tpu.vector_load %arg11[%swap3A_334] {strides = array<i32>} : memref<16384xf32, #tpu.memory_space<vmem>>, vector<16xf32>,
      tpu.vector_store %arg11[%swap3A_334], %broadcast_in_dim3A_33 {strides = array<i32>} : memref<16384xf32, #tpu.memory_space<vmem>>, vector<16xf32>,
    }
    %scan3A_67 = arith.constant 1024 : i32
    %add3A_68 = arith.constant 64 : i32
    %add3A_69 = arith.addi %mul3A_32, %add3A_68 : i32
    %dma_start3A_70 = arith.constant 0 : i32
    %dma_start3A_71 = tpu.memref_slice %arg2[%select_n3A, %add3A_69, %dma_start3A_70] : memref<16x512x512xf32, #tpu.memory_space<hbm>> -> memref<1x32x512xf32, #tpu.memory_space<hbm>>
    %dma_start3A_72 = tpu.memref_squeeze %dma_start3A_71 : memref<1x32x512xf32, #tpu.memory_space<hbm>> -> memref<32x512xf32, #tpu.memory_space<hbm>>
    %dma_start3A_73 = arith.constant 0 : i32
    %dma_start3A_74 = tpu.memref_slice %arg2[%select_n3A, %add3A_69, %dma_start3A_73] : memref<16x512x512xf32, #tpu.memory_space<hbm>> -> memref<1x32x512xf32, #tpu.memory_space<hbm>>
    %dma_start3A_75 = tpu.memref_squeeze %dma_start3A_74 : memref<1x32x512xf32, #tpu.memory_space<hbm>> -> memref<32x512xf32, #tpu.memory_space<hbm>>
    tpu.enqueue_dma source(%dma_start3A_75 : memref<32x512xf32, #tpu.memory_space<hbm>>) target(%arg7 : memref<32x512xf32, #tpu.memory_space<vmem>>) target_semaphore(%arg14 : memref<!tpu.dma_semaphore, #tpu.memory_space<semaphore_mem>>)
    %dma_start3A_76 = arith.constant 0 : i32
    %dma_start3A_77 = tpu.memref_slice %arg3[%select_n3A, %add3A_69, %dma_start3A_76] : memref<16x512x512xi32, #tpu.memory_space<hbm>> -> memref<1x32x512xi32, #tpu.memory_space<hbm>>
    %dma_start3A_78 = tpu.memref_squeeze %dma_start3A_77 : memref<1x32x512xi32, #tpu.memory_space<hbm>> -> memref<32x512xi32, #tpu.memory_space<hbm>>
    %dma_start3A_79 = arith.constant 0 : i32
    %dma_start3A_80 = tpu.memref_slice %arg3[%select_n3A, %add3A_69, %dma_start3A_79] : memref<16x512x512xi32, #tpu.memory_space<hbm>> -> memref<1x32x512xi32, #tpu.memory_space<hbm>>
    %dma_start3A_81 = tpu.memref_squeeze %dma_start3A_80 : memref<1x32x512xi32, #tpu.memory_space<hbm>> -> memref<32x512xi32, #tpu.memory_space<hbm>>
    tpu.enqueue_dma source(%dma_start3A_81 : memref<32x512xi32, #tpu.memory_space<hbm>>) target(%arg10 : memref<32x512xi32, #tpu.memory_space<vmem>>) target_semaphore(%arg14 : memref<!tpu.dma_semaphore, #tpu.memory_space<semaphore_mem>>)
    %add3A_82 = arith.constant 0 : i32
    %add3A_83 = arith.addi %mul3A_32, %add3A_82 : i32
    %dma_wait3A = arith.constant 0 : i32
    %dma_wait3A_84 = tpu.memref_slice %arg2[%select_n3A, %add3A_83, %dma_wait3A] : memref<16x512x512xf32, #tpu.memory_space<hbm>> -> memref<1x32x512xf32, #tpu.memory_space<hbm>>
    %dma_wait3A_85 = tpu.memref_squeeze %dma_wait3A_84 : memref<1x32x512xf32, #tpu.memory_space<hbm>> -> memref<32x512xf32, #tpu.memory_space<hbm>>
    %dma_wait3A_86 = arith.constant 0 : i32
    %dma_wait3A_87 = tpu.memref_slice %arg2[%select_n3A, %add3A_83, %dma_wait3A_86] : memref<16x512x512xf32, #tpu.memory_space<hbm>> -> memref<1x32x512xf32, #tpu.memory_space<hbm>>
    %dma_wait3A_88 = tpu.memref_squeeze %dma_wait3A_87 : memref<1x32x512xf32, #tpu.memory_space<hbm>> -> memref<32x512xf32, #tpu.memory_space<hbm>>
    tpu.wait_dma2 semaphore(%arg12 : memref<!tpu.dma_semaphore, #tpu.memory_space<semaphore_mem>>) src(%dma_wait3A_88 : memref<32x512xf32, #tpu.memory_space<hbm>>) dst(%arg5 : memref<32x512xf32, #tpu.memory_space<vmem>>)
    %dma_wait3A_89 = arith.constant 0 : i32
    %dma_wait3A_90 = tpu.memref_slice %arg3[%select_n3A, %add3A_83, %dma_wait3A_89] : memref<16x512x512xi32, #tpu.memory_space<hbm>> -> memref<1x32x512xi32, #tpu.memory_space<hbm>>
    %dma_wait3A_91 = tpu.memref_squeeze %dma_wait3A_90 : memref<1x32x512xi32, #tpu.memory_space<hbm>> -> memref<32x512xi32, #tpu.memory_space<hbm>>
    %dma_wait3A_92 = arith.constant 0 : i32
    %dma_wait3A_93 = tpu.memref_slice %arg3[%select_n3A, %add3A_83, %dma_wait3A_92] : memref<16x512x512xi32, #tpu.memory_space<hbm>> -> memref<1x32x512xi32, #tpu.memory_space<hbm>>
    %dma_wait3A_94 = tpu.memref_squeeze %dma_wait3A_93 : memref<1x32x512xi32, #tpu.memory_space<hbm>> -> memref<32x512xi32, #tpu.memory_space<hbm>>
    tpu.wait_dma2 semaphore(%arg12 : memref<!tpu.dma_semaphore, #tpu.memory_space<semaphore_mem>>) src(%dma_wait3A_94 : memref<32x512xi32, #tpu.memory_space<hbm>>) dst(%arg8 : memref<32x512xi32, #tpu.memory_space<vmem>>)
    %parallel_loop3A = arith.constant 0 : i32
    %parallel_loop3A_95 = arith.constant 1024 : i32
    %parallel_loop3A_96 = arith.constant 1 : i32
    scf.for %parallel_loop3A_290 = %parallel_loop3A to %parallel_loop3A_95 step %parallel_loop3A_96  : i32 {
      %parallel_loop3A_291 = arith.constant 32 : i32
      %parallel_loop3A_292 = arith.divsi %parallel_loop3A_290, %parallel_loop3A_291 : i32
      %parallel_loop3A_293 = arith.constant 0 : i32
      %parallel_loop3A_294 = arith.cmpi sgt, %parallel_loop3A_290, %parallel_loop3A_293 : i32
      %parallel_loop3A_295 = arith.extui %parallel_loop3A_294 : i1 to i32
      %parallel_loop3A_296 = arith.constant 0 : i32
      %parallel_loop3A_297 = arith.cmpi slt, %parallel_loop3A_290, %parallel_loop3A_296 : i32
      %parallel_loop3A_298 = arith.extui %parallel_loop3A_297 : i1 to i32
      %parallel_loop3A_299 = arith.subi %parallel_loop3A_295, %parallel_loop3A_298 : i32
      %parallel_loop3A_300 = arith.constant 0 : i32
      %parallel_loop3A_301 = arith.cmpi sgt, %parallel_loop3A_291, %parallel_loop3A_300 : i32
      %parallel_loop3A_302 = arith.extui %parallel_loop3A_301 : i1 to i32
      %parallel_loop3A_303 = arith.constant 0 : i32
      %parallel_loop3A_304 = arith.cmpi slt, %parallel_loop3A_291, %parallel_loop3A_303 : i32
      %parallel_loop3A_305 = arith.extui %parallel_loop3A_304 : i1 to i32
      %parallel_loop3A_306 = arith.subi %parallel_loop3A_302, %parallel_loop3A_305 : i32
      %parallel_loop3A_307 = arith.cmpi ne, %parallel_loop3A_299, %parallel_loop3A_306 : i32
      %parallel_loop3A_308 = arith.remsi %parallel_loop3A_290, %parallel_loop3A_291 : i32
      %parallel_loop3A_309 = arith.constant 0 : i32
      %parallel_loop3A_310 = arith.cmpi ne, %parallel_loop3A_308, %parallel_loop3A_309 : i32
      %parallel_loop3A_311 = arith.andi %parallel_loop3A_307, %parallel_loop3A_310 : i1
      %parallel_loop3A_312 = arith.constant 1 : i32
      %parallel_loop3A_313 = arith.subi %parallel_loop3A_292, %parallel_loop3A_312 : i32
      %parallel_loop3A_314 = arith.select %parallel_loop3A_311, %parallel_loop3A_313, %parallel_loop3A_292 : i32
      %parallel_loop3A_315 = arith.constant 32 : i32
      %parallel_loop3A_316 = arith.constant 0 : i32
      %parallel_loop3A_317 = arith.cmpi eq, %parallel_loop3A_315, %parallel_loop3A_316 : i32
      %parallel_loop3A_318 = arith.constant 1 : i32
      %parallel_loop3A_319 = arith.select %parallel_loop3A_317, %parallel_loop3A_318, %parallel_loop3A_315 : i32
      %parallel_loop3A_320 = arith.remsi %parallel_loop3A_290, %parallel_loop3A_319 : i32
      %parallel_loop3A_321 = arith.constant 0 : i32
      %parallel_loop3A_322 = arith.cmpi ne, %parallel_loop3A_320, %parallel_loop3A_321 : i32
      %parallel_loop3A_323 = arith.constant 0 : i32
      %parallel_loop3A_324 = arith.cmpi slt, %parallel_loop3A_320, %parallel_loop3A_323 : i32
      %parallel_loop3A_325 = arith.constant 0 : i32
      %parallel_loop3A_326 = arith.cmpi slt, %parallel_loop3A_319, %parallel_loop3A_325 : i32
      %parallel_loop3A_327 = arith.xori %parallel_loop3A_324, %parallel_loop3A_326 : i1
      %parallel_loop3A_328 = arith.andi %parallel_loop3A_327, %parallel_loop3A_322 : i1
      %parallel_loop3A_329 = arith.addi %parallel_loop3A_320, %parallel_loop3A_319 : i32
      %parallel_loop3A_330 = arith.select %parallel_loop3A_328, %parallel_loop3A_329, %parallel_loop3A_320 : i32
      %parallel_loop3A_331 = arith.constant 16 : i32
      %parallel_loop3A_332 = arith.muli %parallel_loop3A_330, %parallel_loop3A_331 : i32
      %parallel_loop3A_333 = arith.index_cast %parallel_loop3A_314 : i32 to index
      %parallel_loop3A_334 = arith.index_cast %parallel_loop3A_332 : i32 to index
      %parallel_loop3A_335 = tpu.vector_load %arg5[%parallel_loop3A_333, %parallel_loop3A_334] {strides = array<i32>} : memref<32x512xf32, #tpu.memory_space<vmem>>, vector<16xf32>,
      %parallel_loop3A_336 = arith.index_cast %parallel_loop3A_314 : i32 to index
      %parallel_loop3A_337 = arith.index_cast %parallel_loop3A_332 : i32 to index
      %parallel_loop3A_338 = tpu.vector_load %arg8[%parallel_loop3A_336, %parallel_loop3A_337] {strides = array<i32>} : memref<32x512xi32, #tpu.memory_space<vmem>>, vector<16xi32>,
      %parallel_loop3A_339 = arith.constant -9.99899959 : f32
      %parallel_loop3A_340 = vector.broadcast %parallel_loop3A_339 : f32 to vector<16xf32>
      %parallel_loop3A_341 = arith.maximumf %parallel_loop3A_335, %parallel_loop3A_340 : vector<16xf32>
      %parallel_loop3A_342 = arith.constant 9.99899959 : f32
      %parallel_loop3A_343 = vector.broadcast %parallel_loop3A_342 : f32 to vector<16xf32>
      %parallel_loop3A_344 = arith.minimumf %parallel_loop3A_341, %parallel_loop3A_343 : vector<16xf32>
      %parallel_loop3A_345 = arith.constant 4.096000e+02 : f32
      %parallel_loop3A_346 = vector.broadcast %parallel_loop3A_345 : f32 to vector<16xf32>
      %parallel_loop3A_347 = arith.mulf %parallel_loop3A_344, %parallel_loop3A_346 : vector<16xf32>
      %parallel_loop3A_348 = arith.constant 4.096000e+03 : f32
      %parallel_loop3A_349 = vector.broadcast %parallel_loop3A_348 : f32 to vector<16xf32>
      %parallel_loop3A_350 = arith.addf %parallel_loop3A_347, %parallel_loop3A_349 : vector<16xf32>
      %parallel_loop3A_351 = arith.constant 1.228800e+04 : f32
      %parallel_loop3A_352 = vector.broadcast %parallel_loop3A_351 : f32 to vector<16xf32>
      %parallel_loop3A_353 = arith.subf %parallel_loop3A_352, %parallel_loop3A_347 : vector<16xf32>
      %parallel_loop3A_354 = arith.constant 0 : i32
      %parallel_loop3A_355 = vector.broadcast %parallel_loop3A_354 : i32 to vector<16xi32>
      %parallel_loop3A_356 = arith.cmpi ne, %parallel_loop3A_338, %parallel_loop3A_355 : vector<16xi32>
      %parallel_loop3A_357 = arith.select %parallel_loop3A_356, %parallel_loop3A_353, %parallel_loop3A_350 : vector<16xi1>, vector<16xf32>
      %parallel_loop3A_358 = arith.fptosi %parallel_loop3A_357 : vector<16xf32> to vector<16xi32>
      tpu.vector_store_idx %arg11[%parallel_loop3A_358], %broadcast_in_dim3A_35 {add = true} : memref<16384xf32, #tpu.memory_space<vmem>>[vector<16xi32>], vector<16xf32>,
    } {sc.loop_unroll_factor = 16 : i64, sc.parallel_access}
    %add3A_97 = arith.constant 96 : i32
    %add3A_98 = arith.addi %mul3A_32, %add3A_97 : i32
    %dma_start3A_99 = arith.constant 0 : i32
    %dma_start3A_100 = tpu.memref_slice %arg2[%select_n3A, %add3A_98, %dma_start3A_99] : memref<16x512x512xf32, #tpu.memory_space<hbm>> -> memref<1x32x512xf32, #tpu.memory_space<hbm>>
    %dma_start3A_101 = tpu.memref_squeeze %dma_start3A_100 : memref<1x32x512xf32, #tpu.memory_space<hbm>> -> memref<32x512xf32, #tpu.memory_space<hbm>>
    %dma_start3A_102 = arith.constant 0 : i32
    %dma_start3A_103 = tpu.memref_slice %arg2[%select_n3A, %add3A_98, %dma_start3A_102] : memref<16x512x512xf32, #tpu.memory_space<hbm>> -> memref<1x32x512xf32, #tpu.memory_space<hbm>>
    %dma_start3A_104 = tpu.memref_squeeze %dma_start3A_103 : memref<1x32x512xf32, #tpu.memory_space<hbm>> -> memref<32x512xf32, #tpu.memory_space<hbm>>
    tpu.enqueue_dma source(%dma_start3A_104 : memref<32x512xf32, #tpu.memory_space<hbm>>) target(%arg5 : memref<32x512xf32, #tpu.memory_space<vmem>>) target_semaphore(%arg12 : memref<!tpu.dma_semaphore, #tpu.memory_space<semaphore_mem>>)
    %dma_start3A_105 = arith.constant 0 : i32
    %dma_start3A_106 = tpu.memref_slice %arg3[%select_n3A, %add3A_98, %dma_start3A_105] : memref<16x512x512xi32, #tpu.memory_space<hbm>> -> memref<1x32x512xi32, #tpu.memory_space<hbm>>
    %dma_start3A_107 = tpu.memref_squeeze %dma_start3A_106 : memref<1x32x512xi32, #tpu.memory_space<hbm>> -> memref<32x512xi32, #tpu.memory_space<hbm>>
    %dma_start3A_108 = arith.constant 0 : i32
    %dma_start3A_109 = tpu.memref_slice %arg3[%select_n3A, %add3A_98, %dma_start3A_108] : memref<16x512x512xi32, #tpu.memory_space<hbm>> -> memref<1x32x512xi32, #tpu.memory_space<hbm>>
    %dma_start3A_110 = tpu.memref_squeeze %dma_start3A_109 : memref<1x32x512xi32, #tpu.memory_space<hbm>> -> memref<32x512xi32, #tpu.memory_space<hbm>>
    tpu.enqueue_dma source(%dma_start3A_110 : memref<32x512xi32, #tpu.memory_space<hbm>>) target(%arg8 : memref<32x512xi32, #tpu.memory_space<vmem>>) target_semaphore(%arg12 : memref<!tpu.dma_semaphore, #tpu.memory_space<semaphore_mem>>)
    %add3A_111 = arith.constant 32 : i32
    %add3A_112 = arith.addi %mul3A_32, %add3A_111 : i32
    %dma_wait3A_113 = arith.constant 0 : i32
    %dma_wait3A_114 = tpu.memref_slice %arg2[%select_n3A, %add3A_112, %dma_wait3A_113] : memref<16x512x512xf32, #tpu.memory_space<hbm>> -> memref<1x32x512xf32, #tpu.memory_space<hbm>>
    %dma_wait3A_115 = tpu.memref_squeeze %dma_wait3A_114 : memref<1x32x512xf32, #tpu.memory_space<hbm>> -> memref<32x512xf32, #tpu.memory_space<hbm>>
    %dma_wait3A_116 = arith.constant 0 : i32
    %dma_wait3A_117 = tpu.memref_slice %arg2[%select_n3A, %add3A_112, %dma_wait3A_116] : memref<16x512x512xf32, #tpu.memory_space<hbm>> -> memref<1x32x512xf32, #tpu.memory_space<hbm>>
    %dma_wait3A_118 = tpu.memref_squeeze %dma_wait3A_117 : memref<1x32x512xf32, #tpu.memory_space<hbm>> -> memref<32x512xf32, #tpu.memory_space<hbm>>
    tpu.wait_dma2 semaphore(%arg13 : memref<!tpu.dma_semaphore, #tpu.memory_space<semaphore_mem>>) src(%dma_wait3A_118 : memref<32x512xf32, #tpu.memory_space<hbm>>) dst(%arg6 : memref<32x512xf32, #tpu.memory_space<vmem>>)
    %dma_wait3A_119 = arith.constant 0 : i32
    %dma_wait3A_120 = tpu.memref_slice %arg3[%select_n3A, %add3A_112, %dma_wait3A_119] : memref<16x512x512xi32, #tpu.memory_space<hbm>> -> memref<1x32x512xi32, #tpu.memory_space<hbm>>
    %dma_wait3A_121 = tpu.memref_squeeze %dma_wait3A_120 : memref<1x32x512xi32, #tpu.memory_space<hbm>> -> memref<32x512xi32, #tpu.memory_space<hbm>>
    %dma_wait3A_122 = arith.constant 0 : i32
    %dma_wait3A_123 = tpu.memref_slice %arg3[%select_n3A, %add3A_112, %dma_wait3A_122] : memref<16x512x512xi32, #tpu.memory_space<hbm>> -> memref<1x32x512xi32, #tpu.memory_space<hbm>>
    %dma_wait3A_124 = tpu.memref_squeeze %dma_wait3A_123 : memref<1x32x512xi32, #tpu.memory_space<hbm>> -> memref<32x512xi32, #tpu.memory_space<hbm>>
    tpu.wait_dma2 semaphore(%arg13 : memref<!tpu.dma_semaphore, #tpu.memory_space<semaphore_mem>>) src(%dma_wait3A_124 : memref<32x512xi32, #tpu.memory_space<hbm>>) dst(%arg9 : memref<32x512xi32, #tpu.memory_space<vmem>>)
    %parallel_loop3A_125 = arith.constant 0 : i32
    %parallel_loop3A_126 = arith.constant 1024 : i32
    %parallel_loop3A_127 = arith.constant 1 : i32
    scf.for %parallel_loop3A_290 = %parallel_loop3A_125 to %parallel_loop3A_126 step %parallel_loop3A_127  : i32 {
      %parallel_loop3A_291 = arith.constant 32 : i32
      %parallel_loop3A_292 = arith.divsi %parallel_loop3A_290, %parallel_loop3A_291 : i32
      %parallel_loop3A_293 = arith.constant 0 : i32
      %parallel_loop3A_294 = arith.cmpi sgt, %parallel_loop3A_290, %parallel_loop3A_293 : i32
      %parallel_loop3A_295 = arith.extui %parallel_loop3A_294 : i1 to i32
      %parallel_loop3A_296 = arith.constant 0 : i32
      %parallel_loop3A_297 = arith.cmpi slt, %parallel_loop3A_290, %parallel_loop3A_296 : i32
      %parallel_loop3A_298 = arith.extui %parallel_loop3A_297 : i1 to i32
      %parallel_loop3A_299 = arith.subi %parallel_loop3A_295, %parallel_loop3A_298 : i32
      %parallel_loop3A_300 = arith.constant 0 : i32
      %parallel_loop3A_301 = arith.cmpi sgt, %parallel_loop3A_291, %parallel_loop3A_300 : i32
      %parallel_loop3A_302 = arith.extui %parallel_loop3A_301 : i1 to i32
      %parallel_loop3A_303 = arith.constant 0 : i32
      %parallel_loop3A_304 = arith.cmpi slt, %parallel_loop3A_291, %parallel_loop3A_303 : i32
      %parallel_loop3A_305 = arith.extui %parallel_loop3A_304 : i1 to i32
      %parallel_loop3A_306 = arith.subi %parallel_loop3A_302, %parallel_loop3A_305 : i32
      %parallel_loop3A_307 = arith.cmpi ne, %parallel_loop3A_299, %parallel_loop3A_306 : i32
      %parallel_loop3A_308 = arith.remsi %parallel_loop3A_290, %parallel_loop3A_291 : i32
      %parallel_loop3A_309 = arith.constant 0 : i32
      %parallel_loop3A_310 = arith.cmpi ne, %parallel_loop3A_308, %parallel_loop3A_309 : i32
      %parallel_loop3A_311 = arith.andi %parallel_loop3A_307, %parallel_loop3A_310 : i1
      %parallel_loop3A_312 = arith.constant 1 : i32
      %parallel_loop3A_313 = arith.subi %parallel_loop3A_292, %parallel_loop3A_312 : i32
      %parallel_loop3A_314 = arith.select %parallel_loop3A_311, %parallel_loop3A_313, %parallel_loop3A_292 : i32
      %parallel_loop3A_315 = arith.constant 32 : i32
      %parallel_loop3A_316 = arith.constant 0 : i32
      %parallel_loop3A_317 = arith.cmpi eq, %parallel_loop3A_315, %parallel_loop3A_316 : i32
      %parallel_loop3A_318 = arith.constant 1 : i32
      %parallel_loop3A_319 = arith.select %parallel_loop3A_317, %parallel_loop3A_318, %parallel_loop3A_315 : i32
      %parallel_loop3A_320 = arith.remsi %parallel_loop3A_290, %parallel_loop3A_319 : i32
      %parallel_loop3A_321 = arith.constant 0 : i32
      %parallel_loop3A_322 = arith.cmpi ne, %parallel_loop3A_320, %parallel_loop3A_321 : i32
      %parallel_loop3A_323 = arith.constant 0 : i32
      %parallel_loop3A_324 = arith.cmpi slt, %parallel_loop3A_320, %parallel_loop3A_323 : i32
      %parallel_loop3A_325 = arith.constant 0 : i32
      %parallel_loop3A_326 = arith.cmpi slt, %parallel_loop3A_319, %parallel_loop3A_325 : i32
      %parallel_loop3A_327 = arith.xori %parallel_loop3A_324, %parallel_loop3A_326 : i1
      %parallel_loop3A_328 = arith.andi %parallel_loop3A_327, %parallel_loop3A_322 : i1
      %parallel_loop3A_329 = arith.addi %parallel_loop3A_320, %parallel_loop3A_319 : i32
      %parallel_loop3A_330 = arith.select %parallel_loop3A_328, %parallel_loop3A_329, %parallel_loop3A_320 : i32
      %parallel_loop3A_331 = arith.constant 16 : i32
      %parallel_loop3A_332 = arith.muli %parallel_loop3A_330, %parallel_loop3A_331 : i32
      %parallel_loop3A_333 = arith.index_cast %parallel_loop3A_314 : i32 to index
      %parallel_loop3A_334 = arith.index_cast %parallel_loop3A_332 : i32 to index
      %parallel_loop3A_335 = tpu.vector_load %arg6[%parallel_loop3A_333, %parallel_loop3A_334] {strides = array<i32>} : memref<32x512xf32, #tpu.memory_space<vmem>>, vector<16xf32>,
      %parallel_loop3A_336 = arith.index_cast %parallel_loop3A_314 : i32 to index
      %parallel_loop3A_337 = arith.index_cast %parallel_loop3A_332 : i32 to index
      %parallel_loop3A_338 = tpu.vector_load %arg9[%parallel_loop3A_336, %parallel_loop3A_337] {strides = array<i32>} : memref<32x512xi32, #tpu.memory_space<vmem>>, vector<16xi32>,
      %parallel_loop3A_339 = arith.constant -9.99899959 : f32
      %parallel_loop3A_340 = vector.broadcast %parallel_loop3A_339 : f32 to vector<16xf32>
      %parallel_loop3A_341 = arith.maximumf %parallel_loop3A_335, %parallel_loop3A_340 : vector<16xf32>
      %parallel_loop3A_342 = arith.constant 9.99899959 : f32
      %parallel_loop3A_343 = vector.broadcast %parallel_loop3A_342 : f32 to vector<16xf32>
      %parallel_loop3A_344 = arith.minimumf %parallel_loop3A_341, %parallel_loop3A_343 : vector<16xf32>
      %parallel_loop3A_345 = arith.constant 4.096000e+02 : f32
      %parallel_loop3A_346 = vector.broadcast %parallel_loop3A_345 : f32 to vector<16xf32>
      %parallel_loop3A_347 = arith.mulf %parallel_loop3A_344, %parallel_loop3A_346 : vector<16xf32>
      %parallel_loop3A_348 = arith.constant 4.096000e+03 : f32
      %parallel_loop3A_349 = vector.broadcast %parallel_loop3A_348 : f32 to vector<16xf32>
      %parallel_loop3A_350 = arith.addf %parallel_loop3A_347, %parallel_loop3A_349 : vector<16xf32>
      %parallel_loop3A_351 = arith.constant 1.228800e+04 : f32
      %parallel_loop3A_352 = vector.broadcast %parallel_loop3A_351 : f32 to vector<16xf32>
      %parallel_loop3A_353 = arith.subf %parallel_loop3A_352, %parallel_loop3A_347 : vector<16xf32>
      %parallel_loop3A_354 = arith.constant 0 : i32
      %parallel_loop3A_355 = vector.broadcast %parallel_loop3A_354 : i32 to vector<16xi32>
      %parallel_loop3A_356 = arith.cmpi ne, %parallel_loop3A_338, %parallel_loop3A_355 : vector<16xi32>
      %parallel_loop3A_357 = arith.select %parallel_loop3A_356, %parallel_loop3A_353, %parallel_loop3A_350 : vector<16xi1>, vector<16xf32>
      %parallel_loop3A_358 = arith.fptosi %parallel_loop3A_357 : vector<16xf32> to vector<16xi32>
      tpu.vector_store_idx %arg11[%parallel_loop3A_358], %broadcast_in_dim3A_35 {add = true} : memref<16384xf32, #tpu.memory_space<vmem>>[vector<16xi32>], vector<16xf32>,
    } {sc.loop_unroll_factor = 16 : i64, sc.parallel_access}
    %add3A_128 = arith.constant 128 : i32
    %add3A_129 = arith.addi %mul3A_32, %add3A_128 : i32
    %dma_start3A_130 = arith.constant 0 : i32
    %dma_start3A_131 = tpu.memref_slice %arg2[%select_n3A, %add3A_129, %dma_start3A_130] : memref<16x512x512xf32, #tpu.memory_space<hbm>> -> memref<1x32x512xf32, #tpu.memory_space<hbm>>
    %dma_start3A_132 = tpu.memref_squeeze %dma_start3A_131 : memref<1x32x512xf32, #tpu.memory_space<hbm>> -> memref<32x512xf32, #tpu.memory_space<hbm>>
    %dma_start3A_133 = arith.constant 0 : i32
    %dma_start3A_134 = tpu.memref_slice %arg2[%select_n3A, %add3A_129, %dma_start3A_133] : memref<16x512x512xf32, #tpu.memory_space<hbm>> -> memref<1x32x512xf32, #tpu.memory_space<hbm>>
    %dma_start3A_135 = tpu.memref_squeeze %dma_start3A_134 : memref<1x32x512xf32, #tpu.memory_space<hbm>> -> memref<32x512xf32, #tpu.memory_space<hbm>>
    tpu.enqueue_dma source(%dma_start3A_135 : memref<32x512xf32, #tpu.memory_space<hbm>>) target(%arg6 : memref<32x512xf32, #tpu.memory_space<vmem>>) target_semaphore(%arg13 : memref<!tpu.dma_semaphore, #tpu.memory_space<semaphore_mem>>)
    %dma_start3A_136 = arith.constant 0 : i32
    %dma_start3A_137 = tpu.memref_slice %arg3[%select_n3A, %add3A_129, %dma_start3A_136] : memref<16x512x512xi32, #tpu.memory_space<hbm>> -> memref<1x32x512xi32, #tpu.memory_space<hbm>>
    %dma_start3A_138 = tpu.memref_squeeze %dma_start3A_137 : memref<1x32x512xi32, #tpu.memory_space<hbm>> -> memref<32x512xi32, #tpu.memory_space<hbm>>
    %dma_start3A_139 = arith.constant 0 : i32
    %dma_start3A_140 = tpu.memref_slice %arg3[%select_n3A, %add3A_129, %dma_start3A_139] : memref<16x512x512xi32, #tpu.memory_space<hbm>> -> memref<1x32x512xi32, #tpu.memory_space<hbm>>
    %dma_start3A_141 = tpu.memref_squeeze %dma_start3A_140 : memref<1x32x512xi32, #tpu.memory_space<hbm>> -> memref<32x512xi32, #tpu.memory_space<hbm>>
    tpu.enqueue_dma source(%dma_start3A_141 : memref<32x512xi32, #tpu.memory_space<hbm>>) target(%arg9 : memref<32x512xi32, #tpu.memory_space<vmem>>) target_semaphore(%arg13 : memref<!tpu.dma_semaphore, #tpu.memory_space<semaphore_mem>>)
    %add3A_142 = arith.constant 64 : i32
    %add3A_143 = arith.addi %mul3A_32, %add3A_142 : i32
    %dma_wait3A_144 = arith.constant 0 : i32
    %dma_wait3A_145 = tpu.memref_slice %arg2[%select_n3A, %add3A_143, %dma_wait3A_144] : memref<16x512x512xf32, #tpu.memory_space<hbm>> -> memref<1x32x512xf32, #tpu.memory_space<hbm>>
    %dma_wait3A_146 = tpu.memref_squeeze %dma_wait3A_145 : memref<1x32x512xf32, #tpu.memory_space<hbm>> -> memref<32x512xf32, #tpu.memory_space<hbm>>
    %dma_wait3A_147 = arith.constant 0 : i32
    %dma_wait3A_148 = tpu.memref_slice %arg2[%select_n3A, %add3A_143, %dma_wait3A_147] : memref<16x512x512xf32, #tpu.memory_space<hbm>> -> memref<1x32x512xf32, #tpu.memory_space<hbm>>
    %dma_wait3A_149 = tpu.memref_squeeze %dma_wait3A_148 : memref<1x32x512xf32, #tpu.memory_space<hbm>> -> memref<32x512xf32, #tpu.memory_space<hbm>>
    tpu.wait_dma2 semaphore(%arg14 : memref<!tpu.dma_semaphore, #tpu.memory_space<semaphore_mem>>) src(%dma_wait3A_149 : memref<32x512xf32, #tpu.memory_space<hbm>>) dst(%arg7 : memref<32x512xf32, #tpu.memory_space<vmem>>)
    %dma_wait3A_150 = arith.constant 0 : i32
    %dma_wait3A_151 = tpu.memref_slice %arg3[%select_n3A, %add3A_143, %dma_wait3A_150] : memref<16x512x512xi32, #tpu.memory_space<hbm>> -> memref<1x32x512xi32, #tpu.memory_space<hbm>>
    %dma_wait3A_152 = tpu.memref_squeeze %dma_wait3A_151 : memref<1x32x512xi32, #tpu.memory_space<hbm>> -> memref<32x512xi32, #tpu.memory_space<hbm>>
    %dma_wait3A_153 = arith.constant 0 : i32
    %dma_wait3A_154 = tpu.memref_slice %arg3[%select_n3A, %add3A_143, %dma_wait3A_153] : memref<16x512x512xi32, #tpu.memory_space<hbm>> -> memref<1x32x512xi32, #tpu.memory_space<hbm>>
    %dma_wait3A_155 = tpu.memref_squeeze %dma_wait3A_154 : memref<1x32x512xi32, #tpu.memory_space<hbm>> -> memref<32x512xi32, #tpu.memory_space<hbm>>
    tpu.wait_dma2 semaphore(%arg14 : memref<!tpu.dma_semaphore, #tpu.memory_space<semaphore_mem>>) src(%dma_wait3A_155 : memref<32x512xi32, #tpu.memory_space<hbm>>) dst(%arg10 : memref<32x512xi32, #tpu.memory_space<vmem>>)
    %parallel_loop3A_156 = arith.constant 0 : i32
    %parallel_loop3A_157 = arith.constant 1024 : i32
    %parallel_loop3A_158 = arith.constant 1 : i32
    scf.for %parallel_loop3A_290 = %parallel_loop3A_156 to %parallel_loop3A_157 step %parallel_loop3A_158  : i32 {
      %parallel_loop3A_291 = arith.constant 32 : i32
      %parallel_loop3A_292 = arith.divsi %parallel_loop3A_290, %parallel_loop3A_291 : i32
      %parallel_loop3A_293 = arith.constant 0 : i32
      %parallel_loop3A_294 = arith.cmpi sgt, %parallel_loop3A_290, %parallel_loop3A_293 : i32
      %parallel_loop3A_295 = arith.extui %parallel_loop3A_294 : i1 to i32
      %parallel_loop3A_296 = arith.constant 0 : i32
      %parallel_loop3A_297 = arith.cmpi slt, %parallel_loop3A_290, %parallel_loop3A_296 : i32
      %parallel_loop3A_298 = arith.extui %parallel_loop3A_297 : i1 to i32
      %parallel_loop3A_299 = arith.subi %parallel_loop3A_295, %parallel_loop3A_298 : i32
      %parallel_loop3A_300 = arith.constant 0 : i32
      %parallel_loop3A_301 = arith.cmpi sgt, %parallel_loop3A_291, %parallel_loop3A_300 : i32
      %parallel_loop3A_302 = arith.extui %parallel_loop3A_301 : i1 to i32
      %parallel_loop3A_303 = arith.constant 0 : i32
      %parallel_loop3A_304 = arith.cmpi slt, %parallel_loop3A_291, %parallel_loop3A_303 : i32
      %parallel_loop3A_305 = arith.extui %parallel_loop3A_304 : i1 to i32
      %parallel_loop3A_306 = arith.subi %parallel_loop3A_302, %parallel_loop3A_305 : i32
      %parallel_loop3A_307 = arith.cmpi ne, %parallel_loop3A_299, %parallel_loop3A_306 : i32
      %parallel_loop3A_308 = arith.remsi %parallel_loop3A_290, %parallel_loop3A_291 : i32
      %parallel_loop3A_309 = arith.constant 0 : i32
      %parallel_loop3A_310 = arith.cmpi ne, %parallel_loop3A_308, %parallel_loop3A_309 : i32
      %parallel_loop3A_311 = arith.andi %parallel_loop3A_307, %parallel_loop3A_310 : i1
      %parallel_loop3A_312 = arith.constant 1 : i32
      %parallel_loop3A_313 = arith.subi %parallel_loop3A_292, %parallel_loop3A_312 : i32
      %parallel_loop3A_314 = arith.select %parallel_loop3A_311, %parallel_loop3A_313, %parallel_loop3A_292 : i32
      %parallel_loop3A_315 = arith.constant 32 : i32
      %parallel_loop3A_316 = arith.constant 0 : i32
      %parallel_loop3A_317 = arith.cmpi eq, %parallel_loop3A_315, %parallel_loop3A_316 : i32
      %parallel_loop3A_318 = arith.constant 1 : i32
      %parallel_loop3A_319 = arith.select %parallel_loop3A_317, %parallel_loop3A_318, %parallel_loop3A_315 : i32
      %parallel_loop3A_320 = arith.remsi %parallel_loop3A_290, %parallel_loop3A_319 : i32
      %parallel_loop3A_321 = arith.constant 0 : i32
      %parallel_loop3A_322 = arith.cmpi ne, %parallel_loop3A_320, %parallel_loop3A_321 : i32
      %parallel_loop3A_323 = arith.constant 0 : i32
      %parallel_loop3A_324 = arith.cmpi slt, %parallel_loop3A_320, %parallel_loop3A_323 : i32
      %parallel_loop3A_325 = arith.constant 0 : i32
      %parallel_loop3A_326 = arith.cmpi slt, %parallel_loop3A_319, %parallel_loop3A_325 : i32
      %parallel_loop3A_327 = arith.xori %parallel_loop3A_324, %parallel_loop3A_326 : i1
      %parallel_loop3A_328 = arith.andi %parallel_loop3A_327, %parallel_loop3A_322 : i1
      %parallel_loop3A_329 = arith.addi %parallel_loop3A_320, %parallel_loop3A_319 : i32
      %parallel_loop3A_330 = arith.select %parallel_loop3A_328, %parallel_loop3A_329, %parallel_loop3A_320 : i32
      %parallel_loop3A_331 = arith.constant 16 : i32
      %parallel_loop3A_332 = arith.muli %parallel_loop3A_330, %parallel_loop3A_331 : i32
      %parallel_loop3A_333 = arith.index_cast %parallel_loop3A_314 : i32 to index
      %parallel_loop3A_334 = arith.index_cast %parallel_loop3A_332 : i32 to index
      %parallel_loop3A_335 = tpu.vector_load %arg7[%parallel_loop3A_333, %parallel_loop3A_334] {strides = array<i32>} : memref<32x512xf32, #tpu.memory_space<vmem>>, vector<16xf32>,
      %parallel_loop3A_336 = arith.index_cast %parallel_loop3A_314 : i32 to index
      %parallel_loop3A_337 = arith.index_cast %parallel_loop3A_332 : i32 to index
      %parallel_loop3A_338 = tpu.vector_load %arg10[%parallel_loop3A_336, %parallel_loop3A_337] {strides = array<i32>} : memref<32x512xi32, #tpu.memory_space<vmem>>, vector<16xi32>,
      %parallel_loop3A_339 = arith.constant -9.99899959 : f32
      %parallel_loop3A_340 = vector.broadcast %parallel_loop3A_339 : f32 to vector<16xf32>
      %parallel_loop3A_341 = arith.maximumf %parallel_loop3A_335, %parallel_loop3A_340 : vector<16xf32>
      %parallel_loop3A_342 = arith.constant 9.99899959 : f32
      %parallel_loop3A_343 = vector.broadcast %parallel_loop3A_342 : f32 to vector<16xf32>
      %parallel_loop3A_344 = arith.minimumf %parallel_loop3A_341, %parallel_loop3A_343 : vector<16xf32>
      %parallel_loop3A_345 = arith.constant 4.096000e+02 : f32
      %parallel_loop3A_346 = vector.broadcast %parallel_loop3A_345 : f32 to vector<16xf32>
      %parallel_loop3A_347 = arith.mulf %parallel_loop3A_344, %parallel_loop3A_346 : vector<16xf32>
      %parallel_loop3A_348 = arith.constant 4.096000e+03 : f32
      %parallel_loop3A_349 = vector.broadcast %parallel_loop3A_348 : f32 to vector<16xf32>
      %parallel_loop3A_350 = arith.addf %parallel_loop3A_347, %parallel_loop3A_349 : vector<16xf32>
      %parallel_loop3A_351 = arith.constant 1.228800e+04 : f32
      %parallel_loop3A_352 = vector.broadcast %parallel_loop3A_351 : f32 to vector<16xf32>
      %parallel_loop3A_353 = arith.subf %parallel_loop3A_352, %parallel_loop3A_347 : vector<16xf32>
      %parallel_loop3A_354 = arith.constant 0 : i32
      %parallel_loop3A_355 = vector.broadcast %parallel_loop3A_354 : i32 to vector<16xi32>
      %parallel_loop3A_356 = arith.cmpi ne, %parallel_loop3A_338, %parallel_loop3A_355 : vector<16xi32>
      %parallel_loop3A_357 = arith.select %parallel_loop3A_356, %parallel_loop3A_353, %parallel_loop3A_350 : vector<16xi1>, vector<16xf32>
      %parallel_loop3A_358 = arith.fptosi %parallel_loop3A_357 : vector<16xf32> to vector<16xi32>
      tpu.vector_store_idx %arg11[%parallel_loop3A_358], %broadcast_in_dim3A_35 {add = true} : memref<16384xf32, #tpu.memory_space<vmem>>[vector<16xi32>], vector<16xf32>,
    } {sc.loop_unroll_factor = 16 : i64, sc.parallel_access}
    %add3A_159 = arith.constant 160 : i32
    %add3A_160 = arith.addi %mul3A_32, %add3A_159 : i32
    %dma_start3A_161 = arith.constant 0 : i32
    %dma_start3A_162 = tpu.memref_slice %arg2[%select_n3A, %add3A_160, %dma_start3A_161] : memref<16x512x512xf32, #tpu.memory_space<hbm>> -> memref<1x32x512xf32, #tpu.memory_space<hbm>>
    %dma_start3A_163 = tpu.memref_squeeze %dma_start3A_162 : memref<1x32x512xf32, #tpu.memory_space<hbm>> -> memref<32x512xf32, #tpu.memory_space<hbm>>
    %dma_start3A_164 = arith.constant 0 : i32
    %dma_start3A_165 = tpu.memref_slice %arg2[%select_n3A, %add3A_160, %dma_start3A_164] : memref<16x512x512xf32, #tpu.memory_space<hbm>> -> memref<1x32x512xf32, #tpu.memory_space<hbm>>
    %dma_start3A_166 = tpu.memref_squeeze %dma_start3A_165 : memref<1x32x512xf32, #tpu.memory_space<hbm>> -> memref<32x512xf32, #tpu.memory_space<hbm>>
    tpu.enqueue_dma source(%dma_start3A_166 : memref<32x512xf32, #tpu.memory_space<hbm>>) target(%arg7 : memref<32x512xf32, #tpu.memory_space<vmem>>) target_semaphore(%arg14 : memref<!tpu.dma_semaphore, #tpu.memory_space<semaphore_mem>>)
    %dma_start3A_167 = arith.constant 0 : i32
    %dma_start3A_168 = tpu.memref_slice %arg3[%select_n3A, %add3A_160, %dma_start3A_167] : memref<16x512x512xi32, #tpu.memory_space<hbm>> -> memref<1x32x512xi32, #tpu.memory_space<hbm>>
    %dma_start3A_169 = tpu.memref_squeeze %dma_start3A_168 : memref<1x32x512xi32, #tpu.memory_space<hbm>> -> memref<32x512xi32, #tpu.memory_space<hbm>>
    %dma_start3A_170 = arith.constant 0 : i32
    %dma_start3A_171 = tpu.memref_slice %arg3[%select_n3A, %add3A_160, %dma_start3A_170] : memref<16x512x512xi32, #tpu.memory_space<hbm>> -> memref<1x32x512xi32, #tpu.memory_space<hbm>>
    %dma_start3A_172 = tpu.memref_squeeze %dma_start3A_171 : memref<1x32x512xi32, #tpu.memory_space<hbm>> -> memref<32x512xi32, #tpu.memory_space<hbm>>
    tpu.enqueue_dma source(%dma_start3A_172 : memref<32x512xi32, #tpu.memory_space<hbm>>) target(%arg10 : memref<32x512xi32, #tpu.memory_space<vmem>>) target_semaphore(%arg14 : memref<!tpu.dma_semaphore, #tpu.memory_space<semaphore_mem>>)
    %add3A_173 = arith.constant 96 : i32
    %add3A_174 = arith.addi %mul3A_32, %add3A_173 : i32
    %dma_wait3A_175 = arith.constant 0 : i32
    %dma_wait3A_176 = tpu.memref_slice %arg2[%select_n3A, %add3A_174, %dma_wait3A_175] : memref<16x512x512xf32, #tpu.memory_space<hbm>> -> memref<1x32x512xf32, #tpu.memory_space<hbm>>
    %dma_wait3A_177 = tpu.memref_squeeze %dma_wait3A_176 : memref<1x32x512xf32, #tpu.memory_space<hbm>> -> memref<32x512xf32, #tpu.memory_space<hbm>>
    %dma_wait3A_178 = arith.constant 0 : i32
    %dma_wait3A_179 = tpu.memref_slice %arg2[%select_n3A, %add3A_174, %dma_wait3A_178] : memref<16x512x512xf32, #tpu.memory_space<hbm>> -> memref<1x32x512xf32, #tpu.memory_space<hbm>>
    %dma_wait3A_180 = tpu.memref_squeeze %dma_wait3A_179 : memref<1x32x512xf32, #tpu.memory_space<hbm>> -> memref<32x512xf32, #tpu.memory_space<hbm>>
    tpu.wait_dma2 semaphore(%arg12 : memref<!tpu.dma_semaphore, #tpu.memory_space<semaphore_mem>>) src(%dma_wait3A_180 : memref<32x512xf32, #tpu.memory_space<hbm>>) dst(%arg5 : memref<32x512xf32, #tpu.memory_space<vmem>>)
    %dma_wait3A_181 = arith.constant 0 : i32
    %dma_wait3A_182 = tpu.memref_slice %arg3[%select_n3A, %add3A_174, %dma_wait3A_181] : memref<16x512x512xi32, #tpu.memory_space<hbm>> -> memref<1x32x512xi32, #tpu.memory_space<hbm>>
    %dma_wait3A_183 = tpu.memref_squeeze %dma_wait3A_182 : memref<1x32x512xi32, #tpu.memory_space<hbm>> -> memref<32x512xi32, #tpu.memory_space<hbm>>
    %dma_wait3A_184 = arith.constant 0 : i32
    %dma_wait3A_185 = tpu.memref_slice %arg3[%select_n3A, %add3A_174, %dma_wait3A_184] : memref<16x512x512xi32, #tpu.memory_space<hbm>> -> memref<1x32x512xi32, #tpu.memory_space<hbm>>
    %dma_wait3A_186 = tpu.memref_squeeze %dma_wait3A_185 : memref<1x32x512xi32, #tpu.memory_space<hbm>> -> memref<32x512xi32, #tpu.memory_space<hbm>>
    tpu.wait_dma2 semaphore(%arg12 : memref<!tpu.dma_semaphore, #tpu.memory_space<semaphore_mem>>) src(%dma_wait3A_186 : memref<32x512xi32, #tpu.memory_space<hbm>>) dst(%arg8 : memref<32x512xi32, #tpu.memory_space<vmem>>)
    %parallel_loop3A_187 = arith.constant 0 : i32
    %parallel_loop3A_188 = arith.constant 1024 : i32
    %parallel_loop3A_189 = arith.constant 1 : i32
    scf.for %parallel_loop3A_290 = %parallel_loop3A_187 to %parallel_loop3A_188 step %parallel_loop3A_189  : i32 {
      %parallel_loop3A_291 = arith.constant 32 : i32
      %parallel_loop3A_292 = arith.divsi %parallel_loop3A_290, %parallel_loop3A_291 : i32
      %parallel_loop3A_293 = arith.constant 0 : i32
      %parallel_loop3A_294 = arith.cmpi sgt, %parallel_loop3A_290, %parallel_loop3A_293 : i32
      %parallel_loop3A_295 = arith.extui %parallel_loop3A_294 : i1 to i32
      %parallel_loop3A_296 = arith.constant 0 : i32
      %parallel_loop3A_297 = arith.cmpi slt, %parallel_loop3A_290, %parallel_loop3A_296 : i32
      %parallel_loop3A_298 = arith.extui %parallel_loop3A_297 : i1 to i32
      %parallel_loop3A_299 = arith.subi %parallel_loop3A_295, %parallel_loop3A_298 : i32
      %parallel_loop3A_300 = arith.constant 0 : i32
      %parallel_loop3A_301 = arith.cmpi sgt, %parallel_loop3A_291, %parallel_loop3A_300 : i32
      %parallel_loop3A_302 = arith.extui %parallel_loop3A_301 : i1 to i32
      %parallel_loop3A_303 = arith.constant 0 : i32
      %parallel_loop3A_304 = arith.cmpi slt, %parallel_loop3A_291, %parallel_loop3A_303 : i32
      %parallel_loop3A_305 = arith.extui %parallel_loop3A_304 : i1 to i32
      %parallel_loop3A_306 = arith.subi %parallel_loop3A_302, %parallel_loop3A_305 : i32
      %parallel_loop3A_307 = arith.cmpi ne, %parallel_loop3A_299, %parallel_loop3A_306 : i32
      %parallel_loop3A_308 = arith.remsi %parallel_loop3A_290, %parallel_loop3A_291 : i32
      %parallel_loop3A_309 = arith.constant 0 : i32
      %parallel_loop3A_310 = arith.cmpi ne, %parallel_loop3A_308, %parallel_loop3A_309 : i32
      %parallel_loop3A_311 = arith.andi %parallel_loop3A_307, %parallel_loop3A_310 : i1
      %parallel_loop3A_312 = arith.constant 1 : i32
      %parallel_loop3A_313 = arith.subi %parallel_loop3A_292, %parallel_loop3A_312 : i32
      %parallel_loop3A_314 = arith.select %parallel_loop3A_311, %parallel_loop3A_313, %parallel_loop3A_292 : i32
      %parallel_loop3A_315 = arith.constant 32 : i32
      %parallel_loop3A_316 = arith.constant 0 : i32
      %parallel_loop3A_317 = arith.cmpi eq, %parallel_loop3A_315, %parallel_loop3A_316 : i32
      %parallel_loop3A_318 = arith.constant 1 : i32
      %parallel_loop3A_319 = arith.select %parallel_loop3A_317, %parallel_loop3A_318, %parallel_loop3A_315 : i32
      %parallel_loop3A_320 = arith.remsi %parallel_loop3A_290, %parallel_loop3A_319 : i32
      %parallel_loop3A_321 = arith.constant 0 : i32
      %parallel_loop3A_322 = arith.cmpi ne, %parallel_loop3A_320, %parallel_loop3A_321 : i32
      %parallel_loop3A_323 = arith.constant 0 : i32
      %parallel_loop3A_324 = arith.cmpi slt, %parallel_loop3A_320, %parallel_loop3A_323 : i32
      %parallel_loop3A_325 = arith.constant 0 : i32
      %parallel_loop3A_326 = arith.cmpi slt, %parallel_loop3A_319, %parallel_loop3A_325 : i32
      %parallel_loop3A_327 = arith.xori %parallel_loop3A_324, %parallel_loop3A_326 : i1
      %parallel_loop3A_328 = arith.andi %parallel_loop3A_327, %parallel_loop3A_322 : i1
      %parallel_loop3A_329 = arith.addi %parallel_loop3A_320, %parallel_loop3A_319 : i32
      %parallel_loop3A_330 = arith.select %parallel_loop3A_328, %parallel_loop3A_329, %parallel_loop3A_320 : i32
      %parallel_loop3A_331 = arith.constant 16 : i32
      %parallel_loop3A_332 = arith.muli %parallel_loop3A_330, %parallel_loop3A_331 : i32
      %parallel_loop3A_333 = arith.index_cast %parallel_loop3A_314 : i32 to index
      %parallel_loop3A_334 = arith.index_cast %parallel_loop3A_332 : i32 to index
      %parallel_loop3A_335 = tpu.vector_load %arg5[%parallel_loop3A_333, %parallel_loop3A_334] {strides = array<i32>} : memref<32x512xf32, #tpu.memory_space<vmem>>, vector<16xf32>,
      %parallel_loop3A_336 = arith.index_cast %parallel_loop3A_314 : i32 to index
      %parallel_loop3A_337 = arith.index_cast %parallel_loop3A_332 : i32 to index
      %parallel_loop3A_338 = tpu.vector_load %arg8[%parallel_loop3A_336, %parallel_loop3A_337] {strides = array<i32>} : memref<32x512xi32, #tpu.memory_space<vmem>>, vector<16xi32>,
      %parallel_loop3A_339 = arith.constant -9.99899959 : f32
      %parallel_loop3A_340 = vector.broadcast %parallel_loop3A_339 : f32 to vector<16xf32>
      %parallel_loop3A_341 = arith.maximumf %parallel_loop3A_335, %parallel_loop3A_340 : vector<16xf32>
      %parallel_loop3A_342 = arith.constant 9.99899959 : f32
      %parallel_loop3A_343 = vector.broadcast %parallel_loop3A_342 : f32 to vector<16xf32>
      %parallel_loop3A_344 = arith.minimumf %parallel_loop3A_341, %parallel_loop3A_343 : vector<16xf32>
      %parallel_loop3A_345 = arith.constant 4.096000e+02 : f32
      %parallel_loop3A_346 = vector.broadcast %parallel_loop3A_345 : f32 to vector<16xf32>
      %parallel_loop3A_347 = arith.mulf %parallel_loop3A_344, %parallel_loop3A_346 : vector<16xf32>
      %parallel_loop3A_348 = arith.constant 4.096000e+03 : f32
      %parallel_loop3A_349 = vector.broadcast %parallel_loop3A_348 : f32 to vector<16xf32>
      %parallel_loop3A_350 = arith.addf %parallel_loop3A_347, %parallel_loop3A_349 : vector<16xf32>
      %parallel_loop3A_351 = arith.constant 1.228800e+04 : f32
      %parallel_loop3A_352 = vector.broadcast %parallel_loop3A_351 : f32 to vector<16xf32>
      %parallel_loop3A_353 = arith.subf %parallel_loop3A_352, %parallel_loop3A_347 : vector<16xf32>
      %parallel_loop3A_354 = arith.constant 0 : i32
      %parallel_loop3A_355 = vector.broadcast %parallel_loop3A_354 : i32 to vector<16xi32>
      %parallel_loop3A_356 = arith.cmpi ne, %parallel_loop3A_338, %parallel_loop3A_355 : vector<16xi32>
      %parallel_loop3A_357 = arith.select %parallel_loop3A_356, %parallel_loop3A_353, %parallel_loop3A_350 : vector<16xi1>, vector<16xf32>
      %parallel_loop3A_358 = arith.fptosi %parallel_loop3A_357 : vector<16xf32> to vector<16xi32>
      tpu.vector_store_idx %arg11[%parallel_loop3A_358], %broadcast_in_dim3A_35 {add = true} : memref<16384xf32, #tpu.memory_space<vmem>>[vector<16xi32>], vector<16xf32>,
    } {sc.loop_unroll_factor = 16 : i64, sc.parallel_access}
    %add3A_190 = arith.constant 192 : i32
    %add3A_191 = arith.addi %mul3A_32, %add3A_190 : i32
    %dma_start3A_192 = arith.constant 0 : i32
    %dma_start3A_193 = tpu.memref_slice %arg2[%select_n3A, %add3A_191, %dma_start3A_192] : memref<16x512x512xf32, #tpu.memory_space<hbm>> -> memref<1x32x512xf32, #tpu.memory_space<hbm>>
    %dma_start3A_194 = tpu.memref_squeeze %dma_start3A_193 : memref<1x32x512xf32, #tpu.memory_space<hbm>> -> memref<32x512xf32, #tpu.memory_space<hbm>>
    %dma_start3A_195 = arith.constant 0 : i32
    %dma_start3A_196 = tpu.memref_slice %arg2[%select_n3A, %add3A_191, %dma_start3A_195] : memref<16x512x512xf32, #tpu.memory_space<hbm>> -> memref<1x32x512xf32, #tpu.memory_space<hbm>>
    %dma_start3A_197 = tpu.memref_squeeze %dma_start3A_196 : memref<1x32x512xf32, #tpu.memory_space<hbm>> -> memref<32x512xf32, #tpu.memory_space<hbm>>
    tpu.enqueue_dma source(%dma_start3A_197 : memref<32x512xf32, #tpu.memory_space<hbm>>) target(%arg5 : memref<32x512xf32, #tpu.memory_space<vmem>>) target_semaphore(%arg12 : memref<!tpu.dma_semaphore, #tpu.memory_space<semaphore_mem>>)
    %dma_start3A_198 = arith.constant 0 : i32
    %dma_start3A_199 = tpu.memref_slice %arg3[%select_n3A, %add3A_191, %dma_start3A_198] : memref<16x512x512xi32, #tpu.memory_space<hbm>> -> memref<1x32x512xi32, #tpu.memory_space<hbm>>
    %dma_start3A_200 = tpu.memref_squeeze %dma_start3A_199 : memref<1x32x512xi32, #tpu.memory_space<hbm>> -> memref<32x512xi32, #tpu.memory_space<hbm>>
    %dma_start3A_201 = arith.constant 0 : i32
    %dma_start3A_202 = tpu.memref_slice %arg3[%select_n3A, %add3A_191, %dma_start3A_201] : memref<16x512x512xi32, #tpu.memory_space<hbm>> -> memref<1x32x512xi32, #tpu.memory_space<hbm>>
    %dma_start3A_203 = tpu.memref_squeeze %dma_start3A_202 : memref<1x32x512xi32, #tpu.memory_space<hbm>> -> memref<32x512xi32, #tpu.memory_space<hbm>>
    tpu.enqueue_dma source(%dma_start3A_203 : memref<32x512xi32, #tpu.memory_space<hbm>>) target(%arg8 : memref<32x512xi32, #tpu.memory_space<vmem>>) target_semaphore(%arg12 : memref<!tpu.dma_semaphore, #tpu.memory_space<semaphore_mem>>)
    %add3A_204 = arith.constant 128 : i32
    %add3A_205 = arith.addi %mul3A_32, %add3A_204 : i32
    %dma_wait3A_206 = arith.constant 0 : i32
    %dma_wait3A_207 = tpu.memref_slice %arg2[%select_n3A, %add3A_205, %dma_wait3A_206] : memref<16x512x512xf32, #tpu.memory_space<hbm>> -> memref<1x32x512xf32, #tpu.memory_space<hbm>>
    %dma_wait3A_208 = tpu.memref_squeeze %dma_wait3A_207 : memref<1x32x512xf32, #tpu.memory_space<hbm>> -> memref<32x512xf32, #tpu.memory_space<hbm>>
    %dma_wait3A_209 = arith.constant 0 : i32
    %dma_wait3A_210 = tpu.memref_slice %arg2[%select_n3A, %add3A_205, %dma_wait3A_209] : memref<16x512x512xf32, #tpu.memory_space<hbm>> -> memref<1x32x512xf32, #tpu.memory_space<hbm>>
    %dma_wait3A_211 = tpu.memref_squeeze %dma_wait3A_210 : memref<1x32x512xf32, #tpu.memory_space<hbm>> -> memref<32x512xf32, #tpu.memory_space<hbm>>
    tpu.wait_dma2 semaphore(%arg13 : memref<!tpu.dma_semaphore, #tpu.memory_space<semaphore_mem>>) src(%dma_wait3A_211 : memref<32x512xf32, #tpu.memory_space<hbm>>) dst(%arg6 : memref<32x512xf32, #tpu.memory_space<vmem>>)
    %dma_wait3A_212 = arith.constant 0 : i32
    %dma_wait3A_213 = tpu.memref_slice %arg3[%select_n3A, %add3A_205, %dma_wait3A_212] : memref<16x512x512xi32, #tpu.memory_space<hbm>> -> memref<1x32x512xi32, #tpu.memory_space<hbm>>
    %dma_wait3A_214 = tpu.memref_squeeze %dma_wait3A_213 : memref<1x32x512xi32, #tpu.memory_space<hbm>> -> memref<32x512xi32, #tpu.memory_space<hbm>>
    %dma_wait3A_215 = arith.constant 0 : i32
    %dma_wait3A_216 = tpu.memref_slice %arg3[%select_n3A, %add3A_205, %dma_wait3A_215] : memref<16x512x512xi32, #tpu.memory_space<hbm>> -> memref<1x32x512xi32, #tpu.memory_space<hbm>>
    %dma_wait3A_217 = tpu.memref_squeeze %dma_wait3A_216 : memref<1x32x512xi32, #tpu.memory_space<hbm>> -> memref<32x512xi32, #tpu.memory_space<hbm>>
    tpu.wait_dma2 semaphore(%arg13 : memref<!tpu.dma_semaphore, #tpu.memory_space<semaphore_mem>>) src(%dma_wait3A_217 : memref<32x512xi32, #tpu.memory_space<hbm>>) dst(%arg9 : memref<32x512xi32, #tpu.memory_space<vmem>>)
    %parallel_loop3A_218 = arith.constant 0 : i32
    %parallel_loop3A_219 = arith.constant 1024 : i32
    %parallel_loop3A_220 = arith.constant 1 : i32
    scf.for %parallel_loop3A_290 = %parallel_loop3A_218 to %parallel_loop3A_219 step %parallel_loop3A_220  : i32 {
      %parallel_loop3A_291 = arith.constant 32 : i32
      %parallel_loop3A_292 = arith.divsi %parallel_loop3A_290, %parallel_loop3A_291 : i32
      %parallel_loop3A_293 = arith.constant 0 : i32
      %parallel_loop3A_294 = arith.cmpi sgt, %parallel_loop3A_290, %parallel_loop3A_293 : i32
      %parallel_loop3A_295 = arith.extui %parallel_loop3A_294 : i1 to i32
      %parallel_loop3A_296 = arith.constant 0 : i32
      %parallel_loop3A_297 = arith.cmpi slt, %parallel_loop3A_290, %parallel_loop3A_296 : i32
      %parallel_loop3A_298 = arith.extui %parallel_loop3A_297 : i1 to i32
      %parallel_loop3A_299 = arith.subi %parallel_loop3A_295, %parallel_loop3A_298 : i32
      %parallel_loop3A_300 = arith.constant 0 : i32
      %parallel_loop3A_301 = arith.cmpi sgt, %parallel_loop3A_291, %parallel_loop3A_300 : i32
      %parallel_loop3A_302 = arith.extui %parallel_loop3A_301 : i1 to i32
      %parallel_loop3A_303 = arith.constant 0 : i32
      %parallel_loop3A_304 = arith.cmpi slt, %parallel_loop3A_291, %parallel_loop3A_303 : i32
      %parallel_loop3A_305 = arith.extui %parallel_loop3A_304 : i1 to i32
      %parallel_loop3A_306 = arith.subi %parallel_loop3A_302, %parallel_loop3A_305 : i32
      %parallel_loop3A_307 = arith.cmpi ne, %parallel_loop3A_299, %parallel_loop3A_306 : i32
      %parallel_loop3A_308 = arith.remsi %parallel_loop3A_290, %parallel_loop3A_291 : i32
      %parallel_loop3A_309 = arith.constant 0 : i32
      %parallel_loop3A_310 = arith.cmpi ne, %parallel_loop3A_308, %parallel_loop3A_309 : i32
      %parallel_loop3A_311 = arith.andi %parallel_loop3A_307, %parallel_loop3A_310 : i1
      %parallel_loop3A_312 = arith.constant 1 : i32
      %parallel_loop3A_313 = arith.subi %parallel_loop3A_292, %parallel_loop3A_312 : i32
      %parallel_loop3A_314 = arith.select %parallel_loop3A_311, %parallel_loop3A_313, %parallel_loop3A_292 : i32
      %parallel_loop3A_315 = arith.constant 32 : i32
      %parallel_loop3A_316 = arith.constant 0 : i32
      %parallel_loop3A_317 = arith.cmpi eq, %parallel_loop3A_315, %parallel_loop3A_316 : i32
      %parallel_loop3A_318 = arith.constant 1 : i32
      %parallel_loop3A_319 = arith.select %parallel_loop3A_317, %parallel_loop3A_318, %parallel_loop3A_315 : i32
      %parallel_loop3A_320 = arith.remsi %parallel_loop3A_290, %parallel_loop3A_319 : i32
      %parallel_loop3A_321 = arith.constant 0 : i32
      %parallel_loop3A_322 = arith.cmpi ne, %parallel_loop3A_320, %parallel_loop3A_321 : i32
      %parallel_loop3A_323 = arith.constant 0 : i32
      %parallel_loop3A_324 = arith.cmpi slt, %parallel_loop3A_320, %parallel_loop3A_323 : i32
      %parallel_loop3A_325 = arith.constant 0 : i32
      %parallel_loop3A_326 = arith.cmpi slt, %parallel_loop3A_319, %parallel_loop3A_325 : i32
      %parallel_loop3A_327 = arith.xori %parallel_loop3A_324, %parallel_loop3A_326 : i1
      %parallel_loop3A_328 = arith.andi %parallel_loop3A_327, %parallel_loop3A_322 : i1
      %parallel_loop3A_329 = arith.addi %parallel_loop3A_320, %parallel_loop3A_319 : i32
      %parallel_loop3A_330 = arith.select %parallel_loop3A_328, %parallel_loop3A_329, %parallel_loop3A_320 : i32
      %parallel_loop3A_331 = arith.constant 16 : i32
      %parallel_loop3A_332 = arith.muli %parallel_loop3A_330, %parallel_loop3A_331 : i32
      %parallel_loop3A_333 = arith.index_cast %parallel_loop3A_314 : i32 to index
      %parallel_loop3A_334 = arith.index_cast %parallel_loop3A_332 : i32 to index
      %parallel_loop3A_335 = tpu.vector_load %arg6[%parallel_loop3A_333, %parallel_loop3A_334] {strides = array<i32>} : memref<32x512xf32, #tpu.memory_space<vmem>>, vector<16xf32>,
      %parallel_loop3A_336 = arith.index_cast %parallel_loop3A_314 : i32 to index
      %parallel_loop3A_337 = arith.index_cast %parallel_loop3A_332 : i32 to index
      %parallel_loop3A_338 = tpu.vector_load %arg9[%parallel_loop3A_336, %parallel_loop3A_337] {strides = array<i32>} : memref<32x512xi32, #tpu.memory_space<vmem>>, vector<16xi32>,
      %parallel_loop3A_339 = arith.constant -9.99899959 : f32
      %parallel_loop3A_340 = vector.broadcast %parallel_loop3A_339 : f32 to vector<16xf32>
      %parallel_loop3A_341 = arith.maximumf %parallel_loop3A_335, %parallel_loop3A_340 : vector<16xf32>
      %parallel_loop3A_342 = arith.constant 9.99899959 : f32
      %parallel_loop3A_343 = vector.broadcast %parallel_loop3A_342 : f32 to vector<16xf32>
      %parallel_loop3A_344 = arith.minimumf %parallel_loop3A_341, %parallel_loop3A_343 : vector<16xf32>
      %parallel_loop3A_345 = arith.constant 4.096000e+02 : f32
      %parallel_loop3A_346 = vector.broadcast %parallel_loop3A_345 : f32 to vector<16xf32>
      %parallel_loop3A_347 = arith.mulf %parallel_loop3A_344, %parallel_loop3A_346 : vector<16xf32>
      %parallel_loop3A_348 = arith.constant 4.096000e+03 : f32
      %parallel_loop3A_349 = vector.broadcast %parallel_loop3A_348 : f32 to vector<16xf32>
      %parallel_loop3A_350 = arith.addf %parallel_loop3A_347, %parallel_loop3A_349 : vector<16xf32>
      %parallel_loop3A_351 = arith.constant 1.228800e+04 : f32
      %parallel_loop3A_352 = vector.broadcast %parallel_loop3A_351 : f32 to vector<16xf32>
      %parallel_loop3A_353 = arith.subf %parallel_loop3A_352, %parallel_loop3A_347 : vector<16xf32>
      %parallel_loop3A_354 = arith.constant 0 : i32
      %parallel_loop3A_355 = vector.broadcast %parallel_loop3A_354 : i32 to vector<16xi32>
      %parallel_loop3A_356 = arith.cmpi ne, %parallel_loop3A_338, %parallel_loop3A_355 : vector<16xi32>
      %parallel_loop3A_357 = arith.select %parallel_loop3A_356, %parallel_loop3A_353, %parallel_loop3A_350 : vector<16xi1>, vector<16xf32>
      %parallel_loop3A_358 = arith.fptosi %parallel_loop3A_357 : vector<16xf32> to vector<16xi32>
      tpu.vector_store_idx %arg11[%parallel_loop3A_358], %broadcast_in_dim3A_35 {add = true} : memref<16384xf32, #tpu.memory_space<vmem>>[vector<16xi32>], vector<16xf32>,
    } {sc.loop_unroll_factor = 16 : i64, sc.parallel_access}
    %add3A_221 = arith.constant 224 : i32
    %add3A_222 = arith.addi %mul3A_32, %add3A_221 : i32
    %dma_start3A_223 = arith.constant 0 : i32
    %dma_start3A_224 = tpu.memref_slice %arg2[%select_n3A, %add3A_222, %dma_start3A_223] : memref<16x512x512xf32, #tpu.memory_space<hbm>> -> memref<1x32x512xf32, #tpu.memory_space<hbm>>
    %dma_start3A_225 = tpu.memref_squeeze %dma_start3A_224 : memref<1x32x512xf32, #tpu.memory_space<hbm>> -> memref<32x512xf32, #tpu.memory_space<hbm>>
    %dma_start3A_226 = arith.constant 0 : i32
    %dma_start3A_227 = tpu.memref_slice %arg2[%select_n3A, %add3A_222, %dma_start3A_226] : memref<16x512x512xf32, #tpu.memory_space<hbm>> -> memref<1x32x512xf32, #tpu.memory_space<hbm>>
    %dma_start3A_228 = tpu.memref_squeeze %dma_start3A_227 : memref<1x32x512xf32, #tpu.memory_space<hbm>> -> memref<32x512xf32, #tpu.memory_space<hbm>>
    tpu.enqueue_dma source(%dma_start3A_228 : memref<32x512xf32, #tpu.memory_space<hbm>>) target(%arg6 : memref<32x512xf32, #tpu.memory_space<vmem>>) target_semaphore(%arg13 : memref<!tpu.dma_semaphore, #tpu.memory_space<semaphore_mem>>)
    %dma_start3A_229 = arith.constant 0 : i32
    %dma_start3A_230 = tpu.memref_slice %arg3[%select_n3A, %add3A_222, %dma_start3A_229] : memref<16x512x512xi32, #tpu.memory_space<hbm>> -> memref<1x32x512xi32, #tpu.memory_space<hbm>>
    %dma_start3A_231 = tpu.memref_squeeze %dma_start3A_230 : memref<1x32x512xi32, #tpu.memory_space<hbm>> -> memref<32x512xi32, #tpu.memory_space<hbm>>
    %dma_start3A_232 = arith.constant 0 : i32
    %dma_start3A_233 = tpu.memref_slice %arg3[%select_n3A, %add3A_222, %dma_start3A_232] : memref<16x512x512xi32, #tpu.memory_space<hbm>> -> memref<1x32x512xi32, #tpu.memory_space<hbm>>
    %dma_start3A_234 = tpu.memref_squeeze %dma_start3A_233 : memref<1x32x512xi32, #tpu.memory_space<hbm>> -> memref<32x512xi32, #tpu.memory_space<hbm>>
    tpu.enqueue_dma source(%dma_start3A_234 : memref<32x512xi32, #tpu.memory_space<hbm>>) target(%arg9 : memref<32x512xi32, #tpu.memory_space<vmem>>) target_semaphore(%arg13 : memref<!tpu.dma_semaphore, #tpu.memory_space<semaphore_mem>>)
    %add3A_235 = arith.constant 160 : i32
    %add3A_236 = arith.addi %mul3A_32, %add3A_235 : i32
    %dma_wait3A_237 = arith.constant 0 : i32
    %dma_wait3A_238 = tpu.memref_slice %arg2[%select_n3A, %add3A_236, %dma_wait3A_237] : memref<16x512x512xf32, #tpu.memory_space<hbm>> -> memref<1x32x512xf32, #tpu.memory_space<hbm>>
    %dma_wait3A_239 = tpu.memref_squeeze %dma_wait3A_238 : memref<1x32x512xf32, #tpu.memory_space<hbm>> -> memref<32x512xf32, #tpu.memory_space<hbm>>
    %dma_wait3A_240 = arith.constant 0 : i32
    %dma_wait3A_241 = tpu.memref_slice %arg2[%select_n3A, %add3A_236, %dma_wait3A_240] : memref<16x512x512xf32, #tpu.memory_space<hbm>> -> memref<1x32x512xf32, #tpu.memory_space<hbm>>
    %dma_wait3A_242 = tpu.memref_squeeze %dma_wait3A_241 : memref<1x32x512xf32, #tpu.memory_space<hbm>> -> memref<32x512xf32, #tpu.memory_space<hbm>>
    tpu.wait_dma2 semaphore(%arg14 : memref<!tpu.dma_semaphore, #tpu.memory_space<semaphore_mem>>) src(%dma_wait3A_242 : memref<32x512xf32, #tpu.memory_space<hbm>>) dst(%arg7 : memref<32x512xf32, #tpu.memory_space<vmem>>)
    %dma_wait3A_243 = arith.constant 0 : i32
    %dma_wait3A_244 = tpu.memref_slice %arg3[%select_n3A, %add3A_236, %dma_wait3A_243] : memref<16x512x512xi32, #tpu.memory_space<hbm>> -> memref<1x32x512xi32, #tpu.memory_space<hbm>>
    %dma_wait3A_245 = tpu.memref_squeeze %dma_wait3A_244 : memref<1x32x512xi32, #tpu.memory_space<hbm>> -> memref<32x512xi32, #tpu.memory_space<hbm>>
    %dma_wait3A_246 = arith.constant 0 : i32
    %dma_wait3A_247 = tpu.memref_slice %arg3[%select_n3A, %add3A_236, %dma_wait3A_246] : memref<16x512x512xi32, #tpu.memory_space<hbm>> -> memref<1x32x512xi32, #tpu.memory_space<hbm>>
    %dma_wait3A_248 = tpu.memref_squeeze %dma_wait3A_247 : memref<1x32x512xi32, #tpu.memory_space<hbm>> -> memref<32x512xi32, #tpu.memory_space<hbm>>
    tpu.wait_dma2 semaphore(%arg14 : memref<!tpu.dma_semaphore, #tpu.memory_space<semaphore_mem>>) src(%dma_wait3A_248 : memref<32x512xi32, #tpu.memory_space<hbm>>) dst(%arg10 : memref<32x512xi32, #tpu.memory_space<vmem>>)
    %parallel_loop3A_249 = arith.constant 0 : i32
    %parallel_loop3A_250 = arith.constant 1024 : i32
    %parallel_loop3A_251 = arith.constant 1 : i32
    scf.for %parallel_loop3A_290 = %parallel_loop3A_249 to %parallel_loop3A_250 step %parallel_loop3A_251  : i32 {
      %parallel_loop3A_291 = arith.constant 32 : i32
      %parallel_loop3A_292 = arith.divsi %parallel_loop3A_290, %parallel_loop3A_291 : i32
      %parallel_loop3A_293 = arith.constant 0 : i32
      %parallel_loop3A_294 = arith.cmpi sgt, %parallel_loop3A_290, %parallel_loop3A_293 : i32
      %parallel_loop3A_295 = arith.extui %parallel_loop3A_294 : i1 to i32
      %parallel_loop3A_296 = arith.constant 0 : i32
      %parallel_loop3A_297 = arith.cmpi slt, %parallel_loop3A_290, %parallel_loop3A_296 : i32
      %parallel_loop3A_298 = arith.extui %parallel_loop3A_297 : i1 to i32
      %parallel_loop3A_299 = arith.subi %parallel_loop3A_295, %parallel_loop3A_298 : i32
      %parallel_loop3A_300 = arith.constant 0 : i32
      %parallel_loop3A_301 = arith.cmpi sgt, %parallel_loop3A_291, %parallel_loop3A_300 : i32
      %parallel_loop3A_302 = arith.extui %parallel_loop3A_301 : i1 to i32
      %parallel_loop3A_303 = arith.constant 0 : i32
      %parallel_loop3A_304 = arith.cmpi slt, %parallel_loop3A_291, %parallel_loop3A_303 : i32
      %parallel_loop3A_305 = arith.extui %parallel_loop3A_304 : i1 to i32
      %parallel_loop3A_306 = arith.subi %parallel_loop3A_302, %parallel_loop3A_305 : i32
      %parallel_loop3A_307 = arith.cmpi ne, %parallel_loop3A_299, %parallel_loop3A_306 : i32
      %parallel_loop3A_308 = arith.remsi %parallel_loop3A_290, %parallel_loop3A_291 : i32
      %parallel_loop3A_309 = arith.constant 0 : i32
      %parallel_loop3A_310 = arith.cmpi ne, %parallel_loop3A_308, %parallel_loop3A_309 : i32
      %parallel_loop3A_311 = arith.andi %parallel_loop3A_307, %parallel_loop3A_310 : i1
      %parallel_loop3A_312 = arith.constant 1 : i32
      %parallel_loop3A_313 = arith.subi %parallel_loop3A_292, %parallel_loop3A_312 : i32
      %parallel_loop3A_314 = arith.select %parallel_loop3A_311, %parallel_loop3A_313, %parallel_loop3A_292 : i32
      %parallel_loop3A_315 = arith.constant 32 : i32
      %parallel_loop3A_316 = arith.constant 0 : i32
      %parallel_loop3A_317 = arith.cmpi eq, %parallel_loop3A_315, %parallel_loop3A_316 : i32
      %parallel_loop3A_318 = arith.constant 1 : i32
      %parallel_loop3A_319 = arith.select %parallel_loop3A_317, %parallel_loop3A_318, %parallel_loop3A_315 : i32
      %parallel_loop3A_320 = arith.remsi %parallel_loop3A_290, %parallel_loop3A_319 : i32
      %parallel_loop3A_321 = arith.constant 0 : i32
      %parallel_loop3A_322 = arith.cmpi ne, %parallel_loop3A_320, %parallel_loop3A_321 : i32
      %parallel_loop3A_323 = arith.constant 0 : i32
      %parallel_loop3A_324 = arith.cmpi slt, %parallel_loop3A_320, %parallel_loop3A_323 : i32
      %parallel_loop3A_325 = arith.constant 0 : i32
      %parallel_loop3A_326 = arith.cmpi slt, %parallel_loop3A_319, %parallel_loop3A_325 : i32
      %parallel_loop3A_327 = arith.xori %parallel_loop3A_324, %parallel_loop3A_326 : i1
      %parallel_loop3A_328 = arith.andi %parallel_loop3A_327, %parallel_loop3A_322 : i1
      %parallel_loop3A_329 = arith.addi %parallel_loop3A_320, %parallel_loop3A_319 : i32
      %parallel_loop3A_330 = arith.select %parallel_loop3A_328, %parallel_loop3A_329, %parallel_loop3A_320 : i32
      %parallel_loop3A_331 = arith.constant 16 : i32
      %parallel_loop3A_332 = arith.muli %parallel_loop3A_330, %parallel_loop3A_331 : i32
      %parallel_loop3A_333 = arith.index_cast %parallel_loop3A_314 : i32 to index
      %parallel_loop3A_334 = arith.index_cast %parallel_loop3A_332 : i32 to index
      %parallel_loop3A_335 = tpu.vector_load %arg7[%parallel_loop3A_333, %parallel_loop3A_334] {strides = array<i32>} : memref<32x512xf32, #tpu.memory_space<vmem>>, vector<16xf32>,
      %parallel_loop3A_336 = arith.index_cast %parallel_loop3A_314 : i32 to index
      %parallel_loop3A_337 = arith.index_cast %parallel_loop3A_332 : i32 to index
      %parallel_loop3A_338 = tpu.vector_load %arg10[%parallel_loop3A_336, %parallel_loop3A_337] {strides = array<i32>} : memref<32x512xi32, #tpu.memory_space<vmem>>, vector<16xi32>,
      %parallel_loop3A_339 = arith.constant -9.99899959 : f32
      %parallel_loop3A_340 = vector.broadcast %parallel_loop3A_339 : f32 to vector<16xf32>
      %parallel_loop3A_341 = arith.maximumf %parallel_loop3A_335, %parallel_loop3A_340 : vector<16xf32>
      %parallel_loop3A_342 = arith.constant 9.99899959 : f32
      %parallel_loop3A_343 = vector.broadcast %parallel_loop3A_342 : f32 to vector<16xf32>
      %parallel_loop3A_344 = arith.minimumf %parallel_loop3A_341, %parallel_loop3A_343 : vector<16xf32>
      %parallel_loop3A_345 = arith.constant 4.096000e+02 : f32
      %parallel_loop3A_346 = vector.broadcast %parallel_loop3A_345 : f32 to vector<16xf32>
      %parallel_loop3A_347 = arith.mulf %parallel_loop3A_344, %parallel_loop3A_346 : vector<16xf32>
      %parallel_loop3A_348 = arith.constant 4.096000e+03 : f32
      %parallel_loop3A_349 = vector.broadcast %parallel_loop3A_348 : f32 to vector<16xf32>
      %parallel_loop3A_350 = arith.addf %parallel_loop3A_347, %parallel_loop3A_349 : vector<16xf32>
      %parallel_loop3A_351 = arith.constant 1.228800e+04 : f32
      %parallel_loop3A_352 = vector.broadcast %parallel_loop3A_351 : f32 to vector<16xf32>
      %parallel_loop3A_353 = arith.subf %parallel_loop3A_352, %parallel_loop3A_347 : vector<16xf32>
      %parallel_loop3A_354 = arith.constant 0 : i32
      %parallel_loop3A_355 = vector.broadcast %parallel_loop3A_354 : i32 to vector<16xi32>
      %parallel_loop3A_356 = arith.cmpi ne, %parallel_loop3A_338, %parallel_loop3A_355 : vector<16xi32>
      %parallel_loop3A_357 = arith.select %parallel_loop3A_356, %parallel_loop3A_353, %parallel_loop3A_350 : vector<16xi1>, vector<16xf32>
      %parallel_loop3A_358 = arith.fptosi %parallel_loop3A_357 : vector<16xf32> to vector<16xi32>
      tpu.vector_store_idx %arg11[%parallel_loop3A_358], %broadcast_in_dim3A_35 {add = true} : memref<16384xf32, #tpu.memory_space<vmem>>[vector<16xi32>], vector<16xf32>,
    } {sc.loop_unroll_factor = 16 : i64, sc.parallel_access}
    %add3A_252 = arith.constant 192 : i32
    %add3A_253 = arith.addi %mul3A_32, %add3A_252 : i32
    %dma_wait3A_254 = arith.constant 0 : i32
    %dma_wait3A_255 = tpu.memref_slice %arg2[%select_n3A, %add3A_253, %dma_wait3A_254] : memref<16x512x512xf32, #tpu.memory_space<hbm>> -> memref<1x32x512xf32, #tpu.memory_space<hbm>>
    %dma_wait3A_256 = tpu.memref_squeeze %dma_wait3A_255 : memref<1x32x512xf32, #tpu.memory_space<hbm>> -> memref<32x512xf32, #tpu.memory_space<hbm>>
    %dma_wait3A_257 = arith.constant 0 : i32
    %dma_wait3A_258 = tpu.memref_slice %arg2[%select_n3A, %add3A_253, %dma_wait3A_257] : memref<16x512x512xf32, #tpu.memory_space<hbm>> -> memref<1x32x512xf32, #tpu.memory_space<hbm>>
    %dma_wait3A_259 = tpu.memref_squeeze %dma_wait3A_258 : memref<1x32x512xf32, #tpu.memory_space<hbm>> -> memref<32x512xf32, #tpu.memory_space<hbm>>
    tpu.wait_dma2 semaphore(%arg12 : memref<!tpu.dma_semaphore, #tpu.memory_space<semaphore_mem>>) src(%dma_wait3A_259 : memref<32x512xf32, #tpu.memory_space<hbm>>) dst(%arg5 : memref<32x512xf32, #tpu.memory_space<vmem>>)
    %dma_wait3A_260 = arith.constant 0 : i32
    %dma_wait3A_261 = tpu.memref_slice %arg3[%select_n3A, %add3A_253, %dma_wait3A_260] : memref<16x512x512xi32, #tpu.memory_space<hbm>> -> memref<1x32x512xi32, #tpu.memory_space<hbm>>
    %dma_wait3A_262 = tpu.memref_squeeze %dma_wait3A_261 : memref<1x32x512xi32, #tpu.memory_space<hbm>> -> memref<32x512xi32, #tpu.memory_space<hbm>>
    %dma_wait3A_263 = arith.constant 0 : i32
    %dma_wait3A_264 = tpu.memref_slice %arg3[%select_n3A, %add3A_253, %dma_wait3A_263] : memref<16x512x512xi32, #tpu.memory_space<hbm>> -> memref<1x32x512xi32, #tpu.memory_space<hbm>>
    %dma_wait3A_265 = tpu.memref_squeeze %dma_wait3A_264 : memref<1x32x512xi32, #tpu.memory_space<hbm>> -> memref<32x512xi32, #tpu.memory_space<hbm>>
    tpu.wait_dma2 semaphore(%arg12 : memref<!tpu.dma_semaphore, #tpu.memory_space<semaphore_mem>>) src(%dma_wait3A_265 : memref<32x512xi32, #tpu.memory_space<hbm>>) dst(%arg8 : memref<32x512xi32, #tpu.memory_space<vmem>>)
    %parallel_loop3A_266 = arith.constant 0 : i32
    %parallel_loop3A_267 = arith.constant 1024 : i32
    %parallel_loop3A_268 = arith.constant 1 : i32
    scf.for %parallel_loop3A_290 = %parallel_loop3A_266 to %parallel_loop3A_267 step %parallel_loop3A_268  : i32 {
      %parallel_loop3A_291 = arith.constant 32 : i32
      %parallel_loop3A_292 = arith.divsi %parallel_loop3A_290, %parallel_loop3A_291 : i32
      %parallel_loop3A_293 = arith.constant 0 : i32
      %parallel_loop3A_294 = arith.cmpi sgt, %parallel_loop3A_290, %parallel_loop3A_293 : i32
      %parallel_loop3A_295 = arith.extui %parallel_loop3A_294 : i1 to i32
      %parallel_loop3A_296 = arith.constant 0 : i32
      %parallel_loop3A_297 = arith.cmpi slt, %parallel_loop3A_290, %parallel_loop3A_296 : i32
      %parallel_loop3A_298 = arith.extui %parallel_loop3A_297 : i1 to i32
      %parallel_loop3A_299 = arith.subi %parallel_loop3A_295, %parallel_loop3A_298 : i32
      %parallel_loop3A_300 = arith.constant 0 : i32
      %parallel_loop3A_301 = arith.cmpi sgt, %parallel_loop3A_291, %parallel_loop3A_300 : i32
      %parallel_loop3A_302 = arith.extui %parallel_loop3A_301 : i1 to i32
      %parallel_loop3A_303 = arith.constant 0 : i32
      %parallel_loop3A_304 = arith.cmpi slt, %parallel_loop3A_291, %parallel_loop3A_303 : i32
      %parallel_loop3A_305 = arith.extui %parallel_loop3A_304 : i1 to i32
      %parallel_loop3A_306 = arith.subi %parallel_loop3A_302, %parallel_loop3A_305 : i32
      %parallel_loop3A_307 = arith.cmpi ne, %parallel_loop3A_299, %parallel_loop3A_306 : i32
      %parallel_loop3A_308 = arith.remsi %parallel_loop3A_290, %parallel_loop3A_291 : i32
      %parallel_loop3A_309 = arith.constant 0 : i32
      %parallel_loop3A_310 = arith.cmpi ne, %parallel_loop3A_308, %parallel_loop3A_309 : i32
      %parallel_loop3A_311 = arith.andi %parallel_loop3A_307, %parallel_loop3A_310 : i1
      %parallel_loop3A_312 = arith.constant 1 : i32
      %parallel_loop3A_313 = arith.subi %parallel_loop3A_292, %parallel_loop3A_312 : i32
      %parallel_loop3A_314 = arith.select %parallel_loop3A_311, %parallel_loop3A_313, %parallel_loop3A_292 : i32
      %parallel_loop3A_315 = arith.constant 32 : i32
      %parallel_loop3A_316 = arith.constant 0 : i32
      %parallel_loop3A_317 = arith.cmpi eq, %parallel_loop3A_315, %parallel_loop3A_316 : i32
      %parallel_loop3A_318 = arith.constant 1 : i32
      %parallel_loop3A_319 = arith.select %parallel_loop3A_317, %parallel_loop3A_318, %parallel_loop3A_315 : i32
      %parallel_loop3A_320 = arith.remsi %parallel_loop3A_290, %parallel_loop3A_319 : i32
      %parallel_loop3A_321 = arith.constant 0 : i32
      %parallel_loop3A_322 = arith.cmpi ne, %parallel_loop3A_320, %parallel_loop3A_321 : i32
      %parallel_loop3A_323 = arith.constant 0 : i32
      %parallel_loop3A_324 = arith.cmpi slt, %parallel_loop3A_320, %parallel_loop3A_323 : i32
      %parallel_loop3A_325 = arith.constant 0 : i32
      %parallel_loop3A_326 = arith.cmpi slt, %parallel_loop3A_319, %parallel_loop3A_325 : i32
      %parallel_loop3A_327 = arith.xori %parallel_loop3A_324, %parallel_loop3A_326 : i1
      %parallel_loop3A_328 = arith.andi %parallel_loop3A_327, %parallel_loop3A_322 : i1
      %parallel_loop3A_329 = arith.addi %parallel_loop3A_320, %parallel_loop3A_319 : i32
      %parallel_loop3A_330 = arith.select %parallel_loop3A_328, %parallel_loop3A_329, %parallel_loop3A_320 : i32
      %parallel_loop3A_331 = arith.constant 16 : i32
      %parallel_loop3A_332 = arith.muli %parallel_loop3A_330, %parallel_loop3A_331 : i32
      %parallel_loop3A_333 = arith.index_cast %parallel_loop3A_314 : i32 to index
      %parallel_loop3A_334 = arith.index_cast %parallel_loop3A_332 : i32 to index
      %parallel_loop3A_335 = tpu.vector_load %arg5[%parallel_loop3A_333, %parallel_loop3A_334] {strides = array<i32>} : memref<32x512xf32, #tpu.memory_space<vmem>>, vector<16xf32>,
      %parallel_loop3A_336 = arith.index_cast %parallel_loop3A_314 : i32 to index
      %parallel_loop3A_337 = arith.index_cast %parallel_loop3A_332 : i32 to index
      %parallel_loop3A_338 = tpu.vector_load %arg8[%parallel_loop3A_336, %parallel_loop3A_337] {strides = array<i32>} : memref<32x512xi32, #tpu.memory_space<vmem>>, vector<16xi32>,
      %parallel_loop3A_339 = arith.constant -9.99899959 : f32
      %parallel_loop3A_340 = vector.broadcast %parallel_loop3A_339 : f32 to vector<16xf32>
      %parallel_loop3A_341 = arith.maximumf %parallel_loop3A_335, %parallel_loop3A_340 : vector<16xf32>
      %parallel_loop3A_342 = arith.constant 9.99899959 : f32
      %parallel_loop3A_343 = vector.broadcast %parallel_loop3A_342 : f32 to vector<16xf32>
      %parallel_loop3A_344 = arith.minimumf %parallel_loop3A_341, %parallel_loop3A_343 : vector<16xf32>
      %parallel_loop3A_345 = arith.constant 4.096000e+02 : f32
      %parallel_loop3A_346 = vector.broadcast %parallel_loop3A_345 : f32 to vector<16xf32>
      %parallel_loop3A_347 = arith.mulf %parallel_loop3A_344, %parallel_loop3A_346 : vector<16xf32>
      %parallel_loop3A_348 = arith.constant 4.096000e+03 : f32
      %parallel_loop3A_349 = vector.broadcast %parallel_loop3A_348 : f32 to vector<16xf32>
      %parallel_loop3A_350 = arith.addf %parallel_loop3A_347, %parallel_loop3A_349 : vector<16xf32>
      %parallel_loop3A_351 = arith.constant 1.228800e+04 : f32
      %parallel_loop3A_352 = vector.broadcast %parallel_loop3A_351 : f32 to vector<16xf32>
      %parallel_loop3A_353 = arith.subf %parallel_loop3A_352, %parallel_loop3A_347 : vector<16xf32>
      %parallel_loop3A_354 = arith.constant 0 : i32
      %parallel_loop3A_355 = vector.broadcast %parallel_loop3A_354 : i32 to vector<16xi32>
      %parallel_loop3A_356 = arith.cmpi ne, %parallel_loop3A_338, %parallel_loop3A_355 : vector<16xi32>
      %parallel_loop3A_357 = arith.select %parallel_loop3A_356, %parallel_loop3A_353, %parallel_loop3A_350 : vector<16xi1>, vector<16xf32>
      %parallel_loop3A_358 = arith.fptosi %parallel_loop3A_357 : vector<16xf32> to vector<16xi32>
      tpu.vector_store_idx %arg11[%parallel_loop3A_358], %broadcast_in_dim3A_35 {add = true} : memref<16384xf32, #tpu.memory_space<vmem>>[vector<16xi32>], vector<16xf32>,
    } {sc.loop_unroll_factor = 16 : i64, sc.parallel_access}
    %add3A_269 = arith.constant 224 : i32
    %add3A_270 = arith.addi %mul3A_32, %add3A_269 : i32
    %dma_wait3A_271 = arith.constant 0 : i32
    %dma_wait3A_272 = tpu.memref_slice %arg2[%select_n3A, %add3A_270, %dma_wait3A_271] : memref<16x512x512xf32, #tpu.memory_space<hbm>> -> memref<1x32x512xf32, #tpu.memory_space<hbm>>
    %dma_wait3A_273 = tpu.memref_squeeze %dma_wait3A_272 : memref<1x32x512xf32, #tpu.memory_space<hbm>> -> memref<32x512xf32, #tpu.memory_space<hbm>>
    %dma_wait3A_274 = arith.constant 0 : i32
    %dma_wait3A_275 = tpu.memref_slice %arg2[%select_n3A, %add3A_270, %dma_wait3A_274] : memref<16x512x512xf32, #tpu.memory_space<hbm>> -> memref<1x32x512xf32, #tpu.memory_space<hbm>>
    %dma_wait3A_276 = tpu.memref_squeeze %dma_wait3A_275 : memref<1x32x512xf32, #tpu.memory_space<hbm>> -> memref<32x512xf32, #tpu.memory_space<hbm>>
    tpu.wait_dma2 semaphore(%arg13 : memref<!tpu.dma_semaphore, #tpu.memory_space<semaphore_mem>>) src(%dma_wait3A_276 : memref<32x512xf32, #tpu.memory_space<hbm>>) dst(%arg6 : memref<32x512xf32, #tpu.memory_space<vmem>>)
    %dma_wait3A_277 = arith.constant 0 : i32
    %dma_wait3A_278 = tpu.memref_slice %arg3[%select_n3A, %add3A_270, %dma_wait3A_277] : memref<16x512x512xi32, #tpu.memory_space<hbm>> -> memref<1x32x512xi32, #tpu.memory_space<hbm>>
    %dma_wait3A_279 = tpu.memref_squeeze %dma_wait3A_278 : memref<1x32x512xi32, #tpu.memory_space<hbm>> -> memref<32x512xi32, #tpu.memory_space<hbm>>
    %dma_wait3A_280 = arith.constant 0 : i32
    %dma_wait3A_281 = tpu.memref_slice %arg3[%select_n3A, %add3A_270, %dma_wait3A_280] : memref<16x512x512xi32, #tpu.memory_space<hbm>> -> memref<1x32x512xi32, #tpu.memory_space<hbm>>
    %dma_wait3A_282 = tpu.memref_squeeze %dma_wait3A_281 : memref<1x32x512xi32, #tpu.memory_space<hbm>> -> memref<32x512xi32, #tpu.memory_space<hbm>>
    tpu.wait_dma2 semaphore(%arg13 : memref<!tpu.dma_semaphore, #tpu.memory_space<semaphore_mem>>) src(%dma_wait3A_282 : memref<32x512xi32, #tpu.memory_space<hbm>>) dst(%arg9 : memref<32x512xi32, #tpu.memory_space<vmem>>)
    %parallel_loop3A_283 = arith.constant 0 : i32
    %parallel_loop3A_284 = arith.constant 1024 : i32
    %parallel_loop3A_285 = arith.constant 1 : i32
    scf.for %parallel_loop3A_290 = %parallel_loop3A_283 to %parallel_loop3A_284 step %parallel_loop3A_285  : i32 {
      %parallel_loop3A_291 = arith.constant 32 : i32
      %parallel_loop3A_292 = arith.divsi %parallel_loop3A_290, %parallel_loop3A_291 : i32
      %parallel_loop3A_293 = arith.constant 0 : i32
      %parallel_loop3A_294 = arith.cmpi sgt, %parallel_loop3A_290, %parallel_loop3A_293 : i32
      %parallel_loop3A_295 = arith.extui %parallel_loop3A_294 : i1 to i32
      %parallel_loop3A_296 = arith.constant 0 : i32
      %parallel_loop3A_297 = arith.cmpi slt, %parallel_loop3A_290, %parallel_loop3A_296 : i32
      %parallel_loop3A_298 = arith.extui %parallel_loop3A_297 : i1 to i32
      %parallel_loop3A_299 = arith.subi %parallel_loop3A_295, %parallel_loop3A_298 : i32
      %parallel_loop3A_300 = arith.constant 0 : i32
      %parallel_loop3A_301 = arith.cmpi sgt, %parallel_loop3A_291, %parallel_loop3A_300 : i32
      %parallel_loop3A_302 = arith.extui %parallel_loop3A_301 : i1 to i32
      %parallel_loop3A_303 = arith.constant 0 : i32
      %parallel_loop3A_304 = arith.cmpi slt, %parallel_loop3A_291, %parallel_loop3A_303 : i32
      %parallel_loop3A_305 = arith.extui %parallel_loop3A_304 : i1 to i32
      %parallel_loop3A_306 = arith.subi %parallel_loop3A_302, %parallel_loop3A_305 : i32
      %parallel_loop3A_307 = arith.cmpi ne, %parallel_loop3A_299, %parallel_loop3A_306 : i32
      %parallel_loop3A_308 = arith.remsi %parallel_loop3A_290, %parallel_loop3A_291 : i32
      %parallel_loop3A_309 = arith.constant 0 : i32
      %parallel_loop3A_310 = arith.cmpi ne, %parallel_loop3A_308, %parallel_loop3A_309 : i32
      %parallel_loop3A_311 = arith.andi %parallel_loop3A_307, %parallel_loop3A_310 : i1
      %parallel_loop3A_312 = arith.constant 1 : i32
      %parallel_loop3A_313 = arith.subi %parallel_loop3A_292, %parallel_loop3A_312 : i32
      %parallel_loop3A_314 = arith.select %parallel_loop3A_311, %parallel_loop3A_313, %parallel_loop3A_292 : i32
      %parallel_loop3A_315 = arith.constant 32 : i32
      %parallel_loop3A_316 = arith.constant 0 : i32
      %parallel_loop3A_317 = arith.cmpi eq, %parallel_loop3A_315, %parallel_loop3A_316 : i32
      %parallel_loop3A_318 = arith.constant 1 : i32
      %parallel_loop3A_319 = arith.select %parallel_loop3A_317, %parallel_loop3A_318, %parallel_loop3A_315 : i32
      %parallel_loop3A_320 = arith.remsi %parallel_loop3A_290, %parallel_loop3A_319 : i32
      %parallel_loop3A_321 = arith.constant 0 : i32
      %parallel_loop3A_322 = arith.cmpi ne, %parallel_loop3A_320, %parallel_loop3A_321 : i32
      %parallel_loop3A_323 = arith.constant 0 : i32
      %parallel_loop3A_324 = arith.cmpi slt, %parallel_loop3A_320, %parallel_loop3A_323 : i32
      %parallel_loop3A_325 = arith.constant 0 : i32
      %parallel_loop3A_326 = arith.cmpi slt, %parallel_loop3A_319, %parallel_loop3A_325 : i32
      %parallel_loop3A_327 = arith.xori %parallel_loop3A_324, %parallel_loop3A_326 : i1
      %parallel_loop3A_328 = arith.andi %parallel_loop3A_327, %parallel_loop3A_322 : i1
      %parallel_loop3A_329 = arith.addi %parallel_loop3A_320, %parallel_loop3A_319 : i32
      %parallel_loop3A_330 = arith.select %parallel_loop3A_328, %parallel_loop3A_329, %parallel_loop3A_320 : i32
      %parallel_loop3A_331 = arith.constant 16 : i32
      %parallel_loop3A_332 = arith.muli %parallel_loop3A_330, %parallel_loop3A_331 : i32
      %parallel_loop3A_333 = arith.index_cast %parallel_loop3A_314 : i32 to index
      %parallel_loop3A_334 = arith.index_cast %parallel_loop3A_332 : i32 to index
      %parallel_loop3A_335 = tpu.vector_load %arg6[%parallel_loop3A_333, %parallel_loop3A_334] {strides = array<i32>} : memref<32x512xf32, #tpu.memory_space<vmem>>, vector<16xf32>,
      %parallel_loop3A_336 = arith.index_cast %parallel_loop3A_314 : i32 to index
      %parallel_loop3A_337 = arith.index_cast %parallel_loop3A_332 : i32 to index
      %parallel_loop3A_338 = tpu.vector_load %arg9[%parallel_loop3A_336, %parallel_loop3A_337] {strides = array<i32>} : memref<32x512xi32, #tpu.memory_space<vmem>>, vector<16xi32>,
      %parallel_loop3A_339 = arith.constant -9.99899959 : f32
      %parallel_loop3A_340 = vector.broadcast %parallel_loop3A_339 : f32 to vector<16xf32>
      %parallel_loop3A_341 = arith.maximumf %parallel_loop3A_335, %parallel_loop3A_340 : vector<16xf32>
      %parallel_loop3A_342 = arith.constant 9.99899959 : f32
      %parallel_loop3A_343 = vector.broadcast %parallel_loop3A_342 : f32 to vector<16xf32>
      %parallel_loop3A_344 = arith.minimumf %parallel_loop3A_341, %parallel_loop3A_343 : vector<16xf32>
      %parallel_loop3A_345 = arith.constant 4.096000e+02 : f32
      %parallel_loop3A_346 = vector.broadcast %parallel_loop3A_345 : f32 to vector<16xf32>
      %parallel_loop3A_347 = arith.mulf %parallel_loop3A_344, %parallel_loop3A_346 : vector<16xf32>
      %parallel_loop3A_348 = arith.constant 4.096000e+03 : f32
      %parallel_loop3A_349 = vector.broadcast %parallel_loop3A_348 : f32 to vector<16xf32>
      %parallel_loop3A_350 = arith.addf %parallel_loop3A_347, %parallel_loop3A_349 : vector<16xf32>
      %parallel_loop3A_351 = arith.constant 1.228800e+04 : f32
      %parallel_loop3A_352 = vector.broadcast %parallel_loop3A_351 : f32 to vector<16xf32>
      %parallel_loop3A_353 = arith.subf %parallel_loop3A_352, %parallel_loop3A_347 : vector<16xf32>
      %parallel_loop3A_354 = arith.constant 0 : i32
      %parallel_loop3A_355 = vector.broadcast %parallel_loop3A_354 : i32 to vector<16xi32>
      %parallel_loop3A_356 = arith.cmpi ne, %parallel_loop3A_338, %parallel_loop3A_355 : vector<16xi32>
      %parallel_loop3A_357 = arith.select %parallel_loop3A_356, %parallel_loop3A_353, %parallel_loop3A_350 : vector<16xi1>, vector<16xf32>
      %parallel_loop3A_358 = arith.fptosi %parallel_loop3A_357 : vector<16xf32> to vector<16xi32>
      tpu.vector_store_idx %arg11[%parallel_loop3A_358], %broadcast_in_dim3A_35 {add = true} : memref<16384xf32, #tpu.memory_space<vmem>>[vector<16xi32>], vector<16xf32>,
    } {sc.loop_unroll_factor = 16 : i64, sc.parallel_access}
    %mul3A_286 = arith.constant 2 : i32
    %mul3A_287 = arith.muli %add3A, %mul3A_286 : i32
    %mul3A_288 = arith.constant 8192 : i32
    %mul3A_289 = arith.muli %mul3A_287, %mul3A_288 : i32
    "tpu.region"() ({
      %run_scoped3A = tpu.sem_alloc : memref<!tpu.dma_semaphore, #tpu.memory_space<semaphore_mem>>
      %dma_start3A_290 = tpu.memref_slice %arg4[%mul3A_289] : memref<524288xf32, #tpu.memory_space<hbm>> -> memref<16384xf32, #tpu.memory_space<hbm>>
      %dma_start3A_291 = tpu.memref_slice %arg4[%mul3A_289] : memref<524288xf32, #tpu.memory_space<hbm>> -> memref<16384xf32, #tpu.memory_space<hbm>>
      tpu.enqueue_dma source(%arg11 : memref<16384xf32, #tpu.memory_space<vmem>>) target(%dma_start3A_291 : memref<16384xf32, #tpu.memory_space<hbm>>) target_semaphore(%run_scoped3A : memref<!tpu.dma_semaphore, #tpu.memory_space<semaphore_mem>>)
      %dma_wait3A_292 = tpu.memref_slice %arg4[%mul3A_289] : memref<524288xf32, #tpu.memory_space<hbm>> -> memref<16384xf32, #tpu.memory_space<hbm>>
      %dma_wait3A_293 = tpu.memref_slice %arg4[%mul3A_289] : memref<524288xf32, #tpu.memory_space<hbm>> -> memref<16384xf32, #tpu.memory_space<hbm>>
      tpu.wait_dma2 semaphore(%run_scoped3A : memref<!tpu.dma_semaphore, #tpu.memory_space<semaphore_mem>>) src(%arg11 : memref<16384xf32, #tpu.memory_space<vmem>>) dst(%dma_wait3A_293 : memref<16384xf32, #tpu.memory_space<hbm>>)
      tpu.yield
    }) : () -> ()
    return
  }
}

module attributes {stable_mosaic.version = 14 : i64} {
  func.func @_tc_finish_body(%arg0: memref<32x2x64x128xf32, #tpu.memory_space<vmem>>, %arg1: memref<1x1xf32, #tpu.memory_space<vmem>>) attributes {dimension_semantics = [], scalar_prefetch = 0 : i64, scratch_operands = 0 : i64, tpu.core_type = #tpu.core_type<tc>} {
    %get3A = arith.constant 0 : index
    %get3A_0 = arith.constant 0 : index
    %get3A_1 = arith.constant 0 : index
    %get3A_2 = arith.constant 0 : index
    %get3A_3 = vector.load %arg0[%get3A, %get3A_0, %get3A_1, %get3A_2] : memref<32x2x64x128xf32, #tpu.memory_space<vmem>>, vector<32x2x64x128xf32>
    %reduce_sum3A = arith.constant dense<0.000000e+00> : vector<2x64x128xf32>
    %reduce_sum3A_4 = vector.multi_reduction <add>, %get3A_3, %reduce_sum3A [0] : vector<32x2x64x128xf32> to vector<2x64x128xf32>
    %slice3A = vector.extract_strided_slice %reduce_sum3A_4 {offsets = [1, 0, 0], sizes = [1, 64, 128], strides = [1, 1, 1]} : vector<2x64x128xf32> to vector<1x64x128xf32>
    %squeeze3A = vector.shape_cast %slice3A : vector<1x64x128xf32> to vector<64x128xf32>
    %slice3A_5 = vector.extract_strided_slice %reduce_sum3A_4 {offsets = [0, 0, 0], sizes = [1, 64, 128], strides = [1, 1, 1]} : vector<2x64x128xf32> to vector<1x64x128xf32>
    %squeeze3A_6 = vector.shape_cast %slice3A_5 : vector<1x64x128xf32> to vector<64x128xf32>
    %add3A = arith.addf %squeeze3A_6, %squeeze3A : vector<64x128xf32>
    %iota3A = tpu.iota {dimensions = array<i32: 0>} : vector<128x128xi32>
    %iota3A_7 = tpu.iota {dimensions = array<i32: 1>} : vector<128x128xi32>
    %ge3A = arith.cmpi sge, %iota3A, %iota3A_7 : vector<128x128xi32>
    %convert_element_type3A = arith.extui %ge3A : vector<128x128xi1> to vector<128x128xi32>
    %convert_element_type3A_8 = arith.sitofp %convert_element_type3A : vector<128x128xi32> to vector<128x128xf32>
    %iota3A_9 = tpu.iota {dimensions = array<i32: 1>} : vector<64x64xi32>
    %iota3A_10 = tpu.iota {dimensions = array<i32: 0>} : vector<64x64xi32>
    %gt3A = arith.cmpi sgt, %iota3A_9, %iota3A_10 : vector<64x64xi32>
    %convert_element_type3A_11 = arith.extui %gt3A : vector<64x64xi1> to vector<64x64xi32>
    %convert_element_type3A_12 = arith.sitofp %convert_element_type3A_11 : vector<64x64xi32> to vector<64x64xf32>
    %dot_general3A = arith.constant dense<0.000000e+00> : vector<64x128xf32>
    %dot_general3A_13 = tpu.matmul %add3A, %convert_element_type3A_8, %dot_general3A {dimension_numbers = #tpu.dot_dimension_numbers<[1], [0], [0], [1], [0, 0, 1, 1], [], []>, precision = #tpu.contract_precision<fp32>, transpose_lhs_hint = false} : vector<64x128xf32>, vector<128x128xf32>, vector<64x128xf32> -> vector<64x128xf32>
    %reduce_sum3A_14 = arith.constant dense<0.000000e+00> : vector<64xf32>
    %reduce_sum3A_15 = vector.multi_reduction <add>, %add3A, %reduce_sum3A_14 [1] : vector<64x128xf32> to vector<64xf32>
    %broadcast_in_dim3A = vector.shape_cast %reduce_sum3A_15 : vector<64xf32> to vector<64x1xf32>
    %dot_general3A_16 = arith.constant dense<0.000000e+00> : vector<64x1xf32>
    %dot_general3A_17 = tpu.matmul %convert_element_type3A_12, %broadcast_in_dim3A, %dot_general3A_16 {dimension_numbers = #tpu.dot_dimension_numbers<[1], [0], [0], [1], [0, 0, 1, 1], [], []>, precision = #tpu.contract_precision<fp32>, transpose_lhs_hint = false} : vector<64x64xf32>, vector<64x1xf32>, vector<64x1xf32> -> vector<64x1xf32>
    %add3A_18 = vector.broadcast %dot_general3A_17 : vector<64x1xf32> to vector<64x128xf32>
    %add3A_19 = arith.addf %dot_general3A_13, %add3A_18 : vector<64x128xf32>
    %dot_general3A_20 = arith.constant dense<0.000000e+00> : vector<64x128xf32>
    %dot_general3A_21 = tpu.matmul %squeeze3A, %convert_element_type3A_8, %dot_general3A_20 {dimension_numbers = #tpu.dot_dimension_numbers<[1], [0], [0], [1], [0, 0, 1, 1], [], []>, precision = #tpu.contract_precision<fp32>, transpose_lhs_hint = false} : vector<64x128xf32>, vector<128x128xf32>, vector<64x128xf32> -> vector<64x128xf32>
    %reduce_sum3A_22 = arith.constant dense<0.000000e+00> : vector<64xf32>
    %reduce_sum3A_23 = vector.multi_reduction <add>, %squeeze3A, %reduce_sum3A_22 [1] : vector<64x128xf32> to vector<64xf32>
    %broadcast_in_dim3A_24 = vector.shape_cast %reduce_sum3A_23 : vector<64xf32> to vector<64x1xf32>
    %dot_general3A_25 = arith.constant dense<0.000000e+00> : vector<64x1xf32>
    %dot_general3A_26 = tpu.matmul %convert_element_type3A_12, %broadcast_in_dim3A_24, %dot_general3A_25 {dimension_numbers = #tpu.dot_dimension_numbers<[1], [0], [0], [1], [0, 0, 1, 1], [], []>, precision = #tpu.contract_precision<fp32>, transpose_lhs_hint = false} : vector<64x64xf32>, vector<64x1xf32>, vector<64x1xf32> -> vector<64x1xf32>
    %add3A_27 = vector.broadcast %dot_general3A_26 : vector<64x1xf32> to vector<64x128xf32>
    %add3A_28 = arith.addf %dot_general3A_21, %add3A_27 : vector<64x128xf32>
    %reduce_sum3A_29 = vector.shape_cast %squeeze3A : vector<64x128xf32> to vector<1x64x128xf32>
    %reduce_sum3A_30 = arith.constant dense<0.000000e+00> : vector<1xf32>
    %reduce_sum3A_31 = vector.multi_reduction <add>, %reduce_sum3A_29, %reduce_sum3A_30 [1, 2] : vector<1x64x128xf32> to vector<1xf32>
    %reduce_sum3A_32 = vector.shape_cast %reduce_sum3A_31 : vector<1xf32> to vector<1x1x1xf32>
    %reduce_sum3A_33 = vector.extract %reduce_sum3A_32[0, 0, 0] : f32 from vector<1x1x1xf32>
    %add3A_34 = vector.broadcast %reduce_sum3A_33 : f32 to vector<64x128xf32>
    %add3A_35 = arith.addf %add3A_34, %add3A_19 : vector<64x128xf32>
    %sub3A = arith.subf %add3A_35, %add3A_28 : vector<64x128xf32>
    %gt3A_36 = arith.constant 0.000000e+00 : f32
    %gt3A_37 = vector.broadcast %gt3A_36 : f32 to vector<64x128xf32>
    %gt3A_38 = arith.cmpf ogt, %sub3A, %gt3A_37 : vector<64x128xf32>
    %jit3A = arith.constant 1.000000e+00 : f32
    %broadcast_in_dim3A_39 = vector.broadcast %jit3A : f32 to vector<64x128xf32>
    %select_n3A = arith.select %gt3A_38, %sub3A, %broadcast_in_dim3A_39 : vector<64x128xi1>, vector<64x128xf32>
    %gt3A_40 = arith.constant 0.000000e+00 : f32
    %gt3A_41 = vector.broadcast %gt3A_40 : f32 to vector<64x128xf32>
    %gt3A_42 = arith.cmpf ogt, %sub3A, %gt3A_41 : vector<64x128xf32>
    %sub3A_43 = vector.broadcast %reduce_sum3A_33 : f32 to vector<64x128xf32>
    %sub3A_44 = arith.subf %sub3A_43, %add3A_28 : vector<64x128xf32>
    %div3A = arith.divf %sub3A_44, %select_n3A : vector<64x128xf32>
    %sub3A_45 = arith.constant 1.000000e+00 : f32
    %sub3A_46 = vector.broadcast %sub3A_45 : f32 to vector<64x128xf32>
    %sub3A_47 = arith.subf %sub3A_46, %div3A : vector<64x128xf32>
    %jit3A_48 = arith.constant 0.000000e+00 : f32
    %broadcast_in_dim3A_49 = vector.broadcast %jit3A_48 : f32 to vector<64x128xf32>
    %select_n3A_50 = arith.select %gt3A_42, %sub3A_47, %broadcast_in_dim3A_49 : vector<64x128xi1>, vector<64x128xf32>
    %sub3A_51 = arith.subf %add3A_19, %add3A : vector<64x128xf32>
    %sub3A_52 = arith.subf %add3A_28, %squeeze3A : vector<64x128xf32>
    %add3A_53 = vector.broadcast %reduce_sum3A_33 : f32 to vector<64x128xf32>
    %add3A_54 = arith.addf %add3A_53, %sub3A_51 : vector<64x128xf32>
    %sub3A_55 = arith.subf %add3A_54, %sub3A_52 : vector<64x128xf32>
    %gt3A_56 = arith.constant 0.000000e+00 : f32
    %gt3A_57 = vector.broadcast %gt3A_56 : f32 to vector<64x128xf32>
    %gt3A_58 = arith.cmpf ogt, %sub3A_55, %gt3A_57 : vector<64x128xf32>
    %jit3A_59 = arith.constant 1.000000e+00 : f32
    %broadcast_in_dim3A_60 = vector.broadcast %jit3A_59 : f32 to vector<64x128xf32>
    %select_n3A_61 = arith.select %gt3A_58, %sub3A_55, %broadcast_in_dim3A_60 : vector<64x128xi1>, vector<64x128xf32>
    %gt3A_62 = arith.constant 0.000000e+00 : f32
    %gt3A_63 = vector.broadcast %gt3A_62 : f32 to vector<64x128xf32>
    %gt3A_64 = arith.cmpf ogt, %sub3A_55, %gt3A_63 : vector<64x128xf32>
    %sub3A_65 = vector.broadcast %reduce_sum3A_33 : f32 to vector<64x128xf32>
    %sub3A_66 = arith.subf %sub3A_65, %sub3A_52 : vector<64x128xf32>
    %div3A_67 = arith.divf %sub3A_66, %select_n3A_61 : vector<64x128xf32>
    %sub3A_68 = arith.constant 1.000000e+00 : f32
    %sub3A_69 = vector.broadcast %sub3A_68 : f32 to vector<64x128xf32>
    %sub3A_70 = arith.subf %sub3A_69, %div3A_67 : vector<64x128xf32>
    %jit3A_71 = arith.constant 0.000000e+00 : f32
    %broadcast_in_dim3A_72 = vector.broadcast %jit3A_71 : f32 to vector<64x128xf32>
    %select_n3A_73 = arith.select %gt3A_64, %sub3A_70, %broadcast_in_dim3A_72 : vector<64x128xi1>, vector<64x128xf32>
    %sub3A_74 = arith.subf %select_n3A_50, %select_n3A_73 : vector<64x128xf32>
    %iota3A_75 = tpu.iota {dimensions = array<i32: 0>} : vector<64x128xi32>
    %mul3A = arith.constant 128 : i32
    %mul3A_76 = vector.broadcast %mul3A : i32 to vector<64x128xi32>
    %mul3A_77 = arith.muli %iota3A_75, %mul3A_76 : vector<64x128xi32>
    %iota3A_78 = tpu.iota {dimensions = array<i32: 1>} : vector<64x128xi32>
    %add3A_79 = arith.addi %mul3A_77, %iota3A_78 : vector<64x128xi32>
    %convert_element_type3A_80 = arith.sitofp %add3A_79 : vector<64x128xi32> to vector<64x128xf32>
    %add3A_81 = arith.constant 5.000000e-01 : f32
    %add3A_82 = vector.broadcast %add3A_81 : f32 to vector<64x128xf32>
    %add3A_83 = arith.addf %convert_element_type3A_80, %add3A_82 : vector<64x128xf32>
    %mul3A_84 = arith.constant 0.00244140625 : f32
    %mul3A_85 = vector.broadcast %mul3A_84 : f32 to vector<64x128xf32>
    %mul3A_86 = arith.mulf %add3A_83, %mul3A_85 : vector<64x128xf32>
    %sub3A_87 = arith.constant 1.000000e+01 : f32
    %sub3A_88 = vector.broadcast %sub3A_87 : f32 to vector<64x128xf32>
    %sub3A_89 = arith.subf %mul3A_86, %sub3A_88 : vector<64x128xf32>
    %neg3A = arith.constant 0.000000e+00 : f32
    %neg3A_90 = vector.broadcast %neg3A : f32 to vector<64x128xf32>
    %neg3A_91 = arith.subf %neg3A_90, %sub3A_89 : vector<64x128xf32>
    %exp3A = math.exp %neg3A_91 : vector<64x128xf32>
    %add3A_92 = arith.constant 1.000000e+00 : f32
    %add3A_93 = vector.broadcast %add3A_92 : f32 to vector<64x128xf32>
    %add3A_94 = arith.addf %add3A_93, %exp3A : vector<64x128xf32>
    %div3A_95 = arith.constant 1.000000e+00 : f32
    %div3A_96 = vector.broadcast %div3A_95 : f32 to vector<64x128xf32>
    %div3A_97 = arith.divf %div3A_96, %add3A_94 : vector<64x128xf32>
    %mul3A_98 = arith.mulf %div3A_97, %sub3A_74 : vector<64x128xf32>
    %reduce_sum3A_99 = vector.shape_cast %mul3A_98 : vector<64x128xf32> to vector<1x64x128xf32>
    %reduce_sum3A_100 = arith.constant dense<0.000000e+00> : vector<1xf32>
    %reduce_sum3A_101 = vector.multi_reduction <add>, %reduce_sum3A_99, %reduce_sum3A_100 [1, 2] : vector<1x64x128xf32> to vector<1xf32>
    %reduce_sum3A_102 = vector.shape_cast %reduce_sum3A_101 : vector<1xf32> to vector<1x1x1xf32>
    %reduce_sum3A_103 = vector.extract %reduce_sum3A_102[0, 0, 0] : f32 from vector<1x1x1xf32>
    %reshape3A = vector.broadcast %reduce_sum3A_103 : f32 to vector<1x1xf32>
    %swap3A = arith.constant 0 : index
    %swap3A_104 = arith.constant 0 : index
    %swap3A_105 = vector.load %arg1[%swap3A, %swap3A_104] : memref<1x1xf32, #tpu.memory_space<vmem>>, vector<1x1xf32>
    tpu.vector_store %arg1[%swap3A, %swap3A_104], %reshape3A {strides = array<i32>} : memref<1x1xf32, #tpu.memory_space<vmem>>, vector<1x1xf32>,
    return
  }
}

</mosaic_0001>

<sc_bundles>
// kernel: kernel.4.cloned.1.call-start
scs
__scs_entry_jumppad:
0x0: {  	(pc) =	sbr.rel $0x88, $3  }
0x1: {  	(tag) =	ssettag $0x0;
	lr =	simm.s32 $0x1  }
0x2: {  	[smem:$0x3F9F] =	sst lr;
	_ =	strace $0xD0000000  }
0x3: {  	_ = 	snop  }
0x4: {  	_ = 	snop  }
0x5: {  	_ = 	snop  }
0x6: {  	_ = 	snop  }
0x7: {  	_ = 	snop  }
__scs_overlays_trampoline_lowered:
0x8: {  	[smem:$0x3FAE] =	sst s0  }
0x9: {  	[smem:$0x3FAF] =	sst s1  }
0xa: {  	[smem:$0x3FB0] =	sst s2  }
0xb: {  	[smem:$0x3FB1] =	sst s3  }
0xc: {  	[smem:$0x3FB2] =	sst s4  }
0xd: {  	[smem:$0x3FB3] =	sst s5  }
0xe: {  	[smem:$0x3FB4] =	sst s6  }
0xf: {  	[smem:$0x3FB5] =	sst s7  }
0x10: {  	[smem:$0x3FB6] =	sst s8  }
0x11: {  	[smem:$0x3FB7] =	sst s9;
	s0 =	simm.s32 @!p0 $0x0  }
0x12: {  	s1 =	sld [smem:$0x3F9D];
	s0 =	simm.s32 @p0 $0x1  }
0x13: {  	[smem:$0x3FB8] =	sst s0;
	s0 =	simm.s32 @!p1 $0x0  }
0x14: {  	s2 =	sld [smem:$0x3F9C];
	s0 =	simm.s32 @p1 $0x1  }
0x15: {  	[smem:$0x3FB9] =	sst s0;
	s0 =	simm.s32 @!p2 $0x0  }
0x16: {  	s3 =	sld [smem:$0x3FDB];
	s0 =	simm.s32 @p2 $0x1  }
0x17: {  	s4 =	simm.s32 $0x1BF5;
	[smem:$0x3FBB] =	sst s0  }
0x18: {  	s0 =	sld [smem:$0x3F9E];
	_ =	swait.ge [sflag:s4], $0x0  }
0x19: {  	s7 =	sld [smem:$0x3F9F]  }
0x1a: {  	s8 =	sadd.s32 $0xFFFFE003, lr  }
0x1b: {  	s9 =	sadd.s32 $0xFFFFFEF7, lr;
	s5 =	simm.s32 $0xFFFFFFFF;
	p2 =	slt.u32 s8, $0xFFFFF086  }
0x1c: {  	p1 =	slt.u32 s9, $0xF7A;
	s5 =	simm.s32 @!p2 $0x0  }
0x1d: {  	s5 =	simm.s32 @p1 $0x1;
	p0 =	seq.s32 s7, s2  }
0x1e: {  	s7 =	smul.u32 @!p0 $0xF7A, s2;
	p2 =	seq.s32 @!p0 s5, $0x0  }
0x1f: {  	s9 =	smul.u32 $0xF7A, s1;
	s8 =	simm.s32 @!p0 $0x1BF5;
	p2 =	por !p2, p0  }
0x20: {  	[sflag:s8] =	ssyncset.s32 @!p0 $0xFFFFF086;
	s6 =	sadd.s32 @!p0 s3, s7;
	s7 =	simm.s32 @!p0 $0x108  }
0x21: {  	s3 =	sadd.s32 s3, s9;
	s6 =	sadd.s32 @!p0 $0x88, s6;
	s7 =	simm.s32 @p2 $0x1082  }
0x22: {  	[simem:s7], [sflag:s8] =	dma.local @!p0 [hbm:s6], $0xF7A  }
0x23: {  	s9 =	sor.u32 $0xD0000000, s2;
	s6 =	simm.s32 $0x108;
	_ =	swait.ge @!p0 [sflag:s8], $0x0  }
0x24: {  	s3 =	sadd.s32 $0x88, s3;
	s6 =	simm.s32 @!p1 $0x1082;
	[sflag:s4] =	ssyncset.s32 $0xFFFFF086  }
0x25: {  	[simem:s6], [sflag:s4] =	dma.local [hbm:s3], $0xF7A  }
0x26: {  	[smem:$0x3F9F] =	sst s1;
	(tag) =	ssettag s2;
	_ =	strace s9  }
0x27: {  	s1 =	sld [smem:$0x3FAF]  }
0x28: {  	s2 =	sld [smem:$0x3FB0]  }
0x29: {  	s4 =	sld [smem:$0x3FB2]  }
0x2a: {  	p0 =	seq.s32 s5, $0x0;
	s5 =	sld [smem:$0x3FB3]  }
0x2b: {  	s6 =	sld [smem:$0x3FB4]  }
0x2c: {  	s7 =	sld [smem:$0x3FB5]  }
0x2d: {  	s3 =	simm.s32 $0x108;
	s8 =	sld [smem:$0x3FB6]  }
0x2e: {  	s3 =	simm.s32 @!p0 $0x1082;
	s9 =	sld [smem:$0x3FB7]  }
0x2f: {  	lr =	sadd.s32 s0, s3;
	s0 =	sld [smem:$0x3FAE]  }
0x30: {  	s3 =	sld [smem:$0x3FB1]  }
0x31: {  	[smem:$0x3FBA] =	sst s10  }
0x32: {  	s10 =	sld [smem:$0x3FB8];
	_ =	sdelay $0x3  }
0x33: {  	p0 =	seq.s32 s10, $0x1;
	s10 =	sld [smem:$0x3FBA];
	_ =	sdelay $0x3  }
0x34: {  	[smem:$0x3FBA] =	sst s10  }
0x35: {  	s10 =	sld [smem:$0x3FB9];
	_ =	sdelay $0x3  }
0x36: {  	p1 =	seq.s32 s10, $0x1;
	s10 =	sld [smem:$0x3FBA];
	_ =	sdelay $0x3  }
0x37: {  	[smem:$0x3FBA] =	sst s10  }
0x38: {  	s10 =	sld [smem:$0x3FBB]  }
0x39: {  	_ = 	snop;
	(pc) =	sbr.ind lr, $3  }
0x3a: {  	_ = 	snop  }
0x3b: {  	_ = 	snop  }
0x3c: {  	p2 =	seq.s32 s10, $0x1;
	s10 =	sld [smem:$0x3FBA]  }
0x3d: {  	_ =	shalt  }
0x3e: {  	_ =	shalt  }
0x3f: {  	_ =	shalt  }
0x40: {  	_ =	shalt  }
0x41: {  	_ =	shalt  }
0x42: {  	_ =	shalt  }
0x43: {  	_ =	shalt  }
0x44: {  	_ =	shalt  }
0x45: {  	_ =	shalt  }
0x46: {  	_ =	shalt  }
0x47: {  	_ =	shalt  }
0x48: {  	_ =	shalt  }
0x49: {  	_ =	shalt  }
0x4a: {  	_ =	shalt  }
0x4b: {  	_ =	shalt  }
0x4c: {  	_ =	shalt  }
0x4d: {  	_ =	shalt  }
0x4e: {  	_ =	shalt  }
0x4f: {  	_ =	shalt  }
0x50: {  	_ =	shalt  }
0x51: {  	_ =	shalt  }
0x52: {  	_ =	shalt  }
0x53: {  	_ =	shalt  }
0x54: {  	_ =	shalt  }
0x55: {  	_ =	shalt  }
0x56: {  	_ =	shalt  }
0x57: {  	_ =	shalt  }
0x58: {  	_ =	shalt  }
0x59: {  	_ =	shalt  }
0x5a: {  	_ =	shalt  }
0x5b: {  	_ =	shalt  }
0x5c: {  	_ =	shalt  }
0x5d: {  	_ =	shalt  }
0x5e: {  	_ =	shalt  }
0x5f: {  	_ =	shalt  }
0x60: {  	_ =	shalt  }
0x61: {  	_ =	shalt  }
0x62: {  	_ =	shalt  }
0x63: {  	_ =	shalt  }
0x64: {  	_ =	shalt  }
0x65: {  	_ =	shalt  }
0x66: {  	_ =	shalt  }
0x67: {  	_ =	shalt  }
0x68: {  	_ =	shalt  }
0x69: {  	_ =	shalt  }
0x6a: {  	_ =	shalt  }
0x6b: {  	_ =	shalt  }
0x6c: {  	_ =	shalt  }
0x6d: {  	_ =	shalt  }
0x6e: {  	_ =	shalt  }
0x6f: {  	_ =	shalt  }
0x70: {  	_ =	shalt  }
0x71: {  	_ =	shalt  }
0x72: {  	_ =	shalt  }
0x73: {  	_ =	shalt  }
0x74: {  	_ =	shalt  }
0x75: {  	_ =	shalt  }
0x76: {  	_ =	shalt  }
0x77: {  	_ =	shalt  }
0x78: {  	_ =	shalt  }
0x79: {  	_ =	shalt  }
0x7a: {  	_ =	shalt  }
0x7b: {  	_ =	shalt  }
0x7c: {  	_ =	shalt  }
0x7d: {  	_ =	shalt  }
0x7e: {  	_ =	shalt  }
0x7f: {  	_ =	shalt  }
0x80: {  	_ =	shalt  }
0x81: {  	_ =	shalt  }
0x82: {  	_ =	shalt  }
0x83: {  	_ =	shalt  }
0x84: {  	_ =	shalt  }
0x85: {  	_ =	shalt  }
0x86: {  	_ =	shalt  }
0x87: {  	_ =	shalt  }
.Lfunc_end0:
.L_simem_size_0:
called_computation_lowered:
.L_overlay_start_0:
0x88: {  	s2 =	sld [smem:$0x3FD9]  }
0x89: {  	s3 =	sld [smem:$0x3FFE];
	_ =	sdelay $0x1  }
0x8a: {  	s1 =	srdreg.scid  }
0x8b: {  	s0 =	sand.u32 $0x1, s1  }
0x8c: {  	s17 =	sshll.u32 s0, $0xA;
	s2 =	sadd.s32 s3, s2  }
0x8d: {  	s2 =	sadd.s32 s2, s17  }
0x8e: {  	[smem:$0x3FC6] =	sst s2  }
0x8f: {  	_ = 	snop  }
0x90: {  	s2 =	sld [smem:$0x3FC9]  }
0x91: {  	s18 =	sld [smem:$0x3FC8];
	(tm) =	ssettm $0x1  }
0x92: {  	s4 =	sld [smem:$0x3FFB];
	_ =	sdelay $0x3  }
0x93: {  	_ =	strace s4  }
0x94: {  	s4 =	sld [smem:$0x3FFC];
	_ =	sdelay $0x3  }
0x95: {  	_ =	strace s4  }
0x96: {  	s4 =	sld [smem:$0x3FFD];
	_ =	sdelay $0x3  }
0x97: {  	_ =	strace s4  }
0x98: {  	_ =	strace $0x8FFFFFFF  }
0x99: {  	s19 =	sld [smem:$0x3FDB];
	_ =	sdelay $0x1  }
0x9a: {  	s5 =	simm.s32 $_scs_section_size  }
0x9b: {  	s6 =	simm.s32 $_size__tile_overlayer_lowered;
	s7 =	simm.s32 $_tile_overlayer_lowered  }
0x9c: {  	s22 =	simm.s32 $0x1BFF;
	s21 =	sshll.u32 s7, $0x1;
	s4 =	sadd.s32 s5, s19  }
0x9d: {  	s8 =	simm.s32 $0x0;
	s20 =	sshll.u32 s6, $0x1;
	s6 =	sadd.s32 s21, s4  }
0x9e: {  	[timem:s8], [sflag:s22] =	dma.local [hbm:s6], s20  }
0x9f: {  	_ =	swait.ge [sflag:s22], s20  }
0xa0: {  	s5 =	ssub.s32 $0x0, s20;
	[sflag:s22] =	ssyncset.done $0x0  }
0xa1: {  	[sflag:s22] =	ssyncadd.s32 s5;
	_ =	sdelay $0x1  }
0xa2: {  	s23 =	simm.s32 $0x1B8B  }
0xa3: {  	_ =	swait.ge [sflag:s23], $0x1  }
0xa4: {  	[sflag:s23] =	ssyncset.done $0x0  }
0xa5: {  	s25 =	simm.s32 $0x1B8E;
	s24 =	sld [smem:$0x3FFE];
	[sflag:s23] =	ssyncadd.s32 $0xFFFFFFFF  }
0xa6: {  	s26 =	simm.s32 $execute0_lowered;
	[smem:$0x3FD2] =	sst s25  }
0xa7: {  	s6 =	sshll.u32 s26, $0x1;
	_ =	strace $0x80000046;
	[dreg:$0x1] =	wrdreg $0xFFFFFFFF  }
0xa8: {  	s28 =	simm.s32 $_size_execute0_lowered;
	s4 =	sadd.s32 s4, s6;
	[dreg:$0x0] =	wrdreg $0x0  }
0xa9: {  	s6 =	sshll.u32 s28, $0x1;
	[dreg:$0x2] =	wrdreg s4  }
0xaa: {  	[dreg:$0x3] =	wrdreg s6  }
0xab: {  	[dreg:$0x4] =	wrdreg $0xC0  }
0xac: {  	_ =	task [dreg:s8], $0x5FFFF  }
0xad: {  	[dreg:$0x1] =	wrdreg $0xFFFFFFFF  }
0xae: {  	[dreg:$0x0] =	wrdreg $0x60  }
0xaf: {  	[dreg:$0x2] =	wrdreg s2  }
0xb0: {  	[dreg:$0x3] =	wrdreg s18  }
0xb1: {  	[dreg:$0x4] =	wrdreg s24  }
0xb2: {  	[dreg:$0x5] =	wrdreg $0x9  }
0xb3: {  	_ =	task.clear_ibuf [dreg:s8], $0x6FFFF;
	_ =	strace $0x90000046  }
0xb4: {  	s29 =	simm.s32 $0x9;
	_ =	strace $0x80000048  }
0xb5: {  	_ =	swait.ge [sflag:s29], $0x1  }
0xb6: {  	[sflag:s29] =	ssyncadd.s32 $0xFFFFFFFF  }
0xb7: {  	_ =	strace $0x90000048  }
0xb8: {  	_ =	sfence  }
0xb9: {  	s30 =	sld [smem:$0x0];
	_ =	sdelay $0x2  }
0xba: {  	s31 =	sshll.u32 s1, $0xD;
	s1 =	sshrl.u32 s1, $0x2  }
0xbb: {  	s3 =	sand.u32 $0x4000, s31;
	s1 =	sadd.s32 s1, s30  }
0xbc: {  	s0 =	sor.u32 s3, s0;
	s1 =	sshll.u32 s1, $0x11  }
0xbd: {  	s0 =	sor.u32 s1, s0  }
0xbe: {  	s0 =	sadd.s32 $0x8F2B, s0  }
0xbf: {  	[sflag:s0] =	ssyncadd.remote.s32 $0x1  }
0xc0: {  	_ =	sfence.sel $0xFFFF  }
0xc1: {  	[dreg:$0x0] =	wrdreg $0xFFFFFFFF;
	(pc) =	sbr.abs _section_cstart, $3  }
0xc2: {  	[dreg:$0x1] =	wrdreg $0xFFFFFFFF  }
0xc3: {  	_ =	task.clear_ibuf [dreg:s8], $0x2FFFF;
	_ =	strace $0x9FFFFFFF  }
0xc4: {  	(tm) =	ssettm $0x7FFFFFFF  }
0xc5: {  	_ =	shalt  }
tec
execute0_lowered:
.L_overlay_start_1:
0x0: {  	(tag) =	ssettag $0x1  }
0x1: {  	s0 =	srdreg.scid;
	s1 =	rddreg [dreg:$0x0]  }
0x2: {  	s6 =	stileid.u32;
	s19 =	rddreg [dreg:$0x1]  }
0x3: {  	s4 =	rddreg [dreg:$0x2];
	s0 =	sand.u32 $0x1, s0;
	s2 =	sshll.u32 s6, $0x1  }
0x4: {  	s5 =	simm.s32 $0x1;
	s28 =	simm.s32 $0x18000;
	s3 =	sor.u32 s0, s2  }
0x5: {  	s29 =	simm.s32 $0x2;
	p1 =	seq.s32 s0, $0x1;
	p0 =	seq.s32 s3, $0x0  }
0x6: {  	s30 =	simm.s32 $0x3;
	s31 =	simm.s32 $0x4;
	p0 =	por !p0, !p1  }
0x7: {  	s2 =	simm.s32 $0x0;
	s22 =	ssub.s32 $0x2, s0;
	p0 =	por !p0, !p0  }
0x8: {  	s0 =	sshll.u32 s0, $0x11;
	[smem:$0x7FF] =	sst s2;
	s5 =	simm.s32 @!p0 $0x0  }
0x9: {  	s3 =	sshll.u32 s3, $0xB;
	s7 =	sshrl.u32 s22, $0x1;
	s5 =	ssub.s32 s6, s5  }
0xa: {  	_ =	strace $0x80000047;
	s20 =	sadd.s32 s3, s4;
	s5 =	sshll.u32 s5, $0x12  }
0xb: {  	s21 =	ssub.s32 s22, s7;
	s3 =	simm.s32 $0x1;
	s0 =	sor.u32 s0, s5  }
0xc: {  	s22 =	simm.s32 $0xC000;
	s20 =	sadd.s32 $0x600, s20;
	s0 =	sshrl.u32 s0, $0x3  }
0xd: {  	s21 =	smax.u32 s21, $0x1;
	s23 =	sadd.s32 s1, s0;
	s24 =	sor.u32 $0x800, s0  }
0xe: {  	s25 =	sadd.s32 s19, s0;
	s9 =	sor.u32 $0x1000, s0;
	s11 =	sor.u32 $0x1800, s0  }
0xf: {  	s13 =	sor.u32 $0x2000, s0;
	s15 =	sor.u32 $0x2800, s0;
	[dreg:$0x4] =	wrdreg s23  }
0x10: {  	s17 =	sor.u32 $0x3000, s0;
	s0 =	sor.u32 $0x3800, s0;
	[dreg:$0x5] =	wrdreg s25  }
0x11: {  	s26 =	sadd.s32 s1, s24;
	s7 =	sadd.s32 s19, s24;
	s8 =	sadd.s32 s1, s9  }
0x12: {  	s9 =	sadd.s32 s19, s9;
	s10 =	sadd.s32 s1, s11;
	s11 =	sadd.s32 s19, s11  }
0x13: {  	s12 =	sadd.s32 s1, s13;
	s13 =	sadd.s32 s19, s13;
	s14 =	sadd.s32 s1, s15  }
0x14: {  	s15 =	sadd.s32 s19, s15;
	s16 =	sadd.s32 s1, s17;
	s17 =	sadd.s32 s19, s17  }
0x15: {  	s18 =	sadd.s32 s1, s0;
	s19 =	sadd.s32 s19, s0;
	s23 =	simm.s32 $0x4000  }
0x16: {  	v0 =	vimm.f32 $0.0e+00;
	v1 =	vimm.f32 $1.000000000e+00;
	s24 =	simm.s32 $0x10000;
	s1 =	simm.s32 $0x0;
	[dreg:$0x6] =	wrdreg s26  }
.LBB2_1:
0x17: {  	s0 =	rddreg [dreg:$0x4]  }
0x18: {  	[tilespmem:s2], [sflag:$0x1] =	stream.linear.gather [hbm4b:s0+s2], $0x4000, $0x38;
	[tilespmem:$0x1C000] =	vst v63  }
0x19: {  	s25 =	rddreg [dreg:$0x5]  }
0x1a: {  	[tilespmem:s22], [sflag:$0x1] =	stream.linear.gather [hbm4b:s25+s2], $0x4000, $0x38;
	[tilespmem:$0x1C000] =	vst v63  }
0x1b: {  	s26 =	rddreg [dreg:$0x6]  }
0x1c: {  	[tilespmem:s23], [sflag:$0x2] =	stream.linear.gather [hbm4b:s26+s2], $0x4000, $0x38;
	[tilespmem:$0x1C000] =	vst v63  }
0x1d: {  	s0 =	simm.s32 $0x18040  }
0x1e: {  	[tilespmem:s24], [sflag:$0x2] =	stream.linear.gather [hbm4b:s7+s2], $0x4000, $0x38;
	[tilespmem:$0x1C000] =	vst v63  }
0x1f: {  	[tilespmem:s0+$0xFFFFFFC0] =	vst v0  }
0x20: {  	[tilespmem:s0+$0x30] =	vst v0  }
0x21: {  	[tilespmem:s0+$0x20] =	vst v0  }
0x22: {  	[tilespmem:s0+$0x10] =	vst v0  }
0x23: {  	[tilespmem:s0+$0x0] =	vst v0  }
0x24: {  	[tilespmem:s0+$0xFFFFFFF0] =	vst v0  }
0x25: {  	s25 =	simm.s32 $0x0;
	[tilespmem:s0+$0xFFFFFFE0] =	vst v0  }
.LBB2_2:
0x26: {  	s25 =	sadd.s32 $0x8, s25;
	[tilespmem:s0+$0xFFFFFFD0] =	vst v0;
	s0 =	sadd.s32 $0x80, s0  }
0x27: {  	[tilespmem:s0+$0xFFFFFFC0] =	vst v0;
	p0 =	slt.u32 s25, $0x3F8  }
0x28: {  	[tilespmem:s0+$0x30] =	vst v0  }
.Ltmp0:
0x29: {  	[tilespmem:s0+$0x20] =	vst v0;
	(pc) =	sbr.rel @p0 .LBB2_2-.Ltmp0, $4  }
0x2a: {  	[tilespmem:s0+$0x10] =	vst v0  }
0x2b: {  	[tilespmem:s0+$0x0] =	vst v0  }
0x2c: {  	[tilespmem:s0+$0xFFFFFFF0] =	vst v0  }
0x2d: {  	[tilespmem:s0+$0xFFFFFFE0] =	vst v0  }
0x2e: {  	[tilespmem:s0+$0xFFFFFFD0] =	vst v0;
	s25 =	simm.s32 $0x0;
	s4 =	simm.s32 $0x8000  }
0x2f: {  	[tilespmem:s4], [sflag:$0x3] =	stream.linear.gather [hbm4b:s8+s25], $0x4000, $0x38;
	[tilespmem:$0x1C000] =	vst v63  }
0x30: {  	s5 =	simm.s32 $0x14000  }
0x31: {  	[tilespmem:s5], [sflag:$0x3] =	stream.linear.gather [hbm4b:s9+s25], $0x4000, $0x38;
	[tilespmem:$0x1C000] =	vst v63  }
0x32: {  	_ =	swait.ge [sflag:s3], $0x4000  }
0x33: {  	[sflag:s3] =	ssyncset.done $0x0  }
0x34: {  	s6 =	simm.s32 $0x0;
	s26 =	simm.s32 $0x0;
	[sflag:s3] =	ssyncadd.s32 $0xFFFFC000  }
0x35: {  	s0 =	sand.u32 $0x3000, s6;
	s4 =	sand.u32 $0x800, s25;
	_ =	swait.ge [sflag:s3], $0x4000  }
0x36: {  	s26 =	sand.u32 $0x380, s26;
	s0 =	sor.u32 s4, s0;
	[sflag:s3] =	ssyncset.done $0x0  }
0x37: {  	s0 =	sor.u32 s26, s0;
	[sflag:s3] =	ssyncadd.s32 $0xFFFFC000  }
0x38: {  	v2 =	vld [tilespmem:s0+$0x470]  }
0x39: {  	v3 =	vld [tilespmem:s0+$0x460]  }
0x3a: {  	v4 =	vld [tilespmem:s0+$0x450]  }
0x3b: {  	v5 =	vld [tilespmem:s0+$0x30]  }
0x3c: {  	v6 =	vld [tilespmem:s0+$0x50]  }
0x3d: {  	v7 =	vld [tilespmem:s0+$0x70]  }
0x3e: {  	v8 =	vld [tilespmem:s0+$0x20]  }
0x3f: {  	v9 =	vld [tilespmem:s0+$0x430]  }
0x40: {  	v10 =	vld [tilespmem:s0+$0xC020]  }
0x41: {  	v11 =	vld [tilespmem:s0+$0xC040]  }
0x42: {  	v13 =	vld [tilespmem:s0+$0x440]  }
0x43: {  	v14 =	vld [tilespmem:s0+$0xC050]  }
0x44: {  	v15 =	vld [tilespmem:s0+$0x40]  }
0x45: {  	v19 =	vld [tilespmem:s0+$0xC430]  }
0x46: {  	v20 =	vld [tilespmem:s0+$0xC470]  }
0x47: {  	v22 =	vld [tilespmem:s0+$0xC420]  }
0x48: {  	v26 =	vld [tilespmem:s0+$0xC070];
	v5 =	vmax.f32 v5, $-9.998999590e+00;
	v7 =	vmax.f32 v7, $-9.998999590e+00  }
0x49: {  	v2 =	vmax.f32 v2, $-9.998999590e+00;
	v8 =	vmax.f32 v8, $-9.998999590e+00;
	v6 =	vmax.f32 v6, $-9.998999590e+00  }
0x4a: {  	v9 =	vmax.f32 v9, $-9.998999590e+00;
	v16 =	vmax.f32 v4, $-9.998999590e+00;
	vm0 =	veq.s32 v10, $0x0  }
0x4b: {  	v12 =	vld [tilespmem:s0+$0x420];
	v3 =	vmax.f32 v3, $-9.998999590e+00;
	v13 =	vmax.f32 v13, $-9.998999590e+00;
	vm3 =	veq.s32 v11, $0x0  }
0x4c: {  	vm2 =	veq.s32 v14, $0x0;
	v14 =	vmax.f32 v15, $-9.998999590e+00;
	vm5 =	veq.s32 v19, $0x0  }
0x4d: {  	vm7 =	veq.s32 v20, $0x0;
	vm4 =	veq.s32 v22, $0x0;
	vm6 =	veq.s32 v26, $0x0  }
0x4e: {  	v7 =	vmin.f32 v7, $9.998999590e+00;
	v6 =	vmin.f32 v6, $9.998999590e+00;
	v4 =	vmin.f32 v9, $9.998999590e+00  }
0x4f: {  	v2 =	vmin.f32 v2, $9.998999590e+00;
	v3 =	vmin.f32 v3, $9.998999590e+00;
	v5 =	vmin.f32 v5, $9.998999590e+00  }
0x50: {  	v10 =	vmul.f32 $4.096000060e+02, v6;
	v9 =	vmul.f32 $4.096000060e+02, v7;
	v7 =	vmax.f32 v12, $-9.998999590e+00  }
0x51: {  	v25 =	vld [tilespmem:s0+$0xC440];
	v6 =	vmin.f32 v8, $9.998999590e+00;
	v11 =	vmul.f32 $4.096000060e+02, v4;
	v4 =	vmin.f32 v13, $9.998999590e+00  }
0x52: {  	v12 =	vld [tilespmem:s0+$0xC010];
	v6 =	vmul.f32 $4.096000060e+02, v6;
	v18 =	vadd.f32 $4.096000000e+03, v10;
	v13 =	vsub.f32 $1.228800000e+04, v9  }
0x53: {  	v8 =	vld [tilespmem:s0+$0x10];
	v15 =	vmul.f32 $4.096000060e+02, v4;
	v21 =	vsub.f32 $1.228800000e+04, v11;
	v23 =	vadd.f32 $4.096000000e+03, v11  }
0x54: {  	v29 =	vld [tilespmem:s0+$0xC460];
	v24 =	vmin.f32 v16, $9.998999590e+00;
	v17 =	vadd.f32 $4.096000000e+03, v9;
	v9 =	vsub.f32 $1.228800000e+04, v10  }
0x55: {  	v3 =	vmul.f32 $4.096000060e+02, v3;
	v4 =	vsub.f32 $1.228800000e+04, v6;
	v16 =	vadd.f32 $4.096000000e+03, v15  }
0x56: {  	v11 =	vsub.f32 $1.228800000e+04, v15;
	v15 =	vsel vm2, v18, v9;
	v9 =	vsel vm5, v23, v21  }
0x57: {  	v19 =	vld [tilespmem:s0+$0xC030];
	vm5 =	veq.s32 v25, $0x0;
	v23 =	vmul.f32 $4.096000060e+02, v5;
	vm1 =	veq.s32 v12, $0x0  }
0x58: {  	v12 =	vmin.f32 v7, $9.998999590e+00;
	v7 =	vmax.f32 v8, $-9.998999590e+00;
	v8 =	vmul.f32 $4.096000060e+02, v2  }
0x59: {  	v18 =	vld [tilespmem:s0+$0xC450];
	v21 =	vmul.f32 $4.096000060e+02, v24;
	vm2 =	veq.s32 v29, $0x0;
	v2 =	vadd.f32 $4.096000000e+03, v3  }
0x5a: {  	v5 =	vld [tilespmem:s0+$0xC400];
	v27 =	vmul.f32 $4.096000060e+02, v12;
	v28 =	vsub.f32 $1.228800000e+04, v8;
	v10 =	vadd.f32 $4.096000000e+03, v8  }
0x5b: {  	v3 =	vsub.f32 $1.228800000e+04, v3;
	v9 =	vtrunc.f32 v9;
	v7 =	vmin.f32 v7, $9.998999590e+00;
	v12 =	vld [tilespmem:s0+$0x0]  }
0x5c: {  	s26 =	simm.s32 $0x0;
	v8 =	vld [tilespmem:s0+$0x400];
	v20 =	vsub.f32 $1.228800000e+04, v27;
	v22 =	vadd.f32 $4.096000000e+03, v27;
	v10 =	vsel vm7, v10, v28  }
.LBB2_4:
0x5d: {  	s26 =	sadd.s32 $0x10, s26;
	v24 =	vadd.f32 $4.096000000e+03, v23;
	v23 =	vsub.f32 $1.228800000e+04, v23;
	v25 =	vld [tilespmem:s0+$0xC060];
	v13 =	vsel vm6, v17, v13;
	s25 =	sadd.s32 $0x800, s25  }
0x5e: {  	v14 =	vmin.f32 v14, $9.998999590e+00;
	v16 =	vsel vm5, v16, v11;
	s4 =	sshll.u32 s26, $0x4;
	s5 =	sshll.u32 s26, $0x2;
	p0 =	slt.u32 s26, $0x3F0;
	v17 =	vld [tilespmem:s0+$0x60];
	v11 =	vadd.f32 $4.096000000e+03, v21  }
0x5f: {  	s6 =	sand.u32 $0x800, s25;
	v20 =	vsel vm4, v22, v20;
	v21 =	vsub.f32 $1.228800000e+04, v21;
	s4 =	sand.u32 $0x3000, s4;
	vm5 =	veq.s32 v19, $0x0;
	v19 =	vld [tilespmem:s0+$0x410]  }
0x60: {  	v14 =	vmul.f32 $4.096000060e+02, v14;
	s5 =	sand.u32 $0x380, s5;
	s4 =	sor.u32 s6, s4;
	v22 =	vld [tilespmem:s0+$0xC000];
	v23 =	vsel vm5, v24, v23;
	vm4 =	veq.s32 v18, $0x0  }
0x61: {  	v20 =	vtrunc.f32 v20;
	v24 =	vcvt.f32.s32 v9;
	v18 =	vld [tilespmem:s0+$0xC410];
	s0 =	sor.u32 s5, s4;
	v11 =	vsel vm4, v11, v21  }
0x62: {  	v21 =	vadd.f32 $4.096000000e+03, v14;
	v14 =	vsub.f32 $1.228800000e+04, v14;
	v9 =	vld [tilespmem:s0+$0xC470];
	v26 =	vtrunc.f32 v11  }
0x63: {  	v27 =	vmax.f32 v12, $-9.998999590e+00;
	v20 =	vcvt.f32.s32 v20;
	v11 =	vld [tilespmem:s0+$0xC430];
	v26 =	vcvt.f32.s32 v26  }
0x64: {  	v15 =	vtrunc.f32 v15;
	v21 =	vsel vm3, v21, v14;
	v12 =	vld [tilespmem:s0+$0xC010];
	v19 =	vmax.f32 v19, $-9.998999590e+00  }
0x65: {  	v15 =	vcvt.f32.s32 v15;
	v21 =	vtrunc.f32 v21;
	v14 =	vld [tilespmem:s0+$0xC050];
	v19 =	vmin.f32 v19, $9.998999590e+00  }
0x66: {  	v27 =	vmin.f32 v27, $9.998999590e+00;
	v21 =	vcvt.f32.s32 v21;
	v28 =	vld [tilespmem:s0+$0x470];
	v19 =	vmul.f32 $4.096000060e+02, v19  }
0x67: {  	v6 =	vadd.f32 $4.096000000e+03, v6;
	v16 =	vtrunc.f32 v16;
	v23 =	vtrunc.f32 v23;
	v29 =	vld [tilespmem:s0+$0x460]  }
0x68: {  	v23 =	vcvt.f32.s32 v23;
	v30 =	vld [tilespmem:s0+$0xC040];
	v31 =	vadd.f32 $4.096000000e+03, v19  }
0x69: {  	v4 =	vsel vm0, v6, v4;
	v6 =	vsub.f32 $1.228800000e+04, v19;
	v32 =	vld [tilespmem:s0+$0x450]  }
0x6a: {  	v27 =	vmul.f32 $4.096000060e+02, v27;
	v4 =	vtrunc.f32 v4;
	vm0 =	veq.s32 v18, $0x0;
	v19 =	vld [tilespmem:s0+$0x430]  }
0x6b: {  	v18 =	vmul.f32 $4.096000060e+02, v7;
	v7 =	vcvt.f32.s32 v4;
	v4 =	vsel vm0, v31, v6;
	[tilespmem:v24+s28+$0x0] =	vst.idx.add.f32.msk $0xffff, v1  }
0x6c: {  	v6 =	vadd.f32 $4.096000000e+03, v27;
	v27 =	vsub.f32 $1.228800000e+04, v27;
	v4 =	vtrunc.f32 v4;
	v24 =	vld [tilespmem:s0+$0x40]  }
0x6d: {  	v16 =	vcvt.f32.s32 v16;
	vm0 =	veq.s32 v22, $0x0;
	v4 =	vcvt.f32.s32 v4;
	v31 =	vld [tilespmem:s0+$0x30]  }
0x6e: {  	v8 =	vmax.f32 v8, $-9.998999590e+00;
	v17 =	vmax.f32 v17, $-9.998999590e+00;
	v6 =	vsel vm0, v6, v27;
	v22 =	vld [tilespmem:s0+$0x50]  }
0x6f: {  	v17 =	vmin.f32 v17, $9.998999590e+00;
	v33 =	vadd.f32 $4.096000000e+03, v18;
	v18 =	vsub.f32 $1.228800000e+04, v18;
	v27 =	vld [tilespmem:s0+$0x10]  }
0x70: {  	v10 =	vtrunc.f32 v10;
	v8 =	vmin.f32 v8, $9.998999590e+00;
	v17 =	vmul.f32 $4.096000060e+02, v17;
	v34 =	vld [tilespmem:s0+$0xC420]  }
0x71: {  	v10 =	vcvt.f32.s32 v10;
	v18 =	vsel vm1, v33, v18;
	v6 =	vtrunc.f32 v6;
	v35 =	vld [tilespmem:s0+$0x70]  }
0x72: {  	v36 =	vadd.f32 $4.096000000e+03, v17;
	v17 =	vsub.f32 $1.228800000e+04, v17;
	v18 =	vtrunc.f32 v18;
	v33 =	vld [tilespmem:s0+$0x440]  }
0x73: {  	v8 =	vmul.f32 $4.096000060e+02, v8;
	v18 =	vcvt.f32.s32 v18;
	vm0 =	veq.s32 v25, $0x0;
	v37 =	vld [tilespmem:s0+$0x20]  }
0x74: {  	v17 =	vsel vm0, v36, v17;
	vm0 =	veq.s32 v5, $0x0;
	v6 =	vcvt.f32.s32 v6;
	[tilespmem:v23+s28+$0x0] =	vst.idx.add.f32.msk $0xffff, v1  }
0x75: {  	v5 =	vtrunc.f32 v17;
	v17 =	vadd.f32 $4.096000000e+03, v8;
	v8 =	vsub.f32 $1.228800000e+04, v8;
	[tilespmem:v4+s28+$0x0] =	vst.idx.add.f32.msk $0xffff, v1  }
0x76: {  	v2 =	vsel vm2, v2, v3;
	v5 =	vcvt.f32.s32 v5;
	v23 =	vmax.f32 v31, $-9.998999590e+00;
	v4 =	vld [tilespmem:s0+$0xC020]  }
0x77: {  	v3 =	vtrunc.f32 v13;
	v8 =	vsel vm0, v17, v8;
	[tilespmem:v20+s28+$0x0] =	vst.idx.add.f32.msk $0xffff, v1  }
0x78: {  	v2 =	vtrunc.f32 v2;
	v13 =	vmax.f32 v35, $-9.998999590e+00;
	v20 =	vmax.f32 v28, $-9.998999590e+00;
	v17 =	vld [tilespmem:s0+$0x420]  }
0x79: {  	v2 =	vcvt.f32.s32 v2;
	v13 =	vmin.f32 v13, $9.998999590e+00;
	v25 =	vmax.f32 v37, $-9.998999590e+00;
	[tilespmem:v16+s28+$0x0] =	vst.idx.add.f32.msk $0xffff, v1  }
0x7a: {  	v3 =	vcvt.f32.s32 v3;
	v19 =	vmax.f32 v19, $-9.998999590e+00;
	v16 =	vmax.f32 v22, $-9.998999590e+00;
	[tilespmem:v6+s28+$0x0] =	vst.idx.add.f32.msk $0xffff, v1  }
0x7b: {  	v8 =	vtrunc.f32 v8;
	v6 =	vmin.f32 v16, $9.998999590e+00;
	v16 =	vmax.f32 v32, $-9.998999590e+00;
	[tilespmem:v26+s28+$0x0] =	vst.idx.add.f32.msk $0xffff, v1  }
0x7c: {  	vm0 =	veq.s32 v4, $0x0;
	v22 =	vmul.f32 $4.096000060e+02, v6;
	v4 =	vmin.f32 v19, $9.998999590e+00;
	[tilespmem:v21+s28+$0x0] =	vst.idx.add.f32.msk $0xffff, v1  }
0x7d: {  	v20 =	vmin.f32 v20, $9.998999590e+00;
	v19 =	vmul.f32 $4.096000060e+02, v13;
	v6 =	vmax.f32 v29, $-9.998999590e+00;
	[tilespmem:v15+s28+$0x0] =	vst.idx.add.f32.msk $0xffff, v1  }
0x7e: {  	v13 =	vmax.f32 v33, $-9.998999590e+00;
	v15 =	vadd.f32 $4.096000000e+03, v22;
	v17 =	vmax.f32 v17, $-9.998999590e+00;
	[tilespmem:v10+s28+$0x0] =	vst.idx.add.f32.msk $0xffff, v1  }
0x7f: {  	vm2 =	veq.s32 v14, $0x0;
	vm3 =	veq.s32 v30, $0x0;
	v10 =	vmin.f32 v25, $9.998999590e+00;
	[tilespmem:v18+s28+$0x0] =	vst.idx.add.f32.msk $0xffff, v1  }
0x80: {  	v21 =	vmin.f32 v6, $9.998999590e+00;
	v18 =	vmul.f32 $4.096000060e+02, v4;
	[tilespmem:v5+s28+$0x0] =	vst.idx.add.f32.msk $0xffff, v1;
	v5 =	vcvt.f32.s32 v8  }
0x81: {  	v6 =	vmul.f32 $4.096000060e+02, v10;
	v10 =	vmin.f32 v23, $9.998999590e+00;
	v4 =	vmin.f32 v13, $9.998999590e+00;
	[tilespmem:v3+s28+$0x0] =	vst.idx.add.f32.msk $0xffff, v1  }
0x82: {  	v14 =	vmax.f32 v24, $-9.998999590e+00;
	v13 =	vsub.f32 $1.228800000e+04, v19;
	v3 =	vmul.f32 $4.096000060e+02, v4;
	[tilespmem:v2+s28+$0x0] =	vst.idx.add.f32.msk $0xffff, v1  }
0x83: {  	v25 =	vmin.f32 v16, $9.998999590e+00;
	v4 =	vsub.f32 $1.228800000e+04, v6;
	v23 =	vsub.f32 $1.228800000e+04, v18;
	v24 =	vld [tilespmem:s0+$0xC440]  }
0x84: {  	vm1 =	veq.s32 v12, $0x0;
	v18 =	vadd.f32 $4.096000000e+03, v18;
	v2 =	vmin.f32 v17, $9.998999590e+00;
	v26 =	vld [tilespmem:s0+$0xC070]  }
0x85: {  	v20 =	vmul.f32 $4.096000060e+02, v20;
	v8 =	vmax.f32 v27, $-9.998999590e+00;
	v16 =	vadd.f32 $4.096000000e+03, v3;
	[tilespmem:v7+s28+$0x0] =	vst.idx.add.f32.msk $0xffff, v1  }
0x86: {  	vm5 =	veq.s32 v11, $0x0;
	v17 =	vadd.f32 $4.096000000e+03, v19;
	v7 =	vmin.f32 v8, $9.998999590e+00;
	[tilespmem:v5+s28+$0x0] =	vst.idx.add.f32.msk $0xffff, v1  }
0x87: {  	v27 =	vmul.f32 $4.096000060e+02, v2;
	v5 =	vmul.f32 $4.096000060e+02, v21;
	v21 =	vsub.f32 $1.228800000e+04, v20;
	v28 =	vld [tilespmem:s0+$0xC460]  }
0x88: {  	vm7 =	veq.s32 v9, $0x0;
	v19 =	vsub.f32 $1.228800000e+04, v22;
	v11 =	vsub.f32 $1.228800000e+04, v3;
	v12 =	vld [tilespmem:s0+$0x0]  }
.Ltmp1:
0x89: {  	vm4 =	veq.s32 v34, $0x0;
	v22 =	vadd.f32 $4.096000000e+03, v20;
	v2 =	vadd.f32 $4.096000000e+03, v5;
	v8 =	vld [tilespmem:s0+$0x400];
	(pc) =	sbr.rel @p0 .LBB2_4-.Ltmp1, $4  }
0x8a: {  	v9 =	vsel vm5, v18, v23;
	v15 =	vsel vm2, v15, v19;
	vm5 =	veq.s32 v24, $0x0  }
0x8b: {  	v23 =	vmul.f32 $4.096000060e+02, v10;
	v3 =	vsub.f32 $1.228800000e+04, v5;
	vm6 =	veq.s32 v26, $0x0;
	v19 =	vld [tilespmem:s0+$0xC030]  }
0x8c: {  	v9 =	vtrunc.f32 v9;
	v20 =	vsub.f32 $1.228800000e+04, v27;
	v10 =	vsel vm7, v22, v21;
	v18 =	vld [tilespmem:s0+$0xC450]  }
0x8d: {  	v22 =	vadd.f32 $4.096000000e+03, v27;
	v21 =	vmul.f32 $4.096000060e+02, v25;
	vm2 =	veq.s32 v28, $0x0;
	v5 =	vld [tilespmem:s0+$0xC400]  }
0x8e: {  	v24 =	vadd.f32 $4.096000000e+03, v23;
	v23 =	vsub.f32 $1.228800000e+04, v23  }
0x8f: {  	v13 =	vsel vm6, v17, v13;
	v14 =	vmin.f32 v14, $9.998999590e+00;
	v11 =	vsel vm5, v16, v11  }
0x90: {  	v9 =	vcvt.f32.s32 v9;
	v15 =	vtrunc.f32 v15;
	v12 =	vmax.f32 v12, $-9.998999590e+00  }
0x91: {  	v6 =	vadd.f32 $4.096000000e+03, v6;
	v7 =	vmul.f32 $4.096000060e+02, v7;
	v8 =	vmax.f32 v8, $-9.998999590e+00  }
0x92: {  	v2 =	vsel vm2, v2, v3;
	v16 =	vadd.f32 $4.096000000e+03, v21;
	v14 =	vmul.f32 $4.096000060e+02, v14  }
0x93: {  	v15 =	vcvt.f32.s32 v15;
	v12 =	vmin.f32 v12, $9.998999590e+00;
	v11 =	vtrunc.f32 v11  }
0x94: {  	v17 =	vld [tilespmem:s0+$0x410];
	v3 =	vtrunc.f32 v13;
	v2 =	vtrunc.f32 v2;
	vm5 =	veq.s32 v19, $0x0  }
0x95: {  	v19 =	vsel vm4, v22, v20;
	v20 =	vsub.f32 $1.228800000e+04, v21;
	v12 =	vmul.f32 $4.096000060e+02, v12  }
0x96: {  	v11 =	vcvt.f32.s32 v11;
	v4 =	vsel vm0, v6, v4;
	v6 =	vmin.f32 v8, $9.998999590e+00  }
0x97: {  	v8 =	vtrunc.f32 v10;
	v3 =	vcvt.f32.s32 v3;
	vm4 =	veq.s32 v18, $0x0  }
0x98: {  	v18 =	vtrunc.f32 v19;
	v19 =	vadd.f32 $4.096000000e+03, v14;
	v14 =	vsub.f32 $1.228800000e+04, v14  }
0x99: {  	v21 =	vld [tilespmem:s0+$0xC410];
	v2 =	vcvt.f32.s32 v2;
	v6 =	vmul.f32 $4.096000060e+02, v6;
	v17 =	vmax.f32 v17, $-9.998999590e+00  }
0x9a: {  	v8 =	vcvt.f32.s32 v8;
	v14 =	vsel vm3, v19, v14;
	v19 =	vld [tilespmem:s0+$0xC000];
	v17 =	vmin.f32 v17, $9.998999590e+00  }
0x9b: {  	v22 =	vld [tilespmem:s0+$0x60];
	v4 =	vtrunc.f32 v4;
	v16 =	vsel vm4, v16, v20;
	v17 =	vmul.f32 $4.096000060e+02, v17  }
0x9c: {  	v20 =	vsel vm5, v24, v23;
	v18 =	vcvt.f32.s32 v18;
	v4 =	vcvt.f32.s32 v4  }
0x9d: {  	v16 =	vtrunc.f32 v16;
	v23 =	vadd.f32 $4.096000000e+03, v17;
	v17 =	vsub.f32 $1.228800000e+04, v17  }
0x9e: {  	vm3 =	veq.s32 v21, $0x0;
	v21 =	vadd.f32 $4.096000000e+03, v12;
	v12 =	vsub.f32 $1.228800000e+04, v12  }
0x9f: {  	v20 =	vtrunc.f32 v20;
	v17 =	vsel vm3, v23, v17;
	vm3 =	veq.s32 v19, $0x0  }
0xa0: {  	v16 =	vcvt.f32.s32 v16;
	v19 =	vld [tilespmem:s0+$0xC060];
	v12 =	vsel vm3, v21, v12;
	v21 =	vmax.f32 v22, $-9.998999590e+00  }
0xa1: {  	v14 =	vtrunc.f32 v14;
	v20 =	vcvt.f32.s32 v20;
	[tilespmem:v9+s28+$0x0] =	vst.idx.add.f32.msk $0xffff, v1;
	v21 =	vmin.f32 v21, $9.998999590e+00  }
0xa2: {  	v14 =	vcvt.f32.s32 v14;
	[tilespmem:v15+s28+$0x0] =	vst.idx.add.f32.msk $0xffff, v1;
	v21 =	vmul.f32 $4.096000060e+02, v21  }
0xa3: {  	[tilespmem:v11+s28+$0x0] =	vst.idx.add.f32.msk $0xffff, v1;
	v17 =	vtrunc.f32 v17;
	v22 =	vadd.f32 $4.096000000e+03, v7;
	v7 =	vsub.f32 $1.228800000e+04, v7  }
0xa4: {  	[tilespmem:v3+s28+$0x0] =	vst.idx.add.f32.msk $0xffff, v1;
	v17 =	vcvt.f32.s32 v17;
	v9 =	vadd.f32 $4.096000000e+03, v21;
	v10 =	vsub.f32 $1.228800000e+04, v21  }
0xa5: {  	[tilespmem:v2+s28+$0x0] =	vst.idx.add.f32.msk $0xffff, v1;
	v12 =	vtrunc.f32 v12;
	v7 =	vsel vm1, v22, v7;
	vm0 =	veq.s32 v19, $0x0  }
0xa6: {  	[tilespmem:v8+s28+$0x0] =	vst.idx.add.f32.msk $0xffff, v1;
	v9 =	vsel vm0, v9, v10;
	v10 =	vadd.f32 $4.096000000e+03, v6;
	v6 =	vsub.f32 $1.228800000e+04, v6  }
0xa7: {  	[tilespmem:v18+s28+$0x0] =	vst.idx.add.f32.msk $0xffff, v1;
	v12 =	vcvt.f32.s32 v12;
	v7 =	vtrunc.f32 v7;
	vm0 =	veq.s32 v5, $0x0  }
0xa8: {  	[tilespmem:v4+s28+$0x0] =	vst.idx.add.f32.msk $0xffff, v1;
	v7 =	vcvt.f32.s32 v7;
	v9 =	vtrunc.f32 v9;
	v5 =	vsel vm0, v10, v6  }
0xa9: {  	[tilespmem:v20+s28+$0x0] =	vst.idx.add.f32.msk $0xffff, v1;
	v9 =	vcvt.f32.s32 v9;
	v5 =	vtrunc.f32 v5  }
0xaa: {  	[tilespmem:v16+s28+$0x0] =	vst.idx.add.f32.msk $0xffff, v1;
	v5 =	vcvt.f32.s32 v5  }
0xab: {  	[tilespmem:v14+s28+$0x0] =	vst.idx.add.f32.msk $0xffff, v1  }
0xac: {  	[tilespmem:v17+s28+$0x0] =	vst.idx.add.f32.msk $0xffff, v1  }
0xad: {  	[tilespmem:v12+s28+$0x0] =	vst.idx.add.f32.msk $0xffff, v1  }
0xae: {  	[tilespmem:v7+s28+$0x0] =	vst.idx.add.f32.msk $0xffff, v1  }
0xaf: {  	[tilespmem:v9+s28+$0x0] =	vst.idx.add.f32.msk $0xffff, v1  }
0xb0: {  	s25 =	simm.s32 $0x0;
	[tilespmem:v5+s28+$0x0] =	vst.idx.add.f32.msk $0xffff, v1  }
0xb1: {  	[tilespmem:s25], [sflag:$0x1] =	stream.linear.gather [hbm4b:s10+s25], $0x4000, $0x38;
	[tilespmem:$0x1C000] =	vst v63  }
0xb2: {  	_ = 	snop  }
0xb3: {  	[tilespmem:s22], [sflag:$0x1] =	stream.linear.gather [hbm4b:s11+s25], $0x4000, $0x38;
	[tilespmem:$0x1C000] =	vst v63  }
0xb4: {  	_ =	swait.ge [sflag:s29], $0x4000  }
0xb5: {  	[sflag:s29] =	ssyncset.done $0x0  }
0xb6: {  	s26 =	simm.s32 $0x0;
	s4 =	simm.s32 $0x0;
	[sflag:s29] =	ssyncadd.s32 $0xFFFFC000  }
0xb7: {  	s5 =	sand.u32 $0x800, s25;
	s0 =	sand.u32 $0x3000, s26;
	_ =	swait.ge [sflag:s29], $0x4000  }
0xb8: {  	s4 =	sand.u32 $0x380, s4;
	s0 =	sor.u32 s5, s0;
	[sflag:s29] =	ssyncset.done $0x0  }
0xb9: {  	s0 =	sor.u32 s4, s0;
	[sflag:s29] =	ssyncadd.s32 $0xFFFFC000  }
0xba: {  	v2 =	vld [tilespmem:s0+$0x4470]  }
0xbb: {  	v3 =	vld [tilespmem:s0+$0x4460]  }
0xbc: {  	v4 =	vld [tilespmem:s0+$0x4450]  }
0xbd: {  	v5 =	vld [tilespmem:s0+$0x4030]  }
0xbe: {  	v6 =	vld [tilespmem:s0+$0x4050]  }
0xbf: {  	v7 =	vld [tilespmem:s0+$0x4070]  }
0xc0: {  	v8 =	vld [tilespmem:s0+$0x4020]  }
0xc1: {  	v9 =	vld [tilespmem:s0+$0x4430]  }
0xc2: {  	v10 =	vld [tilespmem:s0+$0x10020]  }
0xc3: {  	v11 =	vld [tilespmem:s0+$0x10040]  }
0xc4: {  	v13 =	vld [tilespmem:s0+$0x4440]  }
0xc5: {  	v14 =	vld [tilespmem:s0+$0x10050]  }
0xc6: {  	v15 =	vld [tilespmem:s0+$0x4040]  }
0xc7: {  	v19 =	vld [tilespmem:s0+$0x10430]  }
0xc8: {  	v20 =	vld [tilespmem:s0+$0x10470]  }
0xc9: {  	v22 =	vld [tilespmem:s0+$0x10420]  }
0xca: {  	v26 =	vld [tilespmem:s0+$0x10070];
	v5 =	vmax.f32 v5, $-9.998999590e+00;
	v7 =	vmax.f32 v7, $-9.998999590e+00  }
0xcb: {  	v2 =	vmax.f32 v2, $-9.998999590e+00;
	v8 =	vmax.f32 v8, $-9.998999590e+00;
	v6 =	vmax.f32 v6, $-9.998999590e+00  }
0xcc: {  	v9 =	vmax.f32 v9, $-9.998999590e+00;
	v16 =	vmax.f32 v4, $-9.998999590e+00;
	vm0 =	veq.s32 v10, $0x0  }
0xcd: {  	v12 =	vld [tilespmem:s0+$0x4420];
	v3 =	vmax.f32 v3, $-9.998999590e+00;
	v13 =	vmax.f32 v13, $-9.998999590e+00;
	vm3 =	veq.s32 v11, $0x0  }
0xce: {  	vm2 =	veq.s32 v14, $0x0;
	v14 =	vmax.f32 v15, $-9.998999590e+00;
	vm5 =	veq.s32 v19, $0x0  }
0xcf: {  	vm7 =	veq.s32 v20, $0x0;
	vm4 =	veq.s32 v22, $0x0;
	vm6 =	veq.s32 v26, $0x0  }
0xd0: {  	v7 =	vmin.f32 v7, $9.998999590e+00;
	v6 =	vmin.f32 v6, $9.998999590e+00;
	v4 =	vmin.f32 v9, $9.998999590e+00  }
0xd1: {  	v2 =	vmin.f32 v2, $9.998999590e+00;
	v3 =	vmin.f32 v3, $9.998999590e+00;
	v5 =	vmin.f32 v5, $9.998999590e+00  }
0xd2: {  	v10 =	vmul.f32 $4.096000060e+02, v6;
	v9 =	vmul.f32 $4.096000060e+02, v7;
	v7 =	vmax.f32 v12, $-9.998999590e+00  }
0xd3: {  	v25 =	vld [tilespmem:s0+$0x10440];
	v6 =	vmin.f32 v8, $9.998999590e+00;
	v11 =	vmul.f32 $4.096000060e+02, v4;
	v4 =	vmin.f32 v13, $9.998999590e+00  }
0xd4: {  	v12 =	vld [tilespmem:s0+$0x10010];
	v6 =	vmul.f32 $4.096000060e+02, v6;
	v18 =	vadd.f32 $4.096000000e+03, v10;
	v13 =	vsub.f32 $1.228800000e+04, v9  }
0xd5: {  	v8 =	vld [tilespmem:s0+$0x4010];
	v15 =	vmul.f32 $4.096000060e+02, v4;
	v21 =	vsub.f32 $1.228800000e+04, v11;
	v23 =	vadd.f32 $4.096000000e+03, v11  }
0xd6: {  	v29 =	vld [tilespmem:s0+$0x10460];
	v63 =	vmin.f32 v16, $9.998999590e+00;
	v17 =	vadd.f32 $4.096000000e+03, v9;
	v9 =	vsub.f32 $1.228800000e+04, v10  }
0xd7: {  	v3 =	vmul.f32 $4.096000060e+02, v3;
	v4 =	vsub.f32 $1.228800000e+04, v6;
	v16 =	vadd.f32 $4.096000000e+03, v15  }
0xd8: {  	v11 =	vsub.f32 $1.228800000e+04, v15;
	v15 =	vsel vm2, v18, v9;
	v9 =	vsel vm5, v23, v21  }
0xd9: {  	v19 =	vld [tilespmem:s0+$0x10030];
	vm5 =	veq.s32 v25, $0x0;
	v23 =	vmul.f32 $4.096000060e+02, v5;
	vm1 =	veq.s32 v12, $0x0  }
0xda: {  	v12 =	vmin.f32 v7, $9.998999590e+00;
	v7 =	vmax.f32 v8, $-9.998999590e+00;
	v8 =	vmul.f32 $4.096000060e+02, v2  }
0xdb: {  	v18 =	vld [tilespmem:s0+$0x10450];
	v21 =	vmul.f32 $4.096000060e+02, v63;
	vm2 =	veq.s32 v29, $0x0;
	v2 =	vadd.f32 $4.096000000e+03, v3  }
0xdc: {  	v5 =	vld [tilespmem:s0+$0x10400];
	v27 =	vmul.f32 $4.096000060e+02, v12;
	v28 =	vsub.f32 $1.228800000e+04, v8;
	v10 =	vadd.f32 $4.096000000e+03, v8  }
0xdd: {  	v3 =	vsub.f32 $1.228800000e+04, v3;
	v9 =	vtrunc.f32 v9;
	v7 =	vmin.f32 v7, $9.998999590e+00;
	v12 =	vld [tilespmem:s0+$0x4000]  }
0xde: {  	s26 =	simm.s32 $0x0;
	v8 =	vld [tilespmem:s0+$0x4400];
	v20 =	vsub.f32 $1.228800000e+04, v27;
	v22 =	vadd.f32 $4.096000000e+03, v27;
	v10 =	vsel vm7, v10, v28  }
.LBB2_6:
0xdf: {  	s26 =	sadd.s32 $0x10, s26;
	v24 =	vadd.f32 $4.096000000e+03, v23;
	v23 =	vsub.f32 $1.228800000e+04, v23;
	v25 =	vld [tilespmem:s0+$0x10060];
	v13 =	vsel vm6, v17, v13;
	s25 =	sadd.s32 $0x800, s25  }
0xe0: {  	v14 =	vmin.f32 v14, $9.998999590e+00;
	v16 =	vsel vm5, v16, v11;
	s4 =	sshll.u32 s26, $0x4;
	s5 =	sshll.u32 s26, $0x2;
	p0 =	slt.u32 s26, $0x3F0;
	v17 =	vld [tilespmem:s0+$0x4060];
	v11 =	vadd.f32 $4.096000000e+03, v21  }
0xe1: {  	s6 =	sand.u32 $0x800, s25;
	v20 =	vsel vm4, v22, v20;
	v21 =	vsub.f32 $1.228800000e+04, v21;
	s4 =	sand.u32 $0x3000, s4;
	vm5 =	veq.s32 v19, $0x0;
	v19 =	vld [tilespmem:s0+$0x4410]  }
0xe2: {  	v14 =	vmul.f32 $4.096000060e+02, v14;
	s5 =	sand.u32 $0x380, s5;
	s4 =	sor.u32 s6, s4;
	v22 =	vld [tilespmem:s0+$0x10000];
	v23 =	vsel vm5, v24, v23;
	vm4 =	veq.s32 v18, $0x0  }
0xe3: {  	v20 =	vtrunc.f32 v20;
	v24 =	vcvt.f32.s32 v9;
	v18 =	vld [tilespmem:s0+$0x10410];
	s0 =	sor.u32 s5, s4;
	v11 =	vsel vm4, v11, v21  }
0xe4: {  	v21 =	vadd.f32 $4.096000000e+03, v14;
	v14 =	vsub.f32 $1.228800000e+04, v14;
	v9 =	vld [tilespmem:s0+$0x10470];
	v26 =	vtrunc.f32 v11  }
0xe5: {  	v27 =	vmax.f32 v12, $-9.998999590e+00;
	v20 =	vcvt.f32.s32 v20;
	v11 =	vld [tilespmem:s0+$0x10430];
	v26 =	vcvt.f32.s32 v26  }
0xe6: {  	v15 =	vtrunc.f32 v15;
	v21 =	vsel vm3, v21, v14;
	v12 =	vld [tilespmem:s0+$0x10010];
	v19 =	vmax.f32 v19, $-9.998999590e+00  }
0xe7: {  	v15 =	vcvt.f32.s32 v15;
	v21 =	vtrunc.f32 v21;
	v14 =	vld [tilespmem:s0+$0x10050];
	v19 =	vmin.f32 v19, $9.998999590e+00  }
0xe8: {  	v27 =	vmin.f32 v27, $9.998999590e+00;
	v21 =	vcvt.f32.s32 v21;
	v28 =	vld [tilespmem:s0+$0x4470];
	v19 =	vmul.f32 $4.096000060e+02, v19  }
0xe9: {  	v6 =	vadd.f32 $4.096000000e+03, v6;
	v16 =	vtrunc.f32 v16;
	v23 =	vtrunc.f32 v23;
	v29 =	vld [tilespmem:s0+$0x4460]  }
0xea: {  	v23 =	vcvt.f32.s32 v23;
	v30 =	vld [tilespmem:s0+$0x10040];
	v31 =	vadd.f32 $4.096000000e+03, v19  }
0xeb: {  	v4 =	vsel vm0, v6, v4;
	v6 =	vsub.f32 $1.228800000e+04, v19;
	v32 =	vld [tilespmem:s0+$0x4450]  }
0xec: {  	v27 =	vmul.f32 $4.096000060e+02, v27;
	v4 =	vtrunc.f32 v4;
	vm0 =	veq.s32 v18, $0x0;
	v19 =	vld [tilespmem:s0+$0x4430]  }
0xed: {  	v18 =	vmul.f32 $4.096000060e+02, v7;
	v7 =	vcvt.f32.s32 v4;
	v4 =	vsel vm0, v31, v6;
	[tilespmem:v24+s28+$0x0] =	vst.idx.add.f32.msk $0xffff, v1  }
0xee: {  	v6 =	vadd.f32 $4.096000000e+03, v27;
	v27 =	vsub.f32 $1.228800000e+04, v27;
	v4 =	vtrunc.f32 v4;
	v24 =	vld [tilespmem:s0+$0x4040]  }
0xef: {  	v16 =	vcvt.f32.s32 v16;
	vm0 =	veq.s32 v22, $0x0;
	v4 =	vcvt.f32.s32 v4;
	v31 =	vld [tilespmem:s0+$0x4030]  }
0xf0: {  	v8 =	vmax.f32 v8, $-9.998999590e+00;
	v17 =	vmax.f32 v17, $-9.998999590e+00;
	v6 =	vsel vm0, v6, v27;
	v22 =	vld [tilespmem:s0+$0x4050]  }
0xf1: {  	v17 =	vmin.f32 v17, $9.998999590e+00;
	v33 =	vadd.f32 $4.096000000e+03, v18;
	v18 =	vsub.f32 $1.228800000e+04, v18;
	v27 =	vld [tilespmem:s0+$0x4010]  }
0xf2: {  	v10 =	vtrunc.f32 v10;
	v8 =	vmin.f32 v8, $9.998999590e+00;
	v17 =	vmul.f32 $4.096000060e+02, v17;
	v34 =	vld [tilespmem:s0+$0x10420]  }
0xf3: {  	v10 =	vcvt.f32.s32 v10;
	v18 =	vsel vm1, v33, v18;
	v6 =	vtrunc.f32 v6;
	v35 =	vld [tilespmem:s0+$0x4070]  }
0xf4: {  	v36 =	vadd.f32 $4.096000000e+03, v17;
	v17 =	vsub.f32 $1.228800000e+04, v17;
	v18 =	vtrunc.f32 v18;
	v33 =	vld [tilespmem:s0+$0x4440]  }
0xf5: {  	v8 =	vmul.f32 $4.096000060e+02, v8;
	v18 =	vcvt.f32.s32 v18;
	vm0 =	veq.s32 v25, $0x0;
	v37 =	vld [tilespmem:s0+$0x4020]  }
0xf6: {  	v17 =	vsel vm0, v36, v17;
	vm0 =	veq.s32 v5, $0x0;
	v6 =	vcvt.f32.s32 v6;
	[tilespmem:v23+s28+$0x0] =	vst.idx.add.f32.msk $0xffff, v1  }
0xf7: {  	v5 =	vtrunc.f32 v17;
	v17 =	vadd.f32 $4.096000000e+03, v8;
	v8 =	vsub.f32 $1.228800000e+04, v8;
	[tilespmem:v4+s28+$0x0] =	vst.idx.add.f32.msk $0xffff, v1  }
0xf8: {  	v2 =	vsel vm2, v2, v3;
	v5 =	vcvt.f32.s32 v5;
	v23 =	vmax.f32 v31, $-9.998999590e+00;
	v4 =	vld [tilespmem:s0+$0x10020]  }
0xf9: {  	v3 =	vtrunc.f32 v13;
	v8 =	vsel vm0, v17, v8;
	[tilespmem:v20+s28+$0x0] =	vst.idx.add.f32.msk $0xffff, v1  }
0xfa: {  	v2 =	vtrunc.f32 v2;
	v13 =	vmax.f32 v35, $-9.998999590e+00;
	v20 =	vmax.f32 v28, $-9.998999590e+00;
	v17 =	vld [tilespmem:s0+$0x4420]  }
0xfb: {  	v2 =	vcvt.f32.s32 v2;
	v13 =	vmin.f32 v13, $9.998999590e+00;
	v25 =	vmax.f32 v37, $-9.998999590e+00;
	[tilespmem:v16+s28+$0x0] =	vst.idx.add.f32.msk $0xffff, v1  }
0xfc: {  	v3 =	vcvt.f32.s32 v3;
	v19 =	vmax.f32 v19, $-9.998999590e+00;
	v16 =	vmax.f32 v22, $-9.998999590e+00;
	[tilespmem:v6+s28+$0x0] =	vst.idx.add.f32.msk $0xffff, v1  }
0xfd: {  	v8 =	vtrunc.f32 v8;
	v6 =	vmin.f32 v16, $9.998999590e+00;
	v16 =	vmax.f32 v32, $-9.998999590e+00;
	[tilespmem:v26+s28+$0x0] =	vst.idx.add.f32.msk $0xffff, v1  }
0xfe: {  	vm0 =	veq.s32 v4, $0x0;
	v22 =	vmul.f32 $4.096000060e+02, v6;
	v4 =	vmin.f32 v19, $9.998999590e+00;
	[tilespmem:v21+s28+$0x0] =	vst.idx.add.f32.msk $0xffff, v1  }
0xff: {  	v20 =	vmin.f32 v20, $9.998999590e+00;
	v19 =	vmul.f32 $4.096000060e+02, v13;
	v6 =	vmax.f32 v29, $-9.998999590e+00;
	[tilespmem:v15+s28+$0x0] =	vst.idx.add.f32.msk $0xffff, v1  }
0x100: {  	v13 =	vmax.f32 v33, $-9.998999590e+00;
	v15 =	vadd.f32 $4.096000000e+03, v22;
	v17 =	vmax.f32 v17, $-9.998999590e+00;
	[tilespmem:v10+s28+$0x0] =	vst.idx.add.f32.msk $0xffff, v1  }
0x101: {  	vm2 =	veq.s32 v14, $0x0;
	vm3 =	veq.s32 v30, $0x0;
	v10 =	vmin.f32 v25, $9.998999590e+00;
	[tilespmem:v18+s28+$0x0] =	vst.idx.add.f32.msk $0xffff, v1  }
0x102: {  	v21 =	vmin.f32 v6, $9.998999590e+00;
	v18 =	vmul.f32 $4.096000060e+02, v4;
	[tilespmem:v5+s28+$0x0] =	vst.idx.add.f32.msk $0xffff, v1;
	v5 =	vcvt.f32.s32 v8  }
0x103: {  	v6 =	vmul.f32 $4.096000060e+02, v10;
	v10 =	vmin.f32 v23, $9.998999590e+00;
	v4 =	vmin.f32 v13, $9.998999590e+00;
	[tilespmem:v3+s28+$0x0] =	vst.idx.add.f32.msk $0xffff, v1  }
0x104: {  	v14 =	vmax.f32 v24, $-9.998999590e+00;
	v13 =	vsub.f32 $1.228800000e+04, v19;
	v3 =	vmul.f32 $4.096000060e+02, v4;
	[tilespmem:v2+s28+$0x0] =	vst.idx.add.f32.msk $0xffff, v1  }
0x105: {  	v25 =	vmin.f32 v16, $9.998999590e+00;
	v4 =	vsub.f32 $1.228800000e+04, v6;
	v23 =	vsub.f32 $1.228800000e+04, v18;
	v24 =	vld [tilespmem:s0+$0x10440]  }
0x106: {  	vm1 =	veq.s32 v12, $0x0;
	v18 =	vadd.f32 $4.096000000e+03, v18;
	v2 =	vmin.f32 v17, $9.998999590e+00;
	v26 =	vld [tilespmem:s0+$0x10070]  }
0x107: {  	v20 =	vmul.f32 $4.096000060e+02, v20;
	v8 =	vmax.f32 v27, $-9.998999590e+00;
	v16 =	vadd.f32 $4.096000000e+03, v3;
	[tilespmem:v7+s28+$0x0] =	vst.idx.add.f32.msk $0xffff, v1  }
0x108: {  	vm5 =	veq.s32 v11, $0x0;
	v17 =	vadd.f32 $4.096000000e+03, v19;
	v7 =	vmin.f32 v8, $9.998999590e+00;
	[tilespmem:v5+s28+$0x0] =	vst.idx.add.f32.msk $0xffff, v1  }
0x109: {  	v27 =	vmul.f32 $4.096000060e+02, v2;
	v5 =	vmul.f32 $4.096000060e+02, v21;
	v21 =	vsub.f32 $1.228800000e+04, v20;
	v28 =	vld [tilespmem:s0+$0x10460]  }
0x10a: {  	vm7 =	veq.s32 v9, $0x0;
	v19 =	vsub.f32 $1.228800000e+04, v22;
	v11 =	vsub.f32 $1.228800000e+04, v3;
	v12 =	vld [tilespmem:s0+$0x4000]  }
.Ltmp2:
0x10b: {  	vm4 =	veq.s32 v34, $0x0;
	v22 =	vadd.f32 $4.096000000e+03, v20;
	v2 =	vadd.f32 $4.096000000e+03, v5;
	v8 =	vld [tilespmem:s0+$0x4400];
	(pc) =	sbr.rel @p0 .LBB2_6-.Ltmp2, $4  }
0x10c: {  	v9 =	vsel vm5, v18, v23;
	v15 =	vsel vm2, v15, v19;
	vm5 =	veq.s32 v24, $0x0  }
0x10d: {  	v23 =	vmul.f32 $4.096000060e+02, v10;
	v3 =	vsub.f32 $1.228800000e+04, v5;
	vm6 =	veq.s32 v26, $0x0;
	v19 =	vld [tilespmem:s0+$0x10030]  }
0x10e: {  	v9 =	vtrunc.f32 v9;
	v20 =	vsub.f32 $1.228800000e+04, v27;
	v10 =	vsel vm7, v22, v21;
	v18 =	vld [tilespmem:s0+$0x10450]  }
0x10f: {  	v22 =	vadd.f32 $4.096000000e+03, v27;
	v21 =	vmul.f32 $4.096000060e+02, v25;
	vm2 =	veq.s32 v28, $0x0;
	v5 =	vld [tilespmem:s0+$0x10400]  }
0x110: {  	v24 =	vadd.f32 $4.096000000e+03, v23;
	v23 =	vsub.f32 $1.228800000e+04, v23  }
0x111: {  	v13 =	vsel vm6, v17, v13;
	v14 =	vmin.f32 v14, $9.998999590e+00;
	v11 =	vsel vm5, v16, v11  }
0x112: {  	v9 =	vcvt.f32.s32 v9;
	v15 =	vtrunc.f32 v15;
	v12 =	vmax.f32 v12, $-9.998999590e+00  }
0x113: {  	v6 =	vadd.f32 $4.096000000e+03, v6;
	v7 =	vmul.f32 $4.096000060e+02, v7;
	v8 =	vmax.f32 v8, $-9.998999590e+00  }
0x114: {  	v2 =	vsel vm2, v2, v3;
	v16 =	vadd.f32 $4.096000000e+03, v21;
	v14 =	vmul.f32 $4.096000060e+02, v14  }
0x115: {  	v15 =	vcvt.f32.s32 v15;
	v12 =	vmin.f32 v12, $9.998999590e+00;
	v11 =	vtrunc.f32 v11  }
0x116: {  	v17 =	vld [tilespmem:s0+$0x4410];
	v3 =	vtrunc.f32 v13;
	v2 =	vtrunc.f32 v2;
	vm5 =	veq.s32 v19, $0x0  }
0x117: {  	v19 =	vsel vm4, v22, v20;
	v20 =	vsub.f32 $1.228800000e+04, v21;
	v12 =	vmul.f32 $4.096000060e+02, v12  }
0x118: {  	v11 =	vcvt.f32.s32 v11;
	v4 =	vsel vm0, v6, v4;
	v6 =	vmin.f32 v8, $9.998999590e+00  }
0x119: {  	v8 =	vtrunc.f32 v10;
	v3 =	vcvt.f32.s32 v3;
	vm4 =	veq.s32 v18, $0x0  }
0x11a: {  	v18 =	vtrunc.f32 v19;
	v19 =	vadd.f32 $4.096000000e+03, v14;
	v14 =	vsub.f32 $1.228800000e+04, v14  }
0x11b: {  	v21 =	vld [tilespmem:s0+$0x10410];
	v2 =	vcvt.f32.s32 v2;
	v6 =	vmul.f32 $4.096000060e+02, v6;
	v17 =	vmax.f32 v17, $-9.998999590e+00  }
0x11c: {  	v8 =	vcvt.f32.s32 v8;
	v14 =	vsel vm3, v19, v14;
	v19 =	vld [tilespmem:s0+$0x10000];
	v17 =	vmin.f32 v17, $9.998999590e+00  }
0x11d: {  	v22 =	vld [tilespmem:s0+$0x4060];
	v4 =	vtrunc.f32 v4;
	v16 =	vsel vm4, v16, v20;
	v17 =	vmul.f32 $4.096000060e+02, v17  }
0x11e: {  	v20 =	vsel vm5, v24, v23;
	v18 =	vcvt.f32.s32 v18;
	v4 =	vcvt.f32.s32 v4  }
0x11f: {  	v16 =	vtrunc.f32 v16;
	v23 =	vadd.f32 $4.096000000e+03, v17;
	v17 =	vsub.f32 $1.228800000e+04, v17  }
0x120: {  	vm3 =	veq.s32 v21, $0x0;
	v21 =	vadd.f32 $4.096000000e+03, v12;
	v12 =	vsub.f32 $1.228800000e+04, v12  }
0x121: {  	v20 =	vtrunc.f32 v20;
	v17 =	vsel vm3, v23, v17;
	vm3 =	veq.s32 v19, $0x0  }
0x122: {  	v16 =	vcvt.f32.s32 v16;
	v19 =	vld [tilespmem:s0+$0x10060];
	v12 =	vsel vm3, v21, v12;
	v21 =	vmax.f32 v22, $-9.998999590e+00  }
0x123: {  	v14 =	vtrunc.f32 v14;
	v20 =	vcvt.f32.s32 v20;
	[tilespmem:v9+s28+$0x0] =	vst.idx.add.f32.msk $0xffff, v1;
	v21 =	vmin.f32 v21, $9.998999590e+00  }
0x124: {  	v14 =	vcvt.f32.s32 v14;
	[tilespmem:v15+s28+$0x0] =	vst.idx.add.f32.msk $0xffff, v1;
	v21 =	vmul.f32 $4.096000060e+02, v21  }
0x125: {  	[tilespmem:v11+s28+$0x0] =	vst.idx.add.f32.msk $0xffff, v1;
	v17 =	vtrunc.f32 v17;
	v22 =	vadd.f32 $4.096000000e+03, v7;
	v7 =	vsub.f32 $1.228800000e+04, v7  }
0x126: {  	[tilespmem:v3+s28+$0x0] =	vst.idx.add.f32.msk $0xffff, v1;
	v17 =	vcvt.f32.s32 v17;
	v9 =	vadd.f32 $4.096000000e+03, v21;
	v10 =	vsub.f32 $1.228800000e+04, v21  }
0x127: {  	[tilespmem:v2+s28+$0x0] =	vst.idx.add.f32.msk $0xffff, v1;
	v12 =	vtrunc.f32 v12;
	v7 =	vsel vm1, v22, v7;
	vm0 =	veq.s32 v19, $0x0  }
0x128: {  	[tilespmem:v8+s28+$0x0] =	vst.idx.add.f32.msk $0xffff, v1;
	v9 =	vsel vm0, v9, v10;
	v10 =	vadd.f32 $4.096000000e+03, v6;
	v6 =	vsub.f32 $1.228800000e+04, v6  }
0x129: {  	[tilespmem:v18+s28+$0x0] =	vst.idx.add.f32.msk $0xffff, v1;
	v12 =	vcvt.f32.s32 v12;
	v7 =	vtrunc.f32 v7;
	vm0 =	veq.s32 v5, $0x0  }
0x12a: {  	[tilespmem:v4+s28+$0x0] =	vst.idx.add.f32.msk $0xffff, v1;
	v7 =	vcvt.f32.s32 v7;
	v9 =	vtrunc.f32 v9;
	v5 =	vsel vm0, v10, v6  }
0x12b: {  	[tilespmem:v20+s28+$0x0] =	vst.idx.add.f32.msk $0xffff, v1;
	v9 =	vcvt.f32.s32 v9;
	v5 =	vtrunc.f32 v5  }
0x12c: {  	[tilespmem:v16+s28+$0x0] =	vst.idx.add.f32.msk $0xffff, v1;
	v5 =	vcvt.f32.s32 v5  }
0x12d: {  	[tilespmem:v14+s28+$0x0] =	vst.idx.add.f32.msk $0xffff, v1  }
0x12e: {  	[tilespmem:v17+s28+$0x0] =	vst.idx.add.f32.msk $0xffff, v1  }
0x12f: {  	[tilespmem:v12+s28+$0x0] =	vst.idx.add.f32.msk $0xffff, v1  }
0x130: {  	[tilespmem:v7+s28+$0x0] =	vst.idx.add.f32.msk $0xffff, v1  }
0x131: {  	[tilespmem:v9+s28+$0x0] =	vst.idx.add.f32.msk $0xffff, v1  }
0x132: {  	s25 =	simm.s32 $0x0;
	[tilespmem:v5+s28+$0x0] =	vst.idx.add.f32.msk $0xffff, v1  }
0x133: {  	[tilespmem:s23], [sflag:$0x2] =	stream.linear.gather [hbm4b:s12+s25], $0x4000, $0x38;
	[tilespmem:$0x1C000] =	vst v63  }
0x134: {  	_ = 	snop  }
0x135: {  	[tilespmem:s24], [sflag:$0x2] =	stream.linear.gather [hbm4b:s13+s25], $0x4000, $0x38;
	[tilespmem:$0x1C000] =	vst v63  }
0x136: {  	_ =	swait.ge [sflag:s30], $0x4000  }
0x137: {  	[sflag:s30] =	ssyncset.done $0x0  }
0x138: {  	s26 =	simm.s32 $0x0;
	s4 =	simm.s32 $0x0;
	[sflag:s30] =	ssyncadd.s32 $0xFFFFC000  }
0x139: {  	s5 =	sand.u32 $0x800, s25;
	s0 =	sand.u32 $0x3000, s26;
	_ =	swait.ge [sflag:s30], $0x4000  }
0x13a: {  	s4 =	sand.u32 $0x380, s4;
	s0 =	sor.u32 s5, s0;
	[sflag:s30] =	ssyncset.done $0x0  }
0x13b: {  	s0 =	sor.u32 s4, s0;
	[sflag:s30] =	ssyncadd.s32 $0xFFFFC000  }
0x13c: {  	v2 =	vld [tilespmem:s0+$0x8470]  }
0x13d: {  	v3 =	vld [tilespmem:s0+$0x8460]  }
0x13e: {  	v4 =	vld [tilespmem:s0+$0x8450]  }
0x13f: {  	v5 =	vld [tilespmem:s0+$0x8030]  }
0x140: {  	v6 =	vld [tilespmem:s0+$0x8050]  }
0x141: {  	v7 =	vld [tilespmem:s0+$0x8070]  }
0x142: {  	v8 =	vld [tilespmem:s0+$0x8020]  }
0x143: {  	v9 =	vld [tilespmem:s0+$0x8430]  }
0x144: {  	v10 =	vld [tilespmem:s0+$0x14020]  }
0x145: {  	v11 =	vld [tilespmem:s0+$0x14040]  }
0x146: {  	v13 =	vld [tilespmem:s0+$0x8440]  }
0x147: {  	v14 =	vld [tilespmem:s0+$0x14050]  }
0x148: {  	v15 =	vld [tilespmem:s0+$0x8040]  }
0x149: {  	v19 =	vld [tilespmem:s0+$0x14430]  }
0x14a: {  	v20 =	vld [tilespmem:s0+$0x14470]  }
0x14b: {  	v22 =	vld [tilespmem:s0+$0x14420]  }
0x14c: {  	v26 =	vld [tilespmem:s0+$0x14070];
	v5 =	vmax.f32 v5, $-9.998999590e+00;
	v7 =	vmax.f32 v7, $-9.998999590e+00  }
0x14d: {  	v2 =	vmax.f32 v2, $-9.998999590e+00;
	v8 =	vmax.f32 v8, $-9.998999590e+00;
	v6 =	vmax.f32 v6, $-9.998999590e+00  }
0x14e: {  	v9 =	vmax.f32 v9, $-9.998999590e+00;
	v16 =	vmax.f32 v4, $-9.998999590e+00;
	vm0 =	veq.s32 v10, $0x0  }
0x14f: {  	v12 =	vld [tilespmem:s0+$0x8420];
	v3 =	vmax.f32 v3, $-9.998999590e+00;
	v13 =	vmax.f32 v13, $-9.998999590e+00;
	vm3 =	veq.s32 v11, $0x0  }
0x150: {  	vm2 =	veq.s32 v14, $0x0;
	v14 =	vmax.f32 v15, $-9.998999590e+00;
	vm5 =	veq.s32 v19, $0x0  }
0x151: {  	vm7 =	veq.s32 v20, $0x0;
	vm4 =	veq.s32 v22, $0x0;
	vm6 =	veq.s32 v26, $0x0  }
0x152: {  	v7 =	vmin.f32 v7, $9.998999590e+00;
	v6 =	vmin.f32 v6, $9.998999590e+00;
	v4 =	vmin.f32 v9, $9.998999590e+00  }
0x153: {  	v2 =	vmin.f32 v2, $9.998999590e+00;
	v3 =	vmin.f32 v3, $9.998999590e+00;
	v5 =	vmin.f32 v5, $9.998999590e+00  }
0x154: {  	v10 =	vmul.f32 $4.096000060e+02, v6;
	v9 =	vmul.f32 $4.096000060e+02, v7;
	v7 =	vmax.f32 v12, $-9.998999590e+00  }
0x155: {  	v25 =	vld [tilespmem:s0+$0x14440];
	v6 =	vmin.f32 v8, $9.998999590e+00;
	v11 =	vmul.f32 $4.096000060e+02, v4;
	v4 =	vmin.f32 v13, $9.998999590e+00  }
0x156: {  	v12 =	vld [tilespmem:s0+$0x14010];
	v6 =	vmul.f32 $4.096000060e+02, v6;
	v18 =	vadd.f32 $4.096000000e+03, v10;
	v13 =	vsub.f32 $1.228800000e+04, v9  }
0x157: {  	v8 =	vld [tilespmem:s0+$0x8010];
	v15 =	vmul.f32 $4.096000060e+02, v4;
	v21 =	vsub.f32 $1.228800000e+04, v11;
	v23 =	vadd.f32 $4.096000000e+03, v11  }
0x158: {  	v29 =	vld [tilespmem:s0+$0x14460];
	v63 =	vmin.f32 v16, $9.998999590e+00;
	v17 =	vadd.f32 $4.096000000e+03, v9;
	v9 =	vsub.f32 $1.228800000e+04, v10  }
0x159: {  	v3 =	vmul.f32 $4.096000060e+02, v3;
	v4 =	vsub.f32 $1.228800000e+04, v6;
	v16 =	vadd.f32 $4.096000000e+03, v15  }
0x15a: {  	v11 =	vsub.f32 $1.228800000e+04, v15;
	v15 =	vsel vm2, v18, v9;
	v9 =	vsel vm5, v23, v21  }
0x15b: {  	v19 =	vld [tilespmem:s0+$0x14030];
	vm5 =	veq.s32 v25, $0x0;
	v23 =	vmul.f32 $4.096000060e+02, v5;
	vm1 =	veq.s32 v12, $0x0  }
0x15c: {  	v12 =	vmin.f32 v7, $9.998999590e+00;
	v7 =	vmax.f32 v8, $-9.998999590e+00;
	v8 =	vmul.f32 $4.096000060e+02, v2  }
0x15d: {  	v18 =	vld [tilespmem:s0+$0x14450];
	v21 =	vmul.f32 $4.096000060e+02, v63;
	vm2 =	veq.s32 v29, $0x0;
	v2 =	vadd.f32 $4.096000000e+03, v3  }
0x15e: {  	v5 =	vld [tilespmem:s0+$0x14400];
	v27 =	vmul.f32 $4.096000060e+02, v12;
	v28 =	vsub.f32 $1.228800000e+04, v8;
	v10 =	vadd.f32 $4.096000000e+03, v8  }
0x15f: {  	v3 =	vsub.f32 $1.228800000e+04, v3;
	v9 =	vtrunc.f32 v9;
	v7 =	vmin.f32 v7, $9.998999590e+00;
	v12 =	vld [tilespmem:s0+$0x8000]  }
0x160: {  	s26 =	simm.s32 $0x0;
	v8 =	vld [tilespmem:s0+$0x8400];
	v20 =	vsub.f32 $1.228800000e+04, v27;
	v22 =	vadd.f32 $4.096000000e+03, v27;
	v10 =	vsel vm7, v10, v28  }
.LBB2_8:
0x161: {  	s26 =	sadd.s32 $0x10, s26;
	v24 =	vadd.f32 $4.096000000e+03, v23;
	v23 =	vsub.f32 $1.228800000e+04, v23;
	v25 =	vld [tilespmem:s0+$0x14060];
	v13 =	vsel vm6, v17, v13;
	s25 =	sadd.s32 $0x800, s25  }
0x162: {  	v14 =	vmin.f32 v14, $9.998999590e+00;
	v16 =	vsel vm5, v16, v11;
	s4 =	sshll.u32 s26, $0x4;
	s5 =	sshll.u32 s26, $0x2;
	p0 =	slt.u32 s26, $0x3F0;
	v17 =	vld [tilespmem:s0+$0x8060];
	v11 =	vadd.f32 $4.096000000e+03, v21  }
0x163: {  	s6 =	sand.u32 $0x800, s25;
	v20 =	vsel vm4, v22, v20;
	v21 =	vsub.f32 $1.228800000e+04, v21;
	s4 =	sand.u32 $0x3000, s4;
	vm5 =	veq.s32 v19, $0x0;
	v19 =	vld [tilespmem:s0+$0x8410]  }
0x164: {  	v14 =	vmul.f32 $4.096000060e+02, v14;
	s5 =	sand.u32 $0x380, s5;
	s4 =	sor.u32 s6, s4;
	v22 =	vld [tilespmem:s0+$0x14000];
	v23 =	vsel vm5, v24, v23;
	vm4 =	veq.s32 v18, $0x0  }
0x165: {  	v20 =	vtrunc.f32 v20;
	v24 =	vcvt.f32.s32 v9;
	v18 =	vld [tilespmem:s0+$0x14410];
	s0 =	sor.u32 s5, s4;
	v11 =	vsel vm4, v11, v21  }
0x166: {  	v21 =	vadd.f32 $4.096000000e+03, v14;
	v14 =	vsub.f32 $1.228800000e+04, v14;
	v9 =	vld [tilespmem:s0+$0x14470];
	v26 =	vtrunc.f32 v11  }
0x167: {  	v27 =	vmax.f32 v12, $-9.998999590e+00;
	v20 =	vcvt.f32.s32 v20;
	v11 =	vld [tilespmem:s0+$0x14430];
	v26 =	vcvt.f32.s32 v26  }
0x168: {  	v15 =	vtrunc.f32 v15;
	v21 =	vsel vm3, v21, v14;
	v12 =	vld [tilespmem:s0+$0x14010];
	v19 =	vmax.f32 v19, $-9.998999590e+00  }
0x169: {  	v15 =	vcvt.f32.s32 v15;
	v21 =	vtrunc.f32 v21;
	v14 =	vld [tilespmem:s0+$0x14050];
	v19 =	vmin.f32 v19, $9.998999590e+00  }
0x16a: {  	v27 =	vmin.f32 v27, $9.998999590e+00;
	v21 =	vcvt.f32.s32 v21;
	v28 =	vld [tilespmem:s0+$0x8470];
	v19 =	vmul.f32 $4.096000060e+02, v19  }
0x16b: {  	v6 =	vadd.f32 $4.096000000e+03, v6;
	v16 =	vtrunc.f32 v16;
	v23 =	vtrunc.f32 v23;
	v29 =	vld [tilespmem:s0+$0x8460]  }
0x16c: {  	v23 =	vcvt.f32.s32 v23;
	v30 =	vld [tilespmem:s0+$0x14040];
	v31 =	vadd.f32 $4.096000000e+03, v19  }
0x16d: {  	v4 =	vsel vm0, v6, v4;
	v6 =	vsub.f32 $1.228800000e+04, v19;
	v32 =	vld [tilespmem:s0+$0x8450]  }
0x16e: {  	v27 =	vmul.f32 $4.096000060e+02, v27;
	v4 =	vtrunc.f32 v4;
	vm0 =	veq.s32 v18, $0x0;
	v19 =	vld [tilespmem:s0+$0x8430]  }
0x16f: {  	v18 =	vmul.f32 $4.096000060e+02, v7;
	v7 =	vcvt.f32.s32 v4;
	v4 =	vsel vm0, v31, v6;
	[tilespmem:v24+s28+$0x0] =	vst.idx.add.f32.msk $0xffff, v1  }
0x170: {  	v6 =	vadd.f32 $4.096000000e+03, v27;
	v27 =	vsub.f32 $1.228800000e+04, v27;
	v4 =	vtrunc.f32 v4;
	v24 =	vld [tilespmem:s0+$0x8040]  }
0x171: {  	v16 =	vcvt.f32.s32 v16;
	vm0 =	veq.s32 v22, $0x0;
	v4 =	vcvt.f32.s32 v4;
	v31 =	vld [tilespmem:s0+$0x8030]  }
0x172: {  	v8 =	vmax.f32 v8, $-9.998999590e+00;
	v17 =	vmax.f32 v17, $-9.998999590e+00;
	v6 =	vsel vm0, v6, v27;
	v22 =	vld [tilespmem:s0+$0x8050]  }
0x173: {  	v17 =	vmin.f32 v17, $9.998999590e+00;
	v33 =	vadd.f32 $4.096000000e+03, v18;
	v18 =	vsub.f32 $1.228800000e+04, v18;
	v27 =	vld [tilespmem:s0+$0x8010]  }
0x174: {  	v10 =	vtrunc.f32 v10;
	v8 =	vmin.f32 v8, $9.998999590e+00;
	v17 =	vmul.f32 $4.096000060e+02, v17;
	v34 =	vld [tilespmem:s0+$0x14420]  }
0x175: {  	v10 =	vcvt.f32.s32 v10;
	v18 =	vsel vm1, v33, v18;
	v6 =	vtrunc.f32 v6;
	v35 =	vld [tilespmem:s0+$0x8070]  }
0x176: {  	v36 =	vadd.f32 $4.096000000e+03, v17;
	v17 =	vsub.f32 $1.228800000e+04, v17;
	v18 =	vtrunc.f32 v18;
	v33 =	vld [tilespmem:s0+$0x8440]  }
0x177: {  	v8 =	vmul.f32 $4.096000060e+02, v8;
	v18 =	vcvt.f32.s32 v18;
	vm0 =	veq.s32 v25, $0x0;
	v37 =	vld [tilespmem:s0+$0x8020]  }
0x178: {  	v17 =	vsel vm0, v36, v17;
	vm0 =	veq.s32 v5, $0x0;
	v6 =	vcvt.f32.s32 v6;
	[tilespmem:v23+s28+$0x0] =	vst.idx.add.f32.msk $0xffff, v1  }
0x179: {  	v5 =	vtrunc.f32 v17;
	v17 =	vadd.f32 $4.096000000e+03, v8;
	v8 =	vsub.f32 $1.228800000e+04, v8;
	[tilespmem:v4+s28+$0x0] =	vst.idx.add.f32.msk $0xffff, v1  }
0x17a: {  	v2 =	vsel vm2, v2, v3;
	v5 =	vcvt.f32.s32 v5;
	v23 =	vmax.f32 v31, $-9.998999590e+00;
	v4 =	vld [tilespmem:s0+$0x14020]  }
0x17b: {  	v3 =	vtrunc.f32 v13;
	v8 =	vsel vm0, v17, v8;
	[tilespmem:v20+s28+$0x0] =	vst.idx.add.f32.msk $0xffff, v1  }
0x17c: {  	v2 =	vtrunc.f32 v2;
	v13 =	vmax.f32 v35, $-9.998999590e+00;
	v20 =	vmax.f32 v28, $-9.998999590e+00;
	v17 =	vld [tilespmem:s0+$0x8420]  }
0x17d: {  	v2 =	vcvt.f32.s32 v2;
	v13 =	vmin.f32 v13, $9.998999590e+00;
	v25 =	vmax.f32 v37, $-9.998999590e+00;
	[tilespmem:v16+s28+$0x0] =	vst.idx.add.f32.msk $0xffff, v1  }
0x17e: {  	v3 =	vcvt.f32.s32 v3;
	v19 =	vmax.f32 v19, $-9.998999590e+00;
	v16 =	vmax.f32 v22, $-9.998999590e+00;
	[tilespmem:v6+s28+$0x0] =	vst.idx.add.f32.msk $0xffff, v1  }
0x17f: {  	v8 =	vtrunc.f32 v8;
	v6 =	vmin.f32 v16, $9.998999590e+00;
	v16 =	vmax.f32 v32, $-9.998999590e+00;
	[tilespmem:v26+s28+$0x0] =	vst.idx.add.f32.msk $0xffff, v1  }
0x180: {  	vm0 =	veq.s32 v4, $0x0;
	v22 =	vmul.f32 $4.096000060e+02, v6;
	v4 =	vmin.f32 v19, $9.998999590e+00;
	[tilespmem:v21+s28+$0x0] =	vst.idx.add.f32.msk $0xffff, v1  }
0x181: {  	v20 =	vmin.f32 v20, $9.998999590e+00;
	v19 =	vmul.f32 $4.096000060e+02, v13;
	v6 =	vmax.f32 v29, $-9.998999590e+00;
	[tilespmem:v15+s28+$0x0] =	vst.idx.add.f32.msk $0xffff, v1  }
0x182: {  	v13 =	vmax.f32 v33, $-9.998999590e+00;
	v15 =	vadd.f32 $4.096000000e+03, v22;
	v17 =	vmax.f32 v17, $-9.998999590e+00;
	[tilespmem:v10+s28+$0x0] =	vst.idx.add.f32.msk $0xffff, v1  }
0x183: {  	vm2 =	veq.s32 v14, $0x0;
	vm3 =	veq.s32 v30, $0x0;
	v10 =	vmin.f32 v25, $9.998999590e+00;
	[tilespmem:v18+s28+$0x0] =	vst.idx.add.f32.msk $0xffff, v1  }
0x184: {  	v21 =	vmin.f32 v6, $9.998999590e+00;
	v18 =	vmul.f32 $4.096000060e+02, v4;
	[tilespmem:v5+s28+$0x0] =	vst.idx.add.f32.msk $0xffff, v1;
	v5 =	vcvt.f32.s32 v8  }
0x185: {  	v6 =	vmul.f32 $4.096000060e+02, v10;
	v10 =	vmin.f32 v23, $9.998999590e+00;
	v4 =	vmin.f32 v13, $9.998999590e+00;
	[tilespmem:v3+s28+$0x0] =	vst.idx.add.f32.msk $0xffff, v1  }
0x186: {  	v14 =	vmax.f32 v24, $-9.998999590e+00;
	v13 =	vsub.f32 $1.228800000e+04, v19;
	v3 =	vmul.f32 $4.096000060e+02, v4;
	[tilespmem:v2+s28+$0x0] =	vst.idx.add.f32.msk $0xffff, v1  }
0x187: {  	v25 =	vmin.f32 v16, $9.998999590e+00;
	v4 =	vsub.f32 $1.228800000e+04, v6;
	v23 =	vsub.f32 $1.228800000e+04, v18;
	v24 =	vld [tilespmem:s0+$0x14440]  }
0x188: {  	vm1 =	veq.s32 v12, $0x0;
	v18 =	vadd.f32 $4.096000000e+03, v18;
	v2 =	vmin.f32 v17, $9.998999590e+00;
	v26 =	vld [tilespmem:s0+$0x14070]  }
0x189: {  	v20 =	vmul.f32 $4.096000060e+02, v20;
	v8 =	vmax.f32 v27, $-9.998999590e+00;
	v16 =	vadd.f32 $4.096000000e+03, v3;
	[tilespmem:v7+s28+$0x0] =	vst.idx.add.f32.msk $0xffff, v1  }
0x18a: {  	vm5 =	veq.s32 v11, $0x0;
	v17 =	vadd.f32 $4.096000000e+03, v19;
	v7 =	vmin.f32 v8, $9.998999590e+00;
	[tilespmem:v5+s28+$0x0] =	vst.idx.add.f32.msk $0xffff, v1  }
0x18b: {  	v27 =	vmul.f32 $4.096000060e+02, v2;
	v5 =	vmul.f32 $4.096000060e+02, v21;
	v21 =	vsub.f32 $1.228800000e+04, v20;
	v28 =	vld [tilespmem:s0+$0x14460]  }
0x18c: {  	vm7 =	veq.s32 v9, $0x0;
	v19 =	vsub.f32 $1.228800000e+04, v22;
	v11 =	vsub.f32 $1.228800000e+04, v3;
	v12 =	vld [tilespmem:s0+$0x8000]  }
.Ltmp3:
0x18d: {  	vm4 =	veq.s32 v34, $0x0;
	v22 =	vadd.f32 $4.096000000e+03, v20;
	v2 =	vadd.f32 $4.096000000e+03, v5;
	v8 =	vld [tilespmem:s0+$0x8400];
	(pc) =	sbr.rel @p0 .LBB2_8-.Ltmp3, $4  }
0x18e: {  	v9 =	vsel vm5, v18, v23;
	v15 =	vsel vm2, v15, v19;
	vm5 =	veq.s32 v24, $0x0  }
0x18f: {  	v23 =	vmul.f32 $4.096000060e+02, v10;
	v3 =	vsub.f32 $1.228800000e+04, v5;
	vm6 =	veq.s32 v26, $0x0;
	v19 =	vld [tilespmem:s0+$0x14030]  }
0x190: {  	v9 =	vtrunc.f32 v9;
	v20 =	vsub.f32 $1.228800000e+04, v27;
	v10 =	vsel vm7, v22, v21;
	v18 =	vld [tilespmem:s0+$0x14450]  }
0x191: {  	v22 =	vadd.f32 $4.096000000e+03, v27;
	v21 =	vmul.f32 $4.096000060e+02, v25;
	vm2 =	veq.s32 v28, $0x0;
	v5 =	vld [tilespmem:s0+$0x14400]  }
0x192: {  	v24 =	vadd.f32 $4.096000000e+03, v23;
	v23 =	vsub.f32 $1.228800000e+04, v23  }
0x193: {  	v13 =	vsel vm6, v17, v13;
	v14 =	vmin.f32 v14, $9.998999590e+00;
	v11 =	vsel vm5, v16, v11  }
0x194: {  	v9 =	vcvt.f32.s32 v9;
	v15 =	vtrunc.f32 v15;
	v12 =	vmax.f32 v12, $-9.998999590e+00  }
0x195: {  	v6 =	vadd.f32 $4.096000000e+03, v6;
	v7 =	vmul.f32 $4.096000060e+02, v7;
	v8 =	vmax.f32 v8, $-9.998999590e+00  }
0x196: {  	v2 =	vsel vm2, v2, v3;
	v16 =	vadd.f32 $4.096000000e+03, v21;
	v14 =	vmul.f32 $4.096000060e+02, v14  }
0x197: {  	v15 =	vcvt.f32.s32 v15;
	v12 =	vmin.f32 v12, $9.998999590e+00;
	v11 =	vtrunc.f32 v11  }
0x198: {  	v17 =	vld [tilespmem:s0+$0x8410];
	v3 =	vtrunc.f32 v13;
	v2 =	vtrunc.f32 v2;
	vm5 =	veq.s32 v19, $0x0  }
0x199: {  	v19 =	vsel vm4, v22, v20;
	v20 =	vsub.f32 $1.228800000e+04, v21;
	v12 =	vmul.f32 $4.096000060e+02, v12  }
0x19a: {  	v11 =	vcvt.f32.s32 v11;
	v4 =	vsel vm0, v6, v4;
	v6 =	vmin.f32 v8, $9.998999590e+00  }
0x19b: {  	v8 =	vtrunc.f32 v10;
	v3 =	vcvt.f32.s32 v3;
	vm4 =	veq.s32 v18, $0x0  }
0x19c: {  	v18 =	vtrunc.f32 v19;
	v19 =	vadd.f32 $4.096000000e+03, v14;
	v14 =	vsub.f32 $1.228800000e+04, v14  }
0x19d: {  	v21 =	vld [tilespmem:s0+$0x14410];
	v2 =	vcvt.f32.s32 v2;
	v6 =	vmul.f32 $4.096000060e+02, v6;
	v17 =	vmax.f32 v17, $-9.998999590e+00  }
0x19e: {  	v8 =	vcvt.f32.s32 v8;
	v14 =	vsel vm3, v19, v14;
	v19 =	vld [tilespmem:s0+$0x14000];
	v17 =	vmin.f32 v17, $9.998999590e+00  }
0x19f: {  	v22 =	vld [tilespmem:s0+$0x8060];
	v4 =	vtrunc.f32 v4;
	v16 =	vsel vm4, v16, v20;
	v17 =	vmul.f32 $4.096000060e+02, v17  }
0x1a0: {  	v20 =	vsel vm5, v24, v23;
	v18 =	vcvt.f32.s32 v18;
	v4 =	vcvt.f32.s32 v4  }
0x1a1: {  	v16 =	vtrunc.f32 v16;
	v23 =	vadd.f32 $4.096000000e+03, v17;
	v17 =	vsub.f32 $1.228800000e+04, v17  }
0x1a2: {  	vm3 =	veq.s32 v21, $0x0;
	v21 =	vadd.f32 $4.096000000e+03, v12;
	v12 =	vsub.f32 $1.228800000e+04, v12  }
0x1a3: {  	v20 =	vtrunc.f32 v20;
	v17 =	vsel vm3, v23, v17;
	vm3 =	veq.s32 v19, $0x0  }
0x1a4: {  	v16 =	vcvt.f32.s32 v16;
	v19 =	vld [tilespmem:s0+$0x14060];
	v12 =	vsel vm3, v21, v12;
	v21 =	vmax.f32 v22, $-9.998999590e+00  }
0x1a5: {  	v14 =	vtrunc.f32 v14;
	v20 =	vcvt.f32.s32 v20;
	[tilespmem:v9+s28+$0x0] =	vst.idx.add.f32.msk $0xffff, v1;
	v21 =	vmin.f32 v21, $9.998999590e+00  }
0x1a6: {  	v14 =	vcvt.f32.s32 v14;
	[tilespmem:v15+s28+$0x0] =	vst.idx.add.f32.msk $0xffff, v1;
	v21 =	vmul.f32 $4.096000060e+02, v21  }
0x1a7: {  	[tilespmem:v11+s28+$0x0] =	vst.idx.add.f32.msk $0xffff, v1;
	v17 =	vtrunc.f32 v17;
	v22 =	vadd.f32 $4.096000000e+03, v7;
	v7 =	vsub.f32 $1.228800000e+04, v7  }
0x1a8: {  	[tilespmem:v3+s28+$0x0] =	vst.idx.add.f32.msk $0xffff, v1;
	v17 =	vcvt.f32.s32 v17;
	v9 =	vadd.f32 $4.096000000e+03, v21;
	v10 =	vsub.f32 $1.228800000e+04, v21  }
0x1a9: {  	[tilespmem:v2+s28+$0x0] =	vst.idx.add.f32.msk $0xffff, v1;
	v12 =	vtrunc.f32 v12;
	v7 =	vsel vm1, v22, v7;
	vm0 =	veq.s32 v19, $0x0  }
0x1aa: {  	[tilespmem:v8+s28+$0x0] =	vst.idx.add.f32.msk $0xffff, v1;
	v9 =	vsel vm0, v9, v10;
	v10 =	vadd.f32 $4.096000000e+03, v6;
	v6 =	vsub.f32 $1.228800000e+04, v6  }
0x1ab: {  	[tilespmem:v18+s28+$0x0] =	vst.idx.add.f32.msk $0xffff, v1;
	v12 =	vcvt.f32.s32 v12;
	v7 =	vtrunc.f32 v7;
	vm0 =	veq.s32 v5, $0x0  }
0x1ac: {  	[tilespmem:v4+s28+$0x0] =	vst.idx.add.f32.msk $0xffff, v1;
	v7 =	vcvt.f32.s32 v7;
	v9 =	vtrunc.f32 v9;
	v5 =	vsel vm0, v10, v6  }
0x1ad: {  	[tilespmem:v20+s28+$0x0] =	vst.idx.add.f32.msk $0xffff, v1;
	v9 =	vcvt.f32.s32 v9;
	v5 =	vtrunc.f32 v5  }
0x1ae: {  	[tilespmem:v16+s28+$0x0] =	vst.idx.add.f32.msk $0xffff, v1;
	v5 =	vcvt.f32.s32 v5  }
0x1af: {  	[tilespmem:v14+s28+$0x0] =	vst.idx.add.f32.msk $0xffff, v1  }
0x1b0: {  	[tilespmem:v17+s28+$0x0] =	vst.idx.add.f32.msk $0xffff, v1  }
0x1b1: {  	[tilespmem:v12+s28+$0x0] =	vst.idx.add.f32.msk $0xffff, v1  }
0x1b2: {  	[tilespmem:v7+s28+$0x0] =	vst.idx.add.f32.msk $0xffff, v1  }
0x1b3: {  	[tilespmem:v9+s28+$0x0] =	vst.idx.add.f32.msk $0xffff, v1  }
0x1b4: {  	s25 =	simm.s32 $0x0;
	s5 =	simm.s32 $0x8000;
	[tilespmem:v5+s28+$0x0] =	vst.idx.add.f32.msk $0xffff, v1  }
0x1b5: {  	[tilespmem:s5], [sflag:$0x3] =	stream.linear.gather [hbm4b:s14+s25], $0x4000, $0x38;
	[tilespmem:$0x1C000] =	vst v63  }
0x1b6: {  	s6 =	simm.s32 $0x14000  }
0x1b7: {  	[tilespmem:s6], [sflag:$0x3] =	stream.linear.gather [hbm4b:s15+s25], $0x4000, $0x38;
	[tilespmem:$0x1C000] =	vst v63  }
0x1b8: {  	_ =	swait.ge [sflag:s3], $0x4000  }
0x1b9: {  	[sflag:s3] =	ssyncset.done $0x0  }
0x1ba: {  	s26 =	simm.s32 $0x0;
	s4 =	simm.s32 $0x0;
	[sflag:s3] =	ssyncadd.s32 $0xFFFFC000  }
0x1bb: {  	s0 =	sand.u32 $0x3000, s26;
	s5 =	sand.u32 $0x800, s25;
	_ =	swait.ge [sflag:s3], $0x4000  }
0x1bc: {  	s4 =	sand.u32 $0x380, s4;
	s0 =	sor.u32 s5, s0;
	[sflag:s3] =	ssyncset.done $0x0  }
0x1bd: {  	s0 =	sor.u32 s4, s0;
	[sflag:s3] =	ssyncadd.s32 $0xFFFFC000  }
0x1be: {  	v2 =	vld [tilespmem:s0+$0x470]  }
0x1bf: {  	v3 =	vld [tilespmem:s0+$0x460]  }
0x1c0: {  	v4 =	vld [tilespmem:s0+$0x450]  }
0x1c1: {  	v5 =	vld [tilespmem:s0+$0x30]  }
0x1c2: {  	v6 =	vld [tilespmem:s0+$0x50]  }
0x1c3: {  	v7 =	vld [tilespmem:s0+$0x70]  }
0x1c4: {  	v8 =	vld [tilespmem:s0+$0x20]  }
0x1c5: {  	v9 =	vld [tilespmem:s0+$0x430]  }
0x1c6: {  	v10 =	vld [tilespmem:s0+$0xC020]  }
0x1c7: {  	v11 =	vld [tilespmem:s0+$0xC040]  }
0x1c8: {  	v13 =	vld [tilespmem:s0+$0x440]  }
0x1c9: {  	v14 =	vld [tilespmem:s0+$0xC050]  }
0x1ca: {  	v15 =	vld [tilespmem:s0+$0x40]  }
0x1cb: {  	v19 =	vld [tilespmem:s0+$0xC430]  }
0x1cc: {  	v20 =	vld [tilespmem:s0+$0xC470]  }
0x1cd: {  	v22 =	vld [tilespmem:s0+$0xC420]  }
0x1ce: {  	v26 =	vld [tilespmem:s0+$0xC070];
	v5 =	vmax.f32 v5, $-9.998999590e+00;
	v7 =	vmax.f32 v7, $-9.998999590e+00  }
0x1cf: {  	v2 =	vmax.f32 v2, $-9.998999590e+00;
	v8 =	vmax.f32 v8, $-9.998999590e+00;
	v6 =	vmax.f32 v6, $-9.998999590e+00  }
0x1d0: {  	v9 =	vmax.f32 v9, $-9.998999590e+00;
	v16 =	vmax.f32 v4, $-9.998999590e+00;
	vm0 =	veq.s32 v10, $0x0  }
0x1d1: {  	v12 =	vld [tilespmem:s0+$0x420];
	v3 =	vmax.f32 v3, $-9.998999590e+00;
	v13 =	vmax.f32 v13, $-9.998999590e+00;
	vm3 =	veq.s32 v11, $0x0  }
0x1d2: {  	vm2 =	veq.s32 v14, $0x0;
	v14 =	vmax.f32 v15, $-9.998999590e+00;
	vm5 =	veq.s32 v19, $0x0  }
0x1d3: {  	vm7 =	veq.s32 v20, $0x0;
	vm4 =	veq.s32 v22, $0x0;
	vm6 =	veq.s32 v26, $0x0  }
0x1d4: {  	v7 =	vmin.f32 v7, $9.998999590e+00;
	v6 =	vmin.f32 v6, $9.998999590e+00;
	v4 =	vmin.f32 v9, $9.998999590e+00  }
0x1d5: {  	v2 =	vmin.f32 v2, $9.998999590e+00;
	v3 =	vmin.f32 v3, $9.998999590e+00;
	v5 =	vmin.f32 v5, $9.998999590e+00  }
0x1d6: {  	v10 =	vmul.f32 $4.096000060e+02, v6;
	v9 =	vmul.f32 $4.096000060e+02, v7;
	v7 =	vmax.f32 v12, $-9.998999590e+00  }
0x1d7: {  	v25 =	vld [tilespmem:s0+$0xC440];
	v6 =	vmin.f32 v8, $9.998999590e+00;
	v11 =	vmul.f32 $4.096000060e+02, v4;
	v4 =	vmin.f32 v13, $9.998999590e+00  }
0x1d8: {  	v12 =	vld [tilespmem:s0+$0xC010];
	v6 =	vmul.f32 $4.096000060e+02, v6;
	v18 =	vadd.f32 $4.096000000e+03, v10;
	v13 =	vsub.f32 $1.228800000e+04, v9  }
0x1d9: {  	v8 =	vld [tilespmem:s0+$0x10];
	v15 =	vmul.f32 $4.096000060e+02, v4;
	v21 =	vsub.f32 $1.228800000e+04, v11;
	v23 =	vadd.f32 $4.096000000e+03, v11  }
0x1da: {  	v29 =	vld [tilespmem:s0+$0xC460];
	v63 =	vmin.f32 v16, $9.998999590e+00;
	v17 =	vadd.f32 $4.096000000e+03, v9;
	v9 =	vsub.f32 $1.228800000e+04, v10  }
0x1db: {  	v3 =	vmul.f32 $4.096000060e+02, v3;
	v4 =	vsub.f32 $1.228800000e+04, v6;
	v16 =	vadd.f32 $4.096000000e+03, v15  }
0x1dc: {  	v11 =	vsub.f32 $1.228800000e+04, v15;
	v15 =	vsel vm2, v18, v9;
	v9 =	vsel vm5, v23, v21  }
0x1dd: {  	v19 =	vld [tilespmem:s0+$0xC030];
	vm5 =	veq.s32 v25, $0x0;
	v23 =	vmul.f32 $4.096000060e+02, v5;
	vm1 =	veq.s32 v12, $0x0  }
0x1de: {  	v12 =	vmin.f32 v7, $9.998999590e+00;
	v7 =	vmax.f32 v8, $-9.998999590e+00;
	v8 =	vmul.f32 $4.096000060e+02, v2  }
0x1df: {  	v18 =	vld [tilespmem:s0+$0xC450];
	v21 =	vmul.f32 $4.096000060e+02, v63;
	vm2 =	veq.s32 v29, $0x0;
	v2 =	vadd.f32 $4.096000000e+03, v3  }
0x1e0: {  	v5 =	vld [tilespmem:s0+$0xC400];
	v27 =	vmul.f32 $4.096000060e+02, v12;
	v28 =	vsub.f32 $1.228800000e+04, v8;
	v10 =	vadd.f32 $4.096000000e+03, v8  }
0x1e1: {  	v3 =	vsub.f32 $1.228800000e+04, v3;
	v9 =	vtrunc.f32 v9;
	v7 =	vmin.f32 v7, $9.998999590e+00;
	v12 =	vld [tilespmem:s0+$0x0]  }
0x1e2: {  	s26 =	simm.s32 $0x0;
	v8 =	vld [tilespmem:s0+$0x400];
	v20 =	vsub.f32 $1.228800000e+04, v27;
	v22 =	vadd.f32 $4.096000000e+03, v27;
	v10 =	vsel vm7, v10, v28  }
.LBB2_10:
0x1e3: {  	s26 =	sadd.s32 $0x10, s26;
	v24 =	vadd.f32 $4.096000000e+03, v23;
	v23 =	vsub.f32 $1.228800000e+04, v23;
	v25 =	vld [tilespmem:s0+$0xC060];
	v13 =	vsel vm6, v17, v13;
	s25 =	sadd.s32 $0x800, s25  }
0x1e4: {  	v14 =	vmin.f32 v14, $9.998999590e+00;
	v16 =	vsel vm5, v16, v11;
	s4 =	sshll.u32 s26, $0x4;
	s5 =	sshll.u32 s26, $0x2;
	p0 =	slt.u32 s26, $0x3F0;
	v17 =	vld [tilespmem:s0+$0x60];
	v11 =	vadd.f32 $4.096000000e+03, v21  }
0x1e5: {  	s6 =	sand.u32 $0x800, s25;
	v20 =	vsel vm4, v22, v20;
	v21 =	vsub.f32 $1.228800000e+04, v21;
	s4 =	sand.u32 $0x3000, s4;
	vm5 =	veq.s32 v19, $0x0;
	v19 =	vld [tilespmem:s0+$0x410]  }
0x1e6: {  	v14 =	vmul.f32 $4.096000060e+02, v14;
	s5 =	sand.u32 $0x380, s5;
	s4 =	sor.u32 s6, s4;
	v22 =	vld [tilespmem:s0+$0xC000];
	v23 =	vsel vm5, v24, v23;
	vm4 =	veq.s32 v18, $0x0  }
0x1e7: {  	v20 =	vtrunc.f32 v20;
	v24 =	vcvt.f32.s32 v9;
	v18 =	vld [tilespmem:s0+$0xC410];
	s0 =	sor.u32 s5, s4;
	v11 =	vsel vm4, v11, v21  }
0x1e8: {  	v21 =	vadd.f32 $4.096000000e+03, v14;
	v14 =	vsub.f32 $1.228800000e+04, v14;
	v9 =	vld [tilespmem:s0+$0xC470];
	v26 =	vtrunc.f32 v11  }
0x1e9: {  	v27 =	vmax.f32 v12, $-9.998999590e+00;
	v20 =	vcvt.f32.s32 v20;
	v11 =	vld [tilespmem:s0+$0xC430];
	v26 =	vcvt.f32.s32 v26  }
0x1ea: {  	v15 =	vtrunc.f32 v15;
	v21 =	vsel vm3, v21, v14;
	v12 =	vld [tilespmem:s0+$0xC010];
	v19 =	vmax.f32 v19, $-9.998999590e+00  }
0x1eb: {  	v15 =	vcvt.f32.s32 v15;
	v21 =	vtrunc.f32 v21;
	v14 =	vld [tilespmem:s0+$0xC050];
	v19 =	vmin.f32 v19, $9.998999590e+00  }
0x1ec: {  	v27 =	vmin.f32 v27, $9.998999590e+00;
	v21 =	vcvt.f32.s32 v21;
	v28 =	vld [tilespmem:s0+$0x470];
	v19 =	vmul.f32 $4.096000060e+02, v19  }
0x1ed: {  	v6 =	vadd.f32 $4.096000000e+03, v6;
	v16 =	vtrunc.f32 v16;
	v23 =	vtrunc.f32 v23;
	v29 =	vld [tilespmem:s0+$0x460]  }
0x1ee: {  	v23 =	vcvt.f32.s32 v23;
	v30 =	vld [tilespmem:s0+$0xC040];
	v31 =	vadd.f32 $4.096000000e+03, v19  }
0x1ef: {  	v4 =	vsel vm0, v6, v4;
	v6 =	vsub.f32 $1.228800000e+04, v19;
	v32 =	vld [tilespmem:s0+$0x450]  }
0x1f0: {  	v27 =	vmul.f32 $4.096000060e+02, v27;
	v4 =	vtrunc.f32 v4;
	vm0 =	veq.s32 v18, $0x0;
	v19 =	vld [tilespmem:s0+$0x430]  }
0x1f1: {  	v18 =	vmul.f32 $4.096000060e+02, v7;
	v7 =	vcvt.f32.s32 v4;
	v4 =	vsel vm0, v31, v6;
	[tilespmem:v24+s28+$0x0] =	vst.idx.add.f32.msk $0xffff, v1  }
0x1f2: {  	v6 =	vadd.f32 $4.096000000e+03, v27;
	v27 =	vsub.f32 $1.228800000e+04, v27;
	v4 =	vtrunc.f32 v4;
	v24 =	vld [tilespmem:s0+$0x40]  }
0x1f3: {  	v16 =	vcvt.f32.s32 v16;
	vm0 =	veq.s32 v22, $0x0;
	v4 =	vcvt.f32.s32 v4;
	v31 =	vld [tilespmem:s0+$0x30]  }
0x1f4: {  	v8 =	vmax.f32 v8, $-9.998999590e+00;
	v17 =	vmax.f32 v17, $-9.998999590e+00;
	v6 =	vsel vm0, v6, v27;
	v22 =	vld [tilespmem:s0+$0x50]  }
0x1f5: {  	v17 =	vmin.f32 v17, $9.998999590e+00;
	v33 =	vadd.f32 $4.096000000e+03, v18;
	v18 =	vsub.f32 $1.228800000e+04, v18;
	v27 =	vld [tilespmem:s0+$0x10]  }
0x1f6: {  	v10 =	vtrunc.f32 v10;
	v8 =	vmin.f32 v8, $9.998999590e+00;
	v17 =	vmul.f32 $4.096000060e+02, v17;
	v34 =	vld [tilespmem:s0+$0xC420]  }
0x1f7: {  	v10 =	vcvt.f32.s32 v10;
	v18 =	vsel vm1, v33, v18;
	v6 =	vtrunc.f32 v6;
	v35 =	vld [tilespmem:s0+$0x70]  }
0x1f8: {  	v36 =	vadd.f32 $4.096000000e+03, v17;
	v17 =	vsub.f32 $1.228800000e+04, v17;
	v18 =	vtrunc.f32 v18;
	v33 =	vld [tilespmem:s0+$0x440]  }
0x1f9: {  	v8 =	vmul.f32 $4.096000060e+02, v8;
	v18 =	vcvt.f32.s32 v18;
	vm0 =	veq.s32 v25, $0x0;
	v37 =	vld [tilespmem:s0+$0x20]  }
0x1fa: {  	v17 =	vsel vm0, v36, v17;
	vm0 =	veq.s32 v5, $0x0;
	v6 =	vcvt.f32.s32 v6;
	[tilespmem:v23+s28+$0x0] =	vst.idx.add.f32.msk $0xffff, v1  }
0x1fb: {  	v5 =	vtrunc.f32 v17;
	v17 =	vadd.f32 $4.096000000e+03, v8;
	v8 =	vsub.f32 $1.228800000e+04, v8;
	[tilespmem:v4+s28+$0x0] =	vst.idx.add.f32.msk $0xffff, v1  }
0x1fc: {  	v2 =	vsel vm2, v2, v3;
	v5 =	vcvt.f32.s32 v5;
	v23 =	vmax.f32 v31, $-9.998999590e+00;
	v4 =	vld [tilespmem:s0+$0xC020]  }
0x1fd: {  	v3 =	vtrunc.f32 v13;
	v8 =	vsel vm0, v17, v8;
	[tilespmem:v20+s28+$0x0] =	vst.idx.add.f32.msk $0xffff, v1  }
0x1fe: {  	v2 =	vtrunc.f32 v2;
	v13 =	vmax.f32 v35, $-9.998999590e+00;
	v20 =	vmax.f32 v28, $-9.998999590e+00;
	v17 =	vld [tilespmem:s0+$0x420]  }
0x1ff: {  	v2 =	vcvt.f32.s32 v2;
	v13 =	vmin.f32 v13, $9.998999590e+00;
	v25 =	vmax.f32 v37, $-9.998999590e+00;
	[tilespmem:v16+s28+$0x0] =	vst.idx.add.f32.msk $0xffff, v1  }
0x200: {  	v3 =	vcvt.f32.s32 v3;
	v19 =	vmax.f32 v19, $-9.998999590e+00;
	v16 =	vmax.f32 v22, $-9.998999590e+00;
	[tilespmem:v6+s28+$0x0] =	vst.idx.add.f32.msk $0xffff, v1  }
0x201: {  	v8 =	vtrunc.f32 v8;
	v6 =	vmin.f32 v16, $9.998999590e+00;
	v16 =	vmax.f32 v32, $-9.998999590e+00;
	[tilespmem:v26+s28+$0x0] =	vst.idx.add.f32.msk $0xffff, v1  }
0x202: {  	vm0 =	veq.s32 v4, $0x0;
	v22 =	vmul.f32 $4.096000060e+02, v6;
	v4 =	vmin.f32 v19, $9.998999590e+00;
	[tilespmem:v21+s28+$0x0] =	vst.idx.add.f32.msk $0xffff, v1  }
0x203: {  	v20 =	vmin.f32 v20, $9.998999590e+00;
	v19 =	vmul.f32 $4.096000060e+02, v13;
	v6 =	vmax.f32 v29, $-9.998999590e+00;
	[tilespmem:v15+s28+$0x0] =	vst.idx.add.f32.msk $0xffff, v1  }
0x204: {  	v13 =	vmax.f32 v33, $-9.998999590e+00;
	v15 =	vadd.f32 $4.096000000e+03, v22;
	v17 =	vmax.f32 v17, $-9.998999590e+00;
	[tilespmem:v10+s28+$0x0] =	vst.idx.add.f32.msk $0xffff, v1  }
0x205: {  	vm2 =	veq.s32 v14, $0x0;
	vm3 =	veq.s32 v30, $0x0;
	v10 =	vmin.f32 v25, $9.998999590e+00;
	[tilespmem:v18+s28+$0x0] =	vst.idx.add.f32.msk $0xffff, v1  }
0x206: {  	v21 =	vmin.f32 v6, $9.998999590e+00;
	v18 =	vmul.f32 $4.096000060e+02, v4;
	[tilespmem:v5+s28+$0x0] =	vst.idx.add.f32.msk $0xffff, v1;
	v5 =	vcvt.f32.s32 v8  }
0x207: {  	v6 =	vmul.f32 $4.096000060e+02, v10;
	v10 =	vmin.f32 v23, $9.998999590e+00;
	v4 =	vmin.f32 v13, $9.998999590e+00;
	[tilespmem:v3+s28+$0x0] =	vst.idx.add.f32.msk $0xffff, v1  }
0x208: {  	v14 =	vmax.f32 v24, $-9.998999590e+00;
	v13 =	vsub.f32 $1.228800000e+04, v19;
	v3 =	vmul.f32 $4.096000060e+02, v4;
	[tilespmem:v2+s28+$0x0] =	vst.idx.add.f32.msk $0xffff, v1  }
0x209: {  	v25 =	vmin.f32 v16, $9.998999590e+00;
	v4 =	vsub.f32 $1.228800000e+04, v6;
	v23 =	vsub.f32 $1.228800000e+04, v18;
	v24 =	vld [tilespmem:s0+$0xC440]  }
0x20a: {  	vm1 =	veq.s32 v12, $0x0;
	v18 =	vadd.f32 $4.096000000e+03, v18;
	v2 =	vmin.f32 v17, $9.998999590e+00;
	v26 =	vld [tilespmem:s0+$0xC070]  }
0x20b: {  	v20 =	vmul.f32 $4.096000060e+02, v20;
	v8 =	vmax.f32 v27, $-9.998999590e+00;
	v16 =	vadd.f32 $4.096000000e+03, v3;
	[tilespmem:v7+s28+$0x0] =	vst.idx.add.f32.msk $0xffff, v1  }
0x20c: {  	vm5 =	veq.s32 v11, $0x0;
	v17 =	vadd.f32 $4.096000000e+03, v19;
	v7 =	vmin.f32 v8, $9.998999590e+00;
	[tilespmem:v5+s28+$0x0] =	vst.idx.add.f32.msk $0xffff, v1  }
0x20d: {  	v27 =	vmul.f32 $4.096000060e+02, v2;
	v5 =	vmul.f32 $4.096000060e+02, v21;
	v21 =	vsub.f32 $1.228800000e+04, v20;
	v28 =	vld [tilespmem:s0+$0xC460]  }
0x20e: {  	vm7 =	veq.s32 v9, $0x0;
	v19 =	vsub.f32 $1.228800000e+04, v22;
	v11 =	vsub.f32 $1.228800000e+04, v3;
	v12 =	vld [tilespmem:s0+$0x0]  }
.Ltmp4:
0x20f: {  	vm4 =	veq.s32 v34, $0x0;
	v22 =	vadd.f32 $4.096000000e+03, v20;
	v2 =	vadd.f32 $4.096000000e+03, v5;
	v8 =	vld [tilespmem:s0+$0x400];
	(pc) =	sbr.rel @p0 .LBB2_10-.Ltmp4, $4  }
0x210: {  	v9 =	vsel vm5, v18, v23;
	v15 =	vsel vm2, v15, v19;
	vm5 =	veq.s32 v24, $0x0  }
0x211: {  	v23 =	vmul.f32 $4.096000060e+02, v10;
	v3 =	vsub.f32 $1.228800000e+04, v5;
	vm6 =	veq.s32 v26, $0x0;
	v19 =	vld [tilespmem:s0+$0xC030]  }
0x212: {  	v9 =	vtrunc.f32 v9;
	v20 =	vsub.f32 $1.228800000e+04, v27;
	v10 =	vsel vm7, v22, v21;
	v18 =	vld [tilespmem:s0+$0xC450]  }
0x213: {  	v22 =	vadd.f32 $4.096000000e+03, v27;
	v21 =	vmul.f32 $4.096000060e+02, v25;
	vm2 =	veq.s32 v28, $0x0;
	v5 =	vld [tilespmem:s0+$0xC400]  }
0x214: {  	v24 =	vadd.f32 $4.096000000e+03, v23;
	v23 =	vsub.f32 $1.228800000e+04, v23  }
0x215: {  	v13 =	vsel vm6, v17, v13;
	v14 =	vmin.f32 v14, $9.998999590e+00;
	v11 =	vsel vm5, v16, v11  }
0x216: {  	v9 =	vcvt.f32.s32 v9;
	v15 =	vtrunc.f32 v15;
	v12 =	vmax.f32 v12, $-9.998999590e+00  }
0x217: {  	v6 =	vadd.f32 $4.096000000e+03, v6;
	v7 =	vmul.f32 $4.096000060e+02, v7;
	v8 =	vmax.f32 v8, $-9.998999590e+00  }
0x218: {  	v2 =	vsel vm2, v2, v3;
	v16 =	vadd.f32 $4.096000000e+03, v21;
	v14 =	vmul.f32 $4.096000060e+02, v14  }
0x219: {  	v15 =	vcvt.f32.s32 v15;
	v12 =	vmin.f32 v12, $9.998999590e+00;
	v11 =	vtrunc.f32 v11  }
0x21a: {  	v17 =	vld [tilespmem:s0+$0x410];
	v3 =	vtrunc.f32 v13;
	v2 =	vtrunc.f32 v2;
	vm5 =	veq.s32 v19, $0x0  }
0x21b: {  	v19 =	vsel vm4, v22, v20;
	v20 =	vsub.f32 $1.228800000e+04, v21;
	v12 =	vmul.f32 $4.096000060e+02, v12  }
0x21c: {  	v11 =	vcvt.f32.s32 v11;
	v4 =	vsel vm0, v6, v4;
	v6 =	vmin.f32 v8, $9.998999590e+00  }
0x21d: {  	v8 =	vtrunc.f32 v10;
	v3 =	vcvt.f32.s32 v3;
	vm4 =	veq.s32 v18, $0x0  }
0x21e: {  	v18 =	vtrunc.f32 v19;
	v19 =	vadd.f32 $4.096000000e+03, v14;
	v14 =	vsub.f32 $1.228800000e+04, v14  }
0x21f: {  	v21 =	vld [tilespmem:s0+$0xC410];
	v2 =	vcvt.f32.s32 v2;
	v6 =	vmul.f32 $4.096000060e+02, v6;
	v17 =	vmax.f32 v17, $-9.998999590e+00  }
0x220: {  	v8 =	vcvt.f32.s32 v8;
	v14 =	vsel vm3, v19, v14;
	v19 =	vld [tilespmem:s0+$0xC000];
	v17 =	vmin.f32 v17, $9.998999590e+00  }
0x221: {  	v22 =	vld [tilespmem:s0+$0x60];
	v4 =	vtrunc.f32 v4;
	v16 =	vsel vm4, v16, v20;
	v17 =	vmul.f32 $4.096000060e+02, v17  }
0x222: {  	v20 =	vsel vm5, v24, v23;
	v18 =	vcvt.f32.s32 v18;
	v4 =	vcvt.f32.s32 v4  }
0x223: {  	v16 =	vtrunc.f32 v16;
	v23 =	vadd.f32 $4.096000000e+03, v17;
	v17 =	vsub.f32 $1.228800000e+04, v17  }
0x224: {  	vm3 =	veq.s32 v21, $0x0;
	v21 =	vadd.f32 $4.096000000e+03, v12;
	v12 =	vsub.f32 $1.228800000e+04, v12  }
0x225: {  	v20 =	vtrunc.f32 v20;
	v17 =	vsel vm3, v23, v17;
	vm3 =	veq.s32 v19, $0x0  }
0x226: {  	v16 =	vcvt.f32.s32 v16;
	v19 =	vld [tilespmem:s0+$0xC060];
	v12 =	vsel vm3, v21, v12;
	v21 =	vmax.f32 v22, $-9.998999590e+00  }
0x227: {  	v14 =	vtrunc.f32 v14;
	v20 =	vcvt.f32.s32 v20;
	[tilespmem:v9+s28+$0x0] =	vst.idx.add.f32.msk $0xffff, v1;
	v21 =	vmin.f32 v21, $9.998999590e+00  }
0x228: {  	v14 =	vcvt.f32.s32 v14;
	[tilespmem:v15+s28+$0x0] =	vst.idx.add.f32.msk $0xffff, v1;
	v21 =	vmul.f32 $4.096000060e+02, v21  }
0x229: {  	[tilespmem:v11+s28+$0x0] =	vst.idx.add.f32.msk $0xffff, v1;
	v17 =	vtrunc.f32 v17;
	v22 =	vadd.f32 $4.096000000e+03, v7;
	v7 =	vsub.f32 $1.228800000e+04, v7  }
0x22a: {  	[tilespmem:v3+s28+$0x0] =	vst.idx.add.f32.msk $0xffff, v1;
	v17 =	vcvt.f32.s32 v17;
	v9 =	vadd.f32 $4.096000000e+03, v21;
	v10 =	vsub.f32 $1.228800000e+04, v21  }
0x22b: {  	[tilespmem:v2+s28+$0x0] =	vst.idx.add.f32.msk $0xffff, v1;
	v12 =	vtrunc.f32 v12;
	v7 =	vsel vm1, v22, v7;
	vm0 =	veq.s32 v19, $0x0  }
0x22c: {  	[tilespmem:v8+s28+$0x0] =	vst.idx.add.f32.msk $0xffff, v1;
	v9 =	vsel vm0, v9, v10;
	v10 =	vadd.f32 $4.096000000e+03, v6;
	v6 =	vsub.f32 $1.228800000e+04, v6  }
0x22d: {  	[tilespmem:v18+s28+$0x0] =	vst.idx.add.f32.msk $0xffff, v1;
	v12 =	vcvt.f32.s32 v12;
	v7 =	vtrunc.f32 v7;
	vm0 =	veq.s32 v5, $0x0  }
0x22e: {  	[tilespmem:v4+s28+$0x0] =	vst.idx.add.f32.msk $0xffff, v1;
	v7 =	vcvt.f32.s32 v7;
	v9 =	vtrunc.f32 v9;
	v5 =	vsel vm0, v10, v6  }
0x22f: {  	[tilespmem:v20+s28+$0x0] =	vst.idx.add.f32.msk $0xffff, v1;
	v9 =	vcvt.f32.s32 v9;
	v5 =	vtrunc.f32 v5  }
0x230: {  	[tilespmem:v16+s28+$0x0] =	vst.idx.add.f32.msk $0xffff, v1;
	v5 =	vcvt.f32.s32 v5  }
0x231: {  	[tilespmem:v14+s28+$0x0] =	vst.idx.add.f32.msk $0xffff, v1  }
0x232: {  	[tilespmem:v17+s28+$0x0] =	vst.idx.add.f32.msk $0xffff, v1  }
0x233: {  	[tilespmem:v12+s28+$0x0] =	vst.idx.add.f32.msk $0xffff, v1  }
0x234: {  	[tilespmem:v7+s28+$0x0] =	vst.idx.add.f32.msk $0xffff, v1  }
0x235: {  	[tilespmem:v9+s28+$0x0] =	vst.idx.add.f32.msk $0xffff, v1  }
0x236: {  	s25 =	simm.s32 $0x0;
	[tilespmem:v5+s28+$0x0] =	vst.idx.add.f32.msk $0xffff, v1  }
0x237: {  	[tilespmem:s25], [sflag:$0x1] =	stream.linear.gather [hbm4b:s16+s25], $0x4000, $0x38;
	[tilespmem:$0x1C000] =	vst v63  }
0x238: {  	_ = 	snop  }
0x239: {  	[tilespmem:s22], [sflag:$0x1] =	stream.linear.gather [hbm4b:s17+s25], $0x4000, $0x38;
	[tilespmem:$0x1C000] =	vst v63  }
0x23a: {  	_ =	swait.ge [sflag:s29], $0x4000  }
0x23b: {  	[sflag:s29] =	ssyncset.done $0x0  }
0x23c: {  	s26 =	simm.s32 $0x0;
	s4 =	simm.s32 $0x0;
	[sflag:s29] =	ssyncadd.s32 $0xFFFFC000  }
0x23d: {  	s5 =	sand.u32 $0x800, s25;
	s0 =	sand.u32 $0x3000, s26;
	_ =	swait.ge [sflag:s29], $0x4000  }
0x23e: {  	s4 =	sand.u32 $0x380, s4;
	s0 =	sor.u32 s5, s0;
	[sflag:s29] =	ssyncset.done $0x0  }
0x23f: {  	s0 =	sor.u32 s4, s0;
	[sflag:s29] =	ssyncadd.s32 $0xFFFFC000  }
0x240: {  	v2 =	vld [tilespmem:s0+$0x4470]  }
0x241: {  	v3 =	vld [tilespmem:s0+$0x4460]  }
0x242: {  	v4 =	vld [tilespmem:s0+$0x4450]  }
0x243: {  	v5 =	vld [tilespmem:s0+$0x4030]  }
0x244: {  	v6 =	vld [tilespmem:s0+$0x4050]  }
0x245: {  	v7 =	vld [tilespmem:s0+$0x4070]  }
0x246: {  	v8 =	vld [tilespmem:s0+$0x4020]  }
0x247: {  	v9 =	vld [tilespmem:s0+$0x4430]  }
0x248: {  	v10 =	vld [tilespmem:s0+$0x10020]  }
0x249: {  	v11 =	vld [tilespmem:s0+$0x10040]  }
0x24a: {  	v13 =	vld [tilespmem:s0+$0x4440]  }
0x24b: {  	v14 =	vld [tilespmem:s0+$0x10050]  }
0x24c: {  	v15 =	vld [tilespmem:s0+$0x4040]  }
0x24d: {  	v19 =	vld [tilespmem:s0+$0x10430]  }
0x24e: {  	v20 =	vld [tilespmem:s0+$0x10470]  }
0x24f: {  	v22 =	vld [tilespmem:s0+$0x10420]  }
0x250: {  	v26 =	vld [tilespmem:s0+$0x10070];
	v5 =	vmax.f32 v5, $-9.998999590e+00;
	v7 =	vmax.f32 v7, $-9.998999590e+00  }
0x251: {  	v2 =	vmax.f32 v2, $-9.998999590e+00;
	v8 =	vmax.f32 v8, $-9.998999590e+00;
	v6 =	vmax.f32 v6, $-9.998999590e+00  }
0x252: {  	v9 =	vmax.f32 v9, $-9.998999590e+00;
	v16 =	vmax.f32 v4, $-9.998999590e+00;
	vm0 =	veq.s32 v10, $0x0  }
0x253: {  	v12 =	vld [tilespmem:s0+$0x4420];
	v3 =	vmax.f32 v3, $-9.998999590e+00;
	v13 =	vmax.f32 v13, $-9.998999590e+00;
	vm3 =	veq.s32 v11, $0x0  }
0x254: {  	vm2 =	veq.s32 v14, $0x0;
	v14 =	vmax.f32 v15, $-9.998999590e+00;
	vm5 =	veq.s32 v19, $0x0  }
0x255: {  	vm7 =	veq.s32 v20, $0x0;
	vm4 =	veq.s32 v22, $0x0;
	vm6 =	veq.s32 v26, $0x0  }
0x256: {  	v7 =	vmin.f32 v7, $9.998999590e+00;
	v6 =	vmin.f32 v6, $9.998999590e+00;
	v4 =	vmin.f32 v9, $9.998999590e+00  }
0x257: {  	v2 =	vmin.f32 v2, $9.998999590e+00;
	v3 =	vmin.f32 v3, $9.998999590e+00;
	v5 =	vmin.f32 v5, $9.998999590e+00  }
0x258: {  	v10 =	vmul.f32 $4.096000060e+02, v6;
	v9 =	vmul.f32 $4.096000060e+02, v7;
	v7 =	vmax.f32 v12, $-9.998999590e+00  }
0x259: {  	v25 =	vld [tilespmem:s0+$0x10440];
	v6 =	vmin.f32 v8, $9.998999590e+00;
	v11 =	vmul.f32 $4.096000060e+02, v4;
	v4 =	vmin.f32 v13, $9.998999590e+00  }
0x25a: {  	v12 =	vld [tilespmem:s0+$0x10010];
	v6 =	vmul.f32 $4.096000060e+02, v6;
	v18 =	vadd.f32 $4.096000000e+03, v10;
	v13 =	vsub.f32 $1.228800000e+04, v9  }
0x25b: {  	v8 =	vld [tilespmem:s0+$0x4010];
	v15 =	vmul.f32 $4.096000060e+02, v4;
	v21 =	vsub.f32 $1.228800000e+04, v11;
	v23 =	vadd.f32 $4.096000000e+03, v11  }
0x25c: {  	v29 =	vld [tilespmem:s0+$0x10460];
	v63 =	vmin.f32 v16, $9.998999590e+00;
	v17 =	vadd.f32 $4.096000000e+03, v9;
	v9 =	vsub.f32 $1.228800000e+04, v10  }
0x25d: {  	v3 =	vmul.f32 $4.096000060e+02, v3;
	v4 =	vsub.f32 $1.228800000e+04, v6;
	v16 =	vadd.f32 $4.096000000e+03, v15  }
0x25e: {  	v11 =	vsub.f32 $1.228800000e+04, v15;
	v15 =	vsel vm2, v18, v9;
	v9 =	vsel vm5, v23, v21  }
0x25f: {  	v19 =	vld [tilespmem:s0+$0x10030];
	vm5 =	veq.s32 v25, $0x0;
	v23 =	vmul.f32 $4.096000060e+02, v5;
	vm1 =	veq.s32 v12, $0x0  }
0x260: {  	v12 =	vmin.f32 v7, $9.998999590e+00;
	v7 =	vmax.f32 v8, $-9.998999590e+00;
	v8 =	vmul.f32 $4.096000060e+02, v2  }
0x261: {  	v18 =	vld [tilespmem:s0+$0x10450];
	v21 =	vmul.f32 $4.096000060e+02, v63;
	vm2 =	veq.s32 v29, $0x0;
	v2 =	vadd.f32 $4.096000000e+03, v3  }
0x262: {  	v5 =	vld [tilespmem:s0+$0x10400];
	v27 =	vmul.f32 $4.096000060e+02, v12;
	v28 =	vsub.f32 $1.228800000e+04, v8;
	v10 =	vadd.f32 $4.096000000e+03, v8  }
0x263: {  	v3 =	vsub.f32 $1.228800000e+04, v3;
	v9 =	vtrunc.f32 v9;
	v7 =	vmin.f32 v7, $9.998999590e+00;
	v12 =	vld [tilespmem:s0+$0x4000]  }
0x264: {  	s26 =	simm.s32 $0x0;
	v8 =	vld [tilespmem:s0+$0x4400];
	v20 =	vsub.f32 $1.228800000e+04, v27;
	v22 =	vadd.f32 $4.096000000e+03, v27;
	v10 =	vsel vm7, v10, v28  }
.LBB2_12:
0x265: {  	s26 =	sadd.s32 $0x10, s26;
	v24 =	vadd.f32 $4.096000000e+03, v23;
	v23 =	vsub.f32 $1.228800000e+04, v23;
	v25 =	vld [tilespmem:s0+$0x10060];
	v13 =	vsel vm6, v17, v13;
	s25 =	sadd.s32 $0x800, s25  }
0x266: {  	v14 =	vmin.f32 v14, $9.998999590e+00;
	v16 =	vsel vm5, v16, v11;
	s4 =	sshll.u32 s26, $0x4;
	s5 =	sshll.u32 s26, $0x2;
	p0 =	slt.u32 s26, $0x3F0;
	v17 =	vld [tilespmem:s0+$0x4060];
	v11 =	vadd.f32 $4.096000000e+03, v21  }
0x267: {  	s6 =	sand.u32 $0x800, s25;
	v20 =	vsel vm4, v22, v20;
	v21 =	vsub.f32 $1.228800000e+04, v21;
	s4 =	sand.u32 $0x3000, s4;
	vm5 =	veq.s32 v19, $0x0;
	v19 =	vld [tilespmem:s0+$0x4410]  }
0x268: {  	v14 =	vmul.f32 $4.096000060e+02, v14;
	s5 =	sand.u32 $0x380, s5;
	s4 =	sor.u32 s6, s4;
	v22 =	vld [tilespmem:s0+$0x10000];
	v23 =	vsel vm5, v24, v23;
	vm4 =	veq.s32 v18, $0x0  }
0x269: {  	v20 =	vtrunc.f32 v20;
	v24 =	vcvt.f32.s32 v9;
	v18 =	vld [tilespmem:s0+$0x10410];
	s0 =	sor.u32 s5, s4;
	v11 =	vsel vm4, v11, v21  }
0x26a: {  	v21 =	vadd.f32 $4.096000000e+03, v14;
	v14 =	vsub.f32 $1.228800000e+04, v14;
	v9 =	vld [tilespmem:s0+$0x10470];
	v26 =	vtrunc.f32 v11  }
0x26b: {  	v27 =	vmax.f32 v12, $-9.998999590e+00;
	v20 =	vcvt.f32.s32 v20;
	v11 =	vld [tilespmem:s0+$0x10430];
	v26 =	vcvt.f32.s32 v26  }
0x26c: {  	v15 =	vtrunc.f32 v15;
	v21 =	vsel vm3, v21, v14;
	v12 =	vld [tilespmem:s0+$0x10010];
	v19 =	vmax.f32 v19, $-9.998999590e+00  }
0x26d: {  	v15 =	vcvt.f32.s32 v15;
	v21 =	vtrunc.f32 v21;
	v14 =	vld [tilespmem:s0+$0x10050];
	v19 =	vmin.f32 v19, $9.998999590e+00  }
0x26e: {  	v27 =	vmin.f32 v27, $9.998999590e+00;
	v21 =	vcvt.f32.s32 v21;
	v28 =	vld [tilespmem:s0+$0x4470];
	v19 =	vmul.f32 $4.096000060e+02, v19  }
0x26f: {  	v6 =	vadd.f32 $4.096000000e+03, v6;
	v16 =	vtrunc.f32 v16;
	v23 =	vtrunc.f32 v23;
	v29 =	vld [tilespmem:s0+$0x4460]  }
0x270: {  	v23 =	vcvt.f32.s32 v23;
	v30 =	vld [tilespmem:s0+$0x10040];
	v31 =	vadd.f32 $4.096000000e+03, v19  }
0x271: {  	v4 =	vsel vm0, v6, v4;
	v6 =	vsub.f32 $1.228800000e+04, v19;
	v32 =	vld [tilespmem:s0+$0x4450]  }
0x272: {  	v27 =	vmul.f32 $4.096000060e+02, v27;
	v4 =	vtrunc.f32 v4;
	vm0 =	veq.s32 v18, $0x0;
	v19 =	vld [tilespmem:s0+$0x4430]  }
0x273: {  	v18 =	vmul.f32 $4.096000060e+02, v7;
	v7 =	vcvt.f32.s32 v4;
	v4 =	vsel vm0, v31, v6;
	[tilespmem:v24+s28+$0x0] =	vst.idx.add.f32.msk $0xffff, v1  }
0x274: {  	v6 =	vadd.f32 $4.096000000e+03, v27;
	v27 =	vsub.f32 $1.228800000e+04, v27;
	v4 =	vtrunc.f32 v4;
	v24 =	vld [tilespmem:s0+$0x4040]  }
0x275: {  	v16 =	vcvt.f32.s32 v16;
	vm0 =	veq.s32 v22, $0x0;
	v4 =	vcvt.f32.s32 v4;
	v31 =	vld [tilespmem:s0+$0x4030]  }
0x276: {  	v8 =	vmax.f32 v8, $-9.998999590e+00;
	v17 =	vmax.f32 v17, $-9.998999590e+00;
	v6 =	vsel vm0, v6, v27;
	v22 =	vld [tilespmem:s0+$0x4050]  }
0x277: {  	v17 =	vmin.f32 v17, $9.998999590e+00;
	v33 =	vadd.f32 $4.096000000e+03, v18;
	v18 =	vsub.f32 $1.228800000e+04, v18;
	v27 =	vld [tilespmem:s0+$0x4010]  }
0x278: {  	v10 =	vtrunc.f32 v10;
	v8 =	vmin.f32 v8, $9.998999590e+00;
	v17 =	vmul.f32 $4.096000060e+02, v17;
	v34 =	vld [tilespmem:s0+$0x10420]  }
0x279: {  	v10 =	vcvt.f32.s32 v10;
	v18 =	vsel vm1, v33, v18;
	v6 =	vtrunc.f32 v6;
	v35 =	vld [tilespmem:s0+$0x4070]  }
0x27a: {  	v36 =	vadd.f32 $4.096000000e+03, v17;
	v17 =	vsub.f32 $1.228800000e+04, v17;
	v18 =	vtrunc.f32 v18;
	v33 =	vld [tilespmem:s0+$0x4440]  }
0x27b: {  	v8 =	vmul.f32 $4.096000060e+02, v8;
	v18 =	vcvt.f32.s32 v18;
	vm0 =	veq.s32 v25, $0x0;
	v37 =	vld [tilespmem:s0+$0x4020]  }
0x27c: {  	v17 =	vsel vm0, v36, v17;
	vm0 =	veq.s32 v5, $0x0;
	v6 =	vcvt.f32.s32 v6;
	[tilespmem:v23+s28+$0x0] =	vst.idx.add.f32.msk $0xffff, v1  }
0x27d: {  	v5 =	vtrunc.f32 v17;
	v17 =	vadd.f32 $4.096000000e+03, v8;
	v8 =	vsub.f32 $1.228800000e+04, v8;
	[tilespmem:v4+s28+$0x0] =	vst.idx.add.f32.msk $0xffff, v1  }
0x27e: {  	v2 =	vsel vm2, v2, v3;
	v5 =	vcvt.f32.s32 v5;
	v23 =	vmax.f32 v31, $-9.998999590e+00;
	v4 =	vld [tilespmem:s0+$0x10020]  }
0x27f: {  	v3 =	vtrunc.f32 v13;
	v8 =	vsel vm0, v17, v8;
	[tilespmem:v20+s28+$0x0] =	vst.idx.add.f32.msk $0xffff, v1  }
0x280: {  	v2 =	vtrunc.f32 v2;
	v13 =	vmax.f32 v35, $-9.998999590e+00;
	v20 =	vmax.f32 v28, $-9.998999590e+00;
	v17 =	vld [tilespmem:s0+$0x4420]  }
0x281: {  	v2 =	vcvt.f32.s32 v2;
	v13 =	vmin.f32 v13, $9.998999590e+00;
	v25 =	vmax.f32 v37, $-9.998999590e+00;
	[tilespmem:v16+s28+$0x0] =	vst.idx.add.f32.msk $0xffff, v1  }
0x282: {  	v3 =	vcvt.f32.s32 v3;
	v19 =	vmax.f32 v19, $-9.998999590e+00;
	v16 =	vmax.f32 v22, $-9.998999590e+00;
	[tilespmem:v6+s28+$0x0] =	vst.idx.add.f32.msk $0xffff, v1  }
0x283: {  	v8 =	vtrunc.f32 v8;
	v6 =	vmin.f32 v16, $9.998999590e+00;
	v16 =	vmax.f32 v32, $-9.998999590e+00;
	[tilespmem:v26+s28+$0x0] =	vst.idx.add.f32.msk $0xffff, v1  }
0x284: {  	vm0 =	veq.s32 v4, $0x0;
	v22 =	vmul.f32 $4.096000060e+02, v6;
	v4 =	vmin.f32 v19, $9.998999590e+00;
	[tilespmem:v21+s28+$0x0] =	vst.idx.add.f32.msk $0xffff, v1  }
0x285: {  	v20 =	vmin.f32 v20, $9.998999590e+00;
	v19 =	vmul.f32 $4.096000060e+02, v13;
	v6 =	vmax.f32 v29, $-9.998999590e+00;
	[tilespmem:v15+s28+$0x0] =	vst.idx.add.f32.msk $0xffff, v1  }
0x286: {  	v13 =	vmax.f32 v33, $-9.998999590e+00;
	v15 =	vadd.f32 $4.096000000e+03, v22;
	v17 =	vmax.f32 v17, $-9.998999590e+00;
	[tilespmem:v10+s28+$0x0] =	vst.idx.add.f32.msk $0xffff, v1  }
0x287: {  	vm2 =	veq.s32 v14, $0x0;
	vm3 =	veq.s32 v30, $0x0;
	v10 =	vmin.f32 v25, $9.998999590e+00;
	[tilespmem:v18+s28+$0x0] =	vst.idx.add.f32.msk $0xffff, v1  }
0x288: {  	v21 =	vmin.f32 v6, $9.998999590e+00;
	v18 =	vmul.f32 $4.096000060e+02, v4;
	[tilespmem:v5+s28+$0x0] =	vst.idx.add.f32.msk $0xffff, v1;
	v5 =	vcvt.f32.s32 v8  }
0x289: {  	v6 =	vmul.f32 $4.096000060e+02, v10;
	v10 =	vmin.f32 v23, $9.998999590e+00;
	v4 =	vmin.f32 v13, $9.998999590e+00;
	[tilespmem:v3+s28+$0x0] =	vst.idx.add.f32.msk $0xffff, v1  }
0x28a: {  	v14 =	vmax.f32 v24, $-9.998999590e+00;
	v13 =	vsub.f32 $1.228800000e+04, v19;
	v3 =	vmul.f32 $4.096000060e+02, v4;
	[tilespmem:v2+s28+$0x0] =	vst.idx.add.f32.msk $0xffff, v1  }
0x28b: {  	v25 =	vmin.f32 v16, $9.998999590e+00;
	v4 =	vsub.f32 $1.228800000e+04, v6;
	v23 =	vsub.f32 $1.228800000e+04, v18;
	v24 =	vld [tilespmem:s0+$0x10440]  }
0x28c: {  	vm1 =	veq.s32 v12, $0x0;
	v18 =	vadd.f32 $4.096000000e+03, v18;
	v2 =	vmin.f32 v17, $9.998999590e+00;
	v26 =	vld [tilespmem:s0+$0x10070]  }
0x28d: {  	v20 =	vmul.f32 $4.096000060e+02, v20;
	v8 =	vmax.f32 v27, $-9.998999590e+00;
	v16 =	vadd.f32 $4.096000000e+03, v3;
	[tilespmem:v7+s28+$0x0] =	vst.idx.add.f32.msk $0xffff, v1  }
0x28e: {  	vm5 =	veq.s32 v11, $0x0;
	v17 =	vadd.f32 $4.096000000e+03, v19;
	v7 =	vmin.f32 v8, $9.998999590e+00;
	[tilespmem:v5+s28+$0x0] =	vst.idx.add.f32.msk $0xffff, v1  }
0x28f: {  	v27 =	vmul.f32 $4.096000060e+02, v2;
	v5 =	vmul.f32 $4.096000060e+02, v21;
	v21 =	vsub.f32 $1.228800000e+04, v20;
	v28 =	vld [tilespmem:s0+$0x10460]  }
0x290: {  	vm7 =	veq.s32 v9, $0x0;
	v19 =	vsub.f32 $1.228800000e+04, v22;
	v11 =	vsub.f32 $1.228800000e+04, v3;
	v12 =	vld [tilespmem:s0+$0x4000]  }
.Ltmp5:
0x291: {  	vm4 =	veq.s32 v34, $0x0;
	v22 =	vadd.f32 $4.096000000e+03, v20;
	v2 =	vadd.f32 $4.096000000e+03, v5;
	v8 =	vld [tilespmem:s0+$0x4400];
	(pc) =	sbr.rel @p0 .LBB2_12-.Ltmp5, $4  }
0x292: {  	v9 =	vsel vm5, v18, v23;
	v15 =	vsel vm2, v15, v19;
	vm5 =	veq.s32 v24, $0x0  }
0x293: {  	v23 =	vmul.f32 $4.096000060e+02, v10;
	v3 =	vsub.f32 $1.228800000e+04, v5;
	vm6 =	veq.s32 v26, $0x0;
	v19 =	vld [tilespmem:s0+$0x10030]  }
0x294: {  	v9 =	vtrunc.f32 v9;
	v20 =	vsub.f32 $1.228800000e+04, v27;
	v10 =	vsel vm7, v22, v21;
	v18 =	vld [tilespmem:s0+$0x10450]  }
0x295: {  	v22 =	vadd.f32 $4.096000000e+03, v27;
	v21 =	vmul.f32 $4.096000060e+02, v25;
	vm2 =	veq.s32 v28, $0x0;
	v5 =	vld [tilespmem:s0+$0x10400]  }
0x296: {  	v24 =	vadd.f32 $4.096000000e+03, v23;
	v23 =	vsub.f32 $1.228800000e+04, v23  }
0x297: {  	v13 =	vsel vm6, v17, v13;
	v14 =	vmin.f32 v14, $9.998999590e+00;
	v11 =	vsel vm5, v16, v11  }
0x298: {  	v9 =	vcvt.f32.s32 v9;
	v15 =	vtrunc.f32 v15;
	v12 =	vmax.f32 v12, $-9.998999590e+00  }
0x299: {  	v6 =	vadd.f32 $4.096000000e+03, v6;
	v7 =	vmul.f32 $4.096000060e+02, v7;
	v8 =	vmax.f32 v8, $-9.998999590e+00  }
0x29a: {  	v2 =	vsel vm2, v2, v3;
	v16 =	vadd.f32 $4.096000000e+03, v21;
	v14 =	vmul.f32 $4.096000060e+02, v14  }
0x29b: {  	v15 =	vcvt.f32.s32 v15;
	v12 =	vmin.f32 v12, $9.998999590e+00;
	v11 =	vtrunc.f32 v11  }
0x29c: {  	v17 =	vld [tilespmem:s0+$0x4410];
	v3 =	vtrunc.f32 v13;
	v2 =	vtrunc.f32 v2;
	vm5 =	veq.s32 v19, $0x0  }
0x29d: {  	v19 =	vsel vm4, v22, v20;
	v20 =	vsub.f32 $1.228800000e+04, v21;
	v12 =	vmul.f32 $4.096000060e+02, v12  }
0x29e: {  	v11 =	vcvt.f32.s32 v11;
	v4 =	vsel vm0, v6, v4;
	v6 =	vmin.f32 v8, $9.998999590e+00  }
0x29f: {  	v8 =	vtrunc.f32 v10;
	v3 =	vcvt.f32.s32 v3;
	vm4 =	veq.s32 v18, $0x0  }
0x2a0: {  	v18 =	vtrunc.f32 v19;
	v19 =	vadd.f32 $4.096000000e+03, v14;
	v14 =	vsub.f32 $1.228800000e+04, v14  }
0x2a1: {  	v21 =	vld [tilespmem:s0+$0x10410];
	v2 =	vcvt.f32.s32 v2;
	v6 =	vmul.f32 $4.096000060e+02, v6;
	v17 =	vmax.f32 v17, $-9.998999590e+00  }
0x2a2: {  	v8 =	vcvt.f32.s32 v8;
	v14 =	vsel vm3, v19, v14;
	v19 =	vld [tilespmem:s0+$0x10000];
	v17 =	vmin.f32 v17, $9.998999590e+00  }
0x2a3: {  	v22 =	vld [tilespmem:s0+$0x4060];
	v4 =	vtrunc.f32 v4;
	v16 =	vsel vm4, v16, v20;
	v17 =	vmul.f32 $4.096000060e+02, v17  }
0x2a4: {  	v20 =	vsel vm5, v24, v23;
	v18 =	vcvt.f32.s32 v18;
	v4 =	vcvt.f32.s32 v4  }
0x2a5: {  	v16 =	vtrunc.f32 v16;
	v23 =	vadd.f32 $4.096000000e+03, v17;
	v17 =	vsub.f32 $1.228800000e+04, v17  }
0x2a6: {  	vm3 =	veq.s32 v21, $0x0;
	v21 =	vadd.f32 $4.096000000e+03, v12;
	v12 =	vsub.f32 $1.228800000e+04, v12  }
0x2a7: {  	v20 =	vtrunc.f32 v20;
	v17 =	vsel vm3, v23, v17;
	vm3 =	veq.s32 v19, $0x0  }
0x2a8: {  	v16 =	vcvt.f32.s32 v16;
	v19 =	vld [tilespmem:s0+$0x10060];
	v12 =	vsel vm3, v21, v12;
	v21 =	vmax.f32 v22, $-9.998999590e+00  }
0x2a9: {  	v14 =	vtrunc.f32 v14;
	v20 =	vcvt.f32.s32 v20;
	[tilespmem:v9+s28+$0x0] =	vst.idx.add.f32.msk $0xffff, v1;
	v21 =	vmin.f32 v21, $9.998999590e+00  }
0x2aa: {  	v14 =	vcvt.f32.s32 v14;
	[tilespmem:v15+s28+$0x0] =	vst.idx.add.f32.msk $0xffff, v1;
	v21 =	vmul.f32 $4.096000060e+02, v21  }
0x2ab: {  	[tilespmem:v11+s28+$0x0] =	vst.idx.add.f32.msk $0xffff, v1;
	v17 =	vtrunc.f32 v17;
	v22 =	vadd.f32 $4.096000000e+03, v7;
	v7 =	vsub.f32 $1.228800000e+04, v7  }
0x2ac: {  	[tilespmem:v3+s28+$0x0] =	vst.idx.add.f32.msk $0xffff, v1;
	v17 =	vcvt.f32.s32 v17;
	v9 =	vadd.f32 $4.096000000e+03, v21;
	v10 =	vsub.f32 $1.228800000e+04, v21  }
0x2ad: {  	[tilespmem:v2+s28+$0x0] =	vst.idx.add.f32.msk $0xffff, v1;
	v12 =	vtrunc.f32 v12;
	v7 =	vsel vm1, v22, v7;
	vm0 =	veq.s32 v19, $0x0  }
0x2ae: {  	[tilespmem:v8+s28+$0x0] =	vst.idx.add.f32.msk $0xffff, v1;
	v9 =	vsel vm0, v9, v10;
	v10 =	vadd.f32 $4.096000000e+03, v6;
	v6 =	vsub.f32 $1.228800000e+04, v6  }
0x2af: {  	[tilespmem:v18+s28+$0x0] =	vst.idx.add.f32.msk $0xffff, v1;
	v12 =	vcvt.f32.s32 v12;
	v7 =	vtrunc.f32 v7;
	vm0 =	veq.s32 v5, $0x0  }
0x2b0: {  	[tilespmem:v4+s28+$0x0] =	vst.idx.add.f32.msk $0xffff, v1;
	v7 =	vcvt.f32.s32 v7;
	v9 =	vtrunc.f32 v9;
	v5 =	vsel vm0, v10, v6  }
0x2b1: {  	[tilespmem:v20+s28+$0x0] =	vst.idx.add.f32.msk $0xffff, v1;
	v9 =	vcvt.f32.s32 v9;
	v5 =	vtrunc.f32 v5  }
0x2b2: {  	[tilespmem:v16+s28+$0x0] =	vst.idx.add.f32.msk $0xffff, v1;
	v5 =	vcvt.f32.s32 v5  }
0x2b3: {  	[tilespmem:v14+s28+$0x0] =	vst.idx.add.f32.msk $0xffff, v1  }
0x2b4: {  	[tilespmem:v17+s28+$0x0] =	vst.idx.add.f32.msk $0xffff, v1  }
0x2b5: {  	[tilespmem:v12+s28+$0x0] =	vst.idx.add.f32.msk $0xffff, v1  }
0x2b6: {  	[tilespmem:v7+s28+$0x0] =	vst.idx.add.f32.msk $0xffff, v1  }
0x2b7: {  	[tilespmem:v9+s28+$0x0] =	vst.idx.add.f32.msk $0xffff, v1  }
0x2b8: {  	s25 =	simm.s32 $0x0;
	[tilespmem:v5+s28+$0x0] =	vst.idx.add.f32.msk $0xffff, v1  }
0x2b9: {  	[tilespmem:s23], [sflag:$0x2] =	stream.linear.gather [hbm4b:s18+s25], $0x4000, $0x38;
	[tilespmem:$0x1C000] =	vst v63  }
0x2ba: {  	_ = 	snop  }
0x2bb: {  	[tilespmem:s24], [sflag:$0x2] =	stream.linear.gather [hbm4b:s19+s25], $0x4000, $0x38;
	[tilespmem:$0x1C000] =	vst v63  }
0x2bc: {  	_ =	swait.ge [sflag:s30], $0x4000  }
0x2bd: {  	[sflag:s30] =	ssyncset.done $0x0  }
0x2be: {  	s26 =	simm.s32 $0x0;
	s4 =	simm.s32 $0x0;
	[sflag:s30] =	ssyncadd.s32 $0xFFFFC000  }
0x2bf: {  	s5 =	sand.u32 $0x800, s25;
	s0 =	sand.u32 $0x3000, s26;
	_ =	swait.ge [sflag:s30], $0x4000  }
0x2c0: {  	s4 =	sand.u32 $0x380, s4;
	s0 =	sor.u32 s5, s0;
	[sflag:s30] =	ssyncset.done $0x0  }
0x2c1: {  	s0 =	sor.u32 s4, s0;
	[sflag:s30] =	ssyncadd.s32 $0xFFFFC000  }
0x2c2: {  	v2 =	vld [tilespmem:s0+$0x8470]  }
0x2c3: {  	v3 =	vld [tilespmem:s0+$0x8460]  }
0x2c4: {  	v4 =	vld [tilespmem:s0+$0x8450]  }
0x2c5: {  	v5 =	vld [tilespmem:s0+$0x8030]  }
0x2c6: {  	v6 =	vld [tilespmem:s0+$0x8050]  }
0x2c7: {  	v7 =	vld [tilespmem:s0+$0x8070]  }
0x2c8: {  	v8 =	vld [tilespmem:s0+$0x8020]  }
0x2c9: {  	v9 =	vld [tilespmem:s0+$0x8430]  }
0x2ca: {  	v10 =	vld [tilespmem:s0+$0x14020]  }
0x2cb: {  	v11 =	vld [tilespmem:s0+$0x14040]  }
0x2cc: {  	v13 =	vld [tilespmem:s0+$0x8440]  }
0x2cd: {  	v14 =	vld [tilespmem:s0+$0x14050]  }
0x2ce: {  	v15 =	vld [tilespmem:s0+$0x8040]  }
0x2cf: {  	v19 =	vld [tilespmem:s0+$0x14430]  }
0x2d0: {  	v20 =	vld [tilespmem:s0+$0x14470]  }
0x2d1: {  	v22 =	vld [tilespmem:s0+$0x14420]  }
0x2d2: {  	v26 =	vld [tilespmem:s0+$0x14070];
	v5 =	vmax.f32 v5, $-9.998999590e+00;
	v7 =	vmax.f32 v7, $-9.998999590e+00  }
0x2d3: {  	v2 =	vmax.f32 v2, $-9.998999590e+00;
	v8 =	vmax.f32 v8, $-9.998999590e+00;
	v6 =	vmax.f32 v6, $-9.998999590e+00  }
0x2d4: {  	v9 =	vmax.f32 v9, $-9.998999590e+00;
	v16 =	vmax.f32 v4, $-9.998999590e+00;
	vm0 =	veq.s32 v10, $0x0  }
0x2d5: {  	v12 =	vld [tilespmem:s0+$0x8420];
	v3 =	vmax.f32 v3, $-9.998999590e+00;
	v13 =	vmax.f32 v13, $-9.998999590e+00;
	vm3 =	veq.s32 v11, $0x0  }
0x2d6: {  	vm2 =	veq.s32 v14, $0x0;
	v14 =	vmax.f32 v15, $-9.998999590e+00;
	vm5 =	veq.s32 v19, $0x0  }
0x2d7: {  	vm7 =	veq.s32 v20, $0x0;
	vm4 =	veq.s32 v22, $0x0;
	vm6 =	veq.s32 v26, $0x0  }
0x2d8: {  	v7 =	vmin.f32 v7, $9.998999590e+00;
	v6 =	vmin.f32 v6, $9.998999590e+00;
	v4 =	vmin.f32 v9, $9.998999590e+00  }
0x2d9: {  	v2 =	vmin.f32 v2, $9.998999590e+00;
	v3 =	vmin.f32 v3, $9.998999590e+00;
	v5 =	vmin.f32 v5, $9.998999590e+00  }
0x2da: {  	v10 =	vmul.f32 $4.096000060e+02, v6;
	v9 =	vmul.f32 $4.096000060e+02, v7;
	v7 =	vmax.f32 v12, $-9.998999590e+00  }
0x2db: {  	v25 =	vld [tilespmem:s0+$0x14440];
	v6 =	vmin.f32 v8, $9.998999590e+00;
	v11 =	vmul.f32 $4.096000060e+02, v4;
	v4 =	vmin.f32 v13, $9.998999590e+00  }
0x2dc: {  	v12 =	vld [tilespmem:s0+$0x14010];
	v6 =	vmul.f32 $4.096000060e+02, v6;
	v18 =	vadd.f32 $4.096000000e+03, v10;
	v13 =	vsub.f32 $1.228800000e+04, v9  }
0x2dd: {  	v8 =	vld [tilespmem:s0+$0x8010];
	v15 =	vmul.f32 $4.096000060e+02, v4;
	v21 =	vsub.f32 $1.228800000e+04, v11;
	v23 =	vadd.f32 $4.096000000e+03, v11  }
0x2de: {  	v29 =	vld [tilespmem:s0+$0x14460];
	v63 =	vmin.f32 v16, $9.998999590e+00;
	v17 =	vadd.f32 $4.096000000e+03, v9;
	v9 =	vsub.f32 $1.228800000e+04, v10  }
0x2df: {  	v3 =	vmul.f32 $4.096000060e+02, v3;
	v4 =	vsub.f32 $1.228800000e+04, v6;
	v16 =	vadd.f32 $4.096000000e+03, v15  }
0x2e0: {  	v11 =	vsub.f32 $1.228800000e+04, v15;
	v15 =	vsel vm2, v18, v9;
	v9 =	vsel vm5, v23, v21  }
0x2e1: {  	v19 =	vld [tilespmem:s0+$0x14030];
	vm5 =	veq.s32 v25, $0x0;
	v23 =	vmul.f32 $4.096000060e+02, v5;
	vm1 =	veq.s32 v12, $0x0  }
0x2e2: {  	v12 =	vmin.f32 v7, $9.998999590e+00;
	v7 =	vmax.f32 v8, $-9.998999590e+00;
	v8 =	vmul.f32 $4.096000060e+02, v2  }
0x2e3: {  	v18 =	vld [tilespmem:s0+$0x14450];
	v21 =	vmul.f32 $4.096000060e+02, v63;
	vm2 =	veq.s32 v29, $0x0;
	v2 =	vadd.f32 $4.096000000e+03, v3  }
0x2e4: {  	v5 =	vld [tilespmem:s0+$0x14400];
	v27 =	vmul.f32 $4.096000060e+02, v12;
	v28 =	vsub.f32 $1.228800000e+04, v8;
	v10 =	vadd.f32 $4.096000000e+03, v8  }
0x2e5: {  	v3 =	vsub.f32 $1.228800000e+04, v3;
	v9 =	vtrunc.f32 v9;
	v7 =	vmin.f32 v7, $9.998999590e+00;
	v12 =	vld [tilespmem:s0+$0x8000]  }
0x2e6: {  	s26 =	simm.s32 $0x0;
	v8 =	vld [tilespmem:s0+$0x8400];
	v20 =	vsub.f32 $1.228800000e+04, v27;
	v22 =	vadd.f32 $4.096000000e+03, v27;
	v10 =	vsel vm7, v10, v28  }
.LBB2_14:
0x2e7: {  	s26 =	sadd.s32 $0x10, s26;
	v24 =	vadd.f32 $4.096000000e+03, v23;
	v23 =	vsub.f32 $1.228800000e+04, v23;
	v25 =	vld [tilespmem:s0+$0x14060];
	v13 =	vsel vm6, v17, v13;
	s25 =	sadd.s32 $0x800, s25  }
0x2e8: {  	v14 =	vmin.f32 v14, $9.998999590e+00;
	v16 =	vsel vm5, v16, v11;
	s4 =	sshll.u32 s26, $0x4;
	s5 =	sshll.u32 s26, $0x2;
	p0 =	slt.u32 s26, $0x3F0;
	v17 =	vld [tilespmem:s0+$0x8060];
	v11 =	vadd.f32 $4.096000000e+03, v21  }
0x2e9: {  	s6 =	sand.u32 $0x800, s25;
	v20 =	vsel vm4, v22, v20;
	v21 =	vsub.f32 $1.228800000e+04, v21;
	s4 =	sand.u32 $0x3000, s4;
	vm5 =	veq.s32 v19, $0x0;
	v19 =	vld [tilespmem:s0+$0x8410]  }
0x2ea: {  	v14 =	vmul.f32 $4.096000060e+02, v14;
	s5 =	sand.u32 $0x380, s5;
	s4 =	sor.u32 s6, s4;
	v22 =	vld [tilespmem:s0+$0x14000];
	v23 =	vsel vm5, v24, v23;
	vm4 =	veq.s32 v18, $0x0  }
0x2eb: {  	v20 =	vtrunc.f32 v20;
	v24 =	vcvt.f32.s32 v9;
	v18 =	vld [tilespmem:s0+$0x14410];
	s0 =	sor.u32 s5, s4;
	v11 =	vsel vm4, v11, v21  }
0x2ec: {  	v21 =	vadd.f32 $4.096000000e+03, v14;
	v14 =	vsub.f32 $1.228800000e+04, v14;
	v9 =	vld [tilespmem:s0+$0x14470];
	v26 =	vtrunc.f32 v11  }
0x2ed: {  	v27 =	vmax.f32 v12, $-9.998999590e+00;
	v20 =	vcvt.f32.s32 v20;
	v11 =	vld [tilespmem:s0+$0x14430];
	v26 =	vcvt.f32.s32 v26  }
0x2ee: {  	v15 =	vtrunc.f32 v15;
	v21 =	vsel vm3, v21, v14;
	v12 =	vld [tilespmem:s0+$0x14010];
	v19 =	vmax.f32 v19, $-9.998999590e+00  }
0x2ef: {  	v15 =	vcvt.f32.s32 v15;
	v21 =	vtrunc.f32 v21;
	v14 =	vld [tilespmem:s0+$0x14050];
	v19 =	vmin.f32 v19, $9.998999590e+00  }
0x2f0: {  	v27 =	vmin.f32 v27, $9.998999590e+00;
	v21 =	vcvt.f32.s32 v21;
	v28 =	vld [tilespmem:s0+$0x8470];
	v19 =	vmul.f32 $4.096000060e+02, v19  }
0x2f1: {  	v6 =	vadd.f32 $4.096000000e+03, v6;
	v16 =	vtrunc.f32 v16;
	v23 =	vtrunc.f32 v23;
	v29 =	vld [tilespmem:s0+$0x8460]  }
0x2f2: {  	v23 =	vcvt.f32.s32 v23;
	v30 =	vld [tilespmem:s0+$0x14040];
	v31 =	vadd.f32 $4.096000000e+03, v19  }
0x2f3: {  	v4 =	vsel vm0, v6, v4;
	v6 =	vsub.f32 $1.228800000e+04, v19;
	v32 =	vld [tilespmem:s0+$0x8450]  }
0x2f4: {  	v27 =	vmul.f32 $4.096000060e+02, v27;
	v4 =	vtrunc.f32 v4;
	vm0 =	veq.s32 v18, $0x0;
	v19 =	vld [tilespmem:s0+$0x8430]  }
0x2f5: {  	v18 =	vmul.f32 $4.096000060e+02, v7;
	v7 =	vcvt.f32.s32 v4;
	v4 =	vsel vm0, v31, v6;
	[tilespmem:v24+s28+$0x0] =	vst.idx.add.f32.msk $0xffff, v1  }
0x2f6: {  	v6 =	vadd.f32 $4.096000000e+03, v27;
	v27 =	vsub.f32 $1.228800000e+04, v27;
	v4 =	vtrunc.f32 v4;
	v24 =	vld [tilespmem:s0+$0x8040]  }
0x2f7: {  	v16 =	vcvt.f32.s32 v16;
	vm0 =	veq.s32 v22, $0x0;
	v4 =	vcvt.f32.s32 v4;
	v31 =	vld [tilespmem:s0+$0x8030]  }
0x2f8: {  	v8 =	vmax.f32 v8, $-9.998999590e+00;
	v17 =	vmax.f32 v17, $-9.998999590e+00;
	v6 =	vsel vm0, v6, v27;
	v22 =	vld [tilespmem:s0+$0x8050]  }
0x2f9: {  	v17 =	vmin.f32 v17, $9.998999590e+00;
	v33 =	vadd.f32 $4.096000000e+03, v18;
	v18 =	vsub.f32 $1.228800000e+04, v18;
	v27 =	vld [tilespmem:s0+$0x8010]  }
0x2fa: {  	v10 =	vtrunc.f32 v10;
	v8 =	vmin.f32 v8, $9.998999590e+00;
	v17 =	vmul.f32 $4.096000060e+02, v17;
	v34 =	vld [tilespmem:s0+$0x14420]  }
0x2fb: {  	v10 =	vcvt.f32.s32 v10;
	v18 =	vsel vm1, v33, v18;
	v6 =	vtrunc.f32 v6;
	v35 =	vld [tilespmem:s0+$0x8070]  }
0x2fc: {  	v36 =	vadd.f32 $4.096000000e+03, v17;
	v17 =	vsub.f32 $1.228800000e+04, v17;
	v18 =	vtrunc.f32 v18;
	v33 =	vld [tilespmem:s0+$0x8440]  }
0x2fd: {  	v8 =	vmul.f32 $4.096000060e+02, v8;
	v18 =	vcvt.f32.s32 v18;
	vm0 =	veq.s32 v25, $0x0;
	v37 =	vld [tilespmem:s0+$0x8020]  }
0x2fe: {  	v17 =	vsel vm0, v36, v17;
	vm0 =	veq.s32 v5, $0x0;
	v6 =	vcvt.f32.s32 v6;
	[tilespmem:v23+s28+$0x0] =	vst.idx.add.f32.msk $0xffff, v1  }
0x2ff: {  	v5 =	vtrunc.f32 v17;
	v17 =	vadd.f32 $4.096000000e+03, v8;
	v8 =	vsub.f32 $1.228800000e+04, v8;
	[tilespmem:v4+s28+$0x0] =	vst.idx.add.f32.msk $0xffff, v1  }
0x300: {  	v2 =	vsel vm2, v2, v3;
	v5 =	vcvt.f32.s32 v5;
	v23 =	vmax.f32 v31, $-9.998999590e+00;
	v4 =	vld [tilespmem:s0+$0x14020]  }
0x301: {  	v3 =	vtrunc.f32 v13;
	v8 =	vsel vm0, v17, v8;
	[tilespmem:v20+s28+$0x0] =	vst.idx.add.f32.msk $0xffff, v1  }
0x302: {  	v2 =	vtrunc.f32 v2;
	v13 =	vmax.f32 v35, $-9.998999590e+00;
	v20 =	vmax.f32 v28, $-9.998999590e+00;
	v17 =	vld [tilespmem:s0+$0x8420]  }
0x303: {  	v2 =	vcvt.f32.s32 v2;
	v13 =	vmin.f32 v13, $9.998999590e+00;
	v25 =	vmax.f32 v37, $-9.998999590e+00;
	[tilespmem:v16+s28+$0x0] =	vst.idx.add.f32.msk $0xffff, v1  }
0x304: {  	v3 =	vcvt.f32.s32 v3;
	v19 =	vmax.f32 v19, $-9.998999590e+00;
	v16 =	vmax.f32 v22, $-9.998999590e+00;
	[tilespmem:v6+s28+$0x0] =	vst.idx.add.f32.msk $0xffff, v1  }
0x305: {  	v8 =	vtrunc.f32 v8;
	v6 =	vmin.f32 v16, $9.998999590e+00;
	v16 =	vmax.f32 v32, $-9.998999590e+00;
	[tilespmem:v26+s28+$0x0] =	vst.idx.add.f32.msk $0xffff, v1  }
0x306: {  	vm0 =	veq.s32 v4, $0x0;
	v22 =	vmul.f32 $4.096000060e+02, v6;
	v4 =	vmin.f32 v19, $9.998999590e+00;
	[tilespmem:v21+s28+$0x0] =	vst.idx.add.f32.msk $0xffff, v1  }
0x307: {  	v20 =	vmin.f32 v20, $9.998999590e+00;
	v19 =	vmul.f32 $4.096000060e+02, v13;
	v6 =	vmax.f32 v29, $-9.998999590e+00;
	[tilespmem:v15+s28+$0x0] =	vst.idx.add.f32.msk $0xffff, v1  }
0x308: {  	v13 =	vmax.f32 v33, $-9.998999590e+00;
	v15 =	vadd.f32 $4.096000000e+03, v22;
	v17 =	vmax.f32 v17, $-9.998999590e+00;
	[tilespmem:v10+s28+$0x0] =	vst.idx.add.f32.msk $0xffff, v1  }
0x309: {  	vm2 =	veq.s32 v14, $0x0;
	vm3 =	veq.s32 v30, $0x0;
	v10 =	vmin.f32 v25, $9.998999590e+00;
	[tilespmem:v18+s28+$0x0] =	vst.idx.add.f32.msk $0xffff, v1  }
0x30a: {  	v21 =	vmin.f32 v6, $9.998999590e+00;
	v18 =	vmul.f32 $4.096000060e+02, v4;
	[tilespmem:v5+s28+$0x0] =	vst.idx.add.f32.msk $0xffff, v1;
	v5 =	vcvt.f32.s32 v8  }
0x30b: {  	v6 =	vmul.f32 $4.096000060e+02, v10;
	v10 =	vmin.f32 v23, $9.998999590e+00;
	v4 =	vmin.f32 v13, $9.998999590e+00;
	[tilespmem:v3+s28+$0x0] =	vst.idx.add.f32.msk $0xffff, v1  }
0x30c: {  	v14 =	vmax.f32 v24, $-9.998999590e+00;
	v13 =	vsub.f32 $1.228800000e+04, v19;
	v3 =	vmul.f32 $4.096000060e+02, v4;
	[tilespmem:v2+s28+$0x0] =	vst.idx.add.f32.msk $0xffff, v1  }
0x30d: {  	v25 =	vmin.f32 v16, $9.998999590e+00;
	v4 =	vsub.f32 $1.228800000e+04, v6;
	v23 =	vsub.f32 $1.228800000e+04, v18;
	v24 =	vld [tilespmem:s0+$0x14440]  }
0x30e: {  	vm1 =	veq.s32 v12, $0x0;
	v18 =	vadd.f32 $4.096000000e+03, v18;
	v2 =	vmin.f32 v17, $9.998999590e+00;
	v26 =	vld [tilespmem:s0+$0x14070]  }
0x30f: {  	v20 =	vmul.f32 $4.096000060e+02, v20;
	v8 =	vmax.f32 v27, $-9.998999590e+00;
	v16 =	vadd.f32 $4.096000000e+03, v3;
	[tilespmem:v7+s28+$0x0] =	vst.idx.add.f32.msk $0xffff, v1  }
0x310: {  	vm5 =	veq.s32 v11, $0x0;
	v17 =	vadd.f32 $4.096000000e+03, v19;
	v7 =	vmin.f32 v8, $9.998999590e+00;
	[tilespmem:v5+s28+$0x0] =	vst.idx.add.f32.msk $0xffff, v1  }
0x311: {  	v27 =	vmul.f32 $4.096000060e+02, v2;
	v5 =	vmul.f32 $4.096000060e+02, v21;
	v21 =	vsub.f32 $1.228800000e+04, v20;
	v28 =	vld [tilespmem:s0+$0x14460]  }
0x312: {  	vm7 =	veq.s32 v9, $0x0;
	v19 =	vsub.f32 $1.228800000e+04, v22;
	v11 =	vsub.f32 $1.228800000e+04, v3;
	v12 =	vld [tilespmem:s0+$0x8000]  }
.Ltmp6:
0x313: {  	vm4 =	veq.s32 v34, $0x0;
	v22 =	vadd.f32 $4.096000000e+03, v20;
	v2 =	vadd.f32 $4.096000000e+03, v5;
	v8 =	vld [tilespmem:s0+$0x8400];
	(pc) =	sbr.rel @p0 .LBB2_14-.Ltmp6, $4  }
0x314: {  	v9 =	vsel vm5, v18, v23;
	v15 =	vsel vm2, v15, v19;
	vm5 =	veq.s32 v24, $0x0  }
0x315: {  	v23 =	vmul.f32 $4.096000060e+02, v10;
	v3 =	vsub.f32 $1.228800000e+04, v5;
	vm6 =	veq.s32 v26, $0x0;
	v19 =	vld [tilespmem:s0+$0x14030]  }
0x316: {  	v9 =	vtrunc.f32 v9;
	v20 =	vsub.f32 $1.228800000e+04, v27;
	v10 =	vsel vm7, v22, v21;
	v18 =	vld [tilespmem:s0+$0x14450]  }
0x317: {  	v22 =	vadd.f32 $4.096000000e+03, v27;
	v21 =	vmul.f32 $4.096000060e+02, v25;
	vm2 =	veq.s32 v28, $0x0;
	v5 =	vld [tilespmem:s0+$0x14400]  }
0x318: {  	v24 =	vadd.f32 $4.096000000e+03, v23;
	v23 =	vsub.f32 $1.228800000e+04, v23  }
0x319: {  	v13 =	vsel vm6, v17, v13;
	v14 =	vmin.f32 v14, $9.998999590e+00;
	v11 =	vsel vm5, v16, v11  }
0x31a: {  	v9 =	vcvt.f32.s32 v9;
	v15 =	vtrunc.f32 v15;
	v12 =	vmax.f32 v12, $-9.998999590e+00  }
0x31b: {  	v6 =	vadd.f32 $4.096000000e+03, v6;
	v7 =	vmul.f32 $4.096000060e+02, v7;
	v8 =	vmax.f32 v8, $-9.998999590e+00  }
0x31c: {  	v2 =	vsel vm2, v2, v3;
	v16 =	vadd.f32 $4.096000000e+03, v21;
	v14 =	vmul.f32 $4.096000060e+02, v14  }
0x31d: {  	v15 =	vcvt.f32.s32 v15;
	v12 =	vmin.f32 v12, $9.998999590e+00;
	v11 =	vtrunc.f32 v11  }
0x31e: {  	v17 =	vld [tilespmem:s0+$0x8410];
	v3 =	vtrunc.f32 v13;
	v2 =	vtrunc.f32 v2;
	vm5 =	veq.s32 v19, $0x0  }
0x31f: {  	v19 =	vsel vm4, v22, v20;
	v20 =	vsub.f32 $1.228800000e+04, v21;
	v12 =	vmul.f32 $4.096000060e+02, v12  }
0x320: {  	v11 =	vcvt.f32.s32 v11;
	v4 =	vsel vm0, v6, v4;
	v6 =	vmin.f32 v8, $9.998999590e+00  }
0x321: {  	v8 =	vtrunc.f32 v10;
	v3 =	vcvt.f32.s32 v3;
	vm4 =	veq.s32 v18, $0x0  }
0x322: {  	v18 =	vtrunc.f32 v19;
	v19 =	vadd.f32 $4.096000000e+03, v14;
	v14 =	vsub.f32 $1.228800000e+04, v14  }
0x323: {  	v21 =	vld [tilespmem:s0+$0x14410];
	v2 =	vcvt.f32.s32 v2;
	v6 =	vmul.f32 $4.096000060e+02, v6;
	v17 =	vmax.f32 v17, $-9.998999590e+00  }
0x324: {  	v8 =	vcvt.f32.s32 v8;
	v14 =	vsel vm3, v19, v14;
	v19 =	vld [tilespmem:s0+$0x14000];
	v17 =	vmin.f32 v17, $9.998999590e+00  }
0x325: {  	v22 =	vld [tilespmem:s0+$0x8060];
	v4 =	vtrunc.f32 v4;
	v16 =	vsel vm4, v16, v20;
	v17 =	vmul.f32 $4.096000060e+02, v17  }
0x326: {  	v20 =	vsel vm5, v24, v23;
	v18 =	vcvt.f32.s32 v18;
	v4 =	vcvt.f32.s32 v4  }
0x327: {  	v16 =	vtrunc.f32 v16;
	v23 =	vadd.f32 $4.096000000e+03, v17;
	v17 =	vsub.f32 $1.228800000e+04, v17  }
0x328: {  	vm3 =	veq.s32 v21, $0x0;
	v21 =	vadd.f32 $4.096000000e+03, v12;
	v12 =	vsub.f32 $1.228800000e+04, v12  }
0x329: {  	v20 =	vtrunc.f32 v20;
	v17 =	vsel vm3, v23, v17;
	vm3 =	veq.s32 v19, $0x0  }
0x32a: {  	v16 =	vcvt.f32.s32 v16;
	v19 =	vld [tilespmem:s0+$0x14060];
	v12 =	vsel vm3, v21, v12;
	v21 =	vmax.f32 v22, $-9.998999590e+00  }
0x32b: {  	v14 =	vtrunc.f32 v14;
	v20 =	vcvt.f32.s32 v20;
	[tilespmem:v9+s28+$0x0] =	vst.idx.add.f32.msk $0xffff, v1;
	v21 =	vmin.f32 v21, $9.998999590e+00  }
0x32c: {  	v14 =	vcvt.f32.s32 v14;
	[tilespmem:v15+s28+$0x0] =	vst.idx.add.f32.msk $0xffff, v1;
	v21 =	vmul.f32 $4.096000060e+02, v21  }
0x32d: {  	[tilespmem:v11+s28+$0x0] =	vst.idx.add.f32.msk $0xffff, v1;
	v17 =	vtrunc.f32 v17;
	v22 =	vadd.f32 $4.096000000e+03, v7;
	v7 =	vsub.f32 $1.228800000e+04, v7  }
0x32e: {  	[tilespmem:v3+s28+$0x0] =	vst.idx.add.f32.msk $0xffff, v1;
	v17 =	vcvt.f32.s32 v17;
	v9 =	vadd.f32 $4.096000000e+03, v21;
	v10 =	vsub.f32 $1.228800000e+04, v21  }
0x32f: {  	[tilespmem:v2+s28+$0x0] =	vst.idx.add.f32.msk $0xffff, v1;
	v12 =	vtrunc.f32 v12;
	v7 =	vsel vm1, v22, v7;
	vm0 =	veq.s32 v19, $0x0  }
0x330: {  	[tilespmem:v8+s28+$0x0] =	vst.idx.add.f32.msk $0xffff, v1;
	v9 =	vsel vm0, v9, v10;
	v10 =	vadd.f32 $4.096000000e+03, v6;
	v6 =	vsub.f32 $1.228800000e+04, v6  }
0x331: {  	[tilespmem:v18+s28+$0x0] =	vst.idx.add.f32.msk $0xffff, v1;
	v12 =	vcvt.f32.s32 v12;
	v7 =	vtrunc.f32 v7;
	vm0 =	veq.s32 v5, $0x0  }
0x332: {  	[tilespmem:v4+s28+$0x0] =	vst.idx.add.f32.msk $0xffff, v1;
	v7 =	vcvt.f32.s32 v7;
	v9 =	vtrunc.f32 v9;
	v5 =	vsel vm0, v10, v6  }
0x333: {  	[tilespmem:v20+s28+$0x0] =	vst.idx.add.f32.msk $0xffff, v1;
	v9 =	vcvt.f32.s32 v9;
	v5 =	vtrunc.f32 v5  }
0x334: {  	[tilespmem:v16+s28+$0x0] =	vst.idx.add.f32.msk $0xffff, v1;
	v5 =	vcvt.f32.s32 v5  }
0x335: {  	[tilespmem:v14+s28+$0x0] =	vst.idx.add.f32.msk $0xffff, v1  }
0x336: {  	[tilespmem:v17+s28+$0x0] =	vst.idx.add.f32.msk $0xffff, v1  }
0x337: {  	[tilespmem:v12+s28+$0x0] =	vst.idx.add.f32.msk $0xffff, v1  }
0x338: {  	[tilespmem:v7+s28+$0x0] =	vst.idx.add.f32.msk $0xffff, v1  }
0x339: {  	[tilespmem:v9+s28+$0x0] =	vst.idx.add.f32.msk $0xffff, v1  }
0x33a: {  	[tilespmem:v5+s28+$0x0] =	vst.idx.add.f32.msk $0xffff, v1  }
0x33b: {  	_ =	swait.ge [sflag:s3], $0x4000  }
0x33c: {  	s25 =	simm.s32 $0x0;
	[sflag:s3] =	ssyncset.done $0x0  }
0x33d: {  	s26 =	simm.s32 $0x0;
	s4 =	simm.s32 $0x0;
	[sflag:s3] =	ssyncadd.s32 $0xFFFFC000  }
0x33e: {  	s5 =	sand.u32 $0x800, s25;
	s0 =	sand.u32 $0x3000, s26;
	_ =	swait.ge [sflag:s3], $0x4000  }
0x33f: {  	s4 =	sand.u32 $0x380, s4;
	s0 =	sor.u32 s5, s0;
	[sflag:s3] =	ssyncset.done $0x0  }
0x340: {  	s0 =	sor.u32 s4, s0;
	[sflag:s3] =	ssyncadd.s32 $0xFFFFC000  }
0x341: {  	v2 =	vld [tilespmem:s0+$0x470]  }
0x342: {  	v3 =	vld [tilespmem:s0+$0x460]  }
0x343: {  	v4 =	vld [tilespmem:s0+$0x450]  }
0x344: {  	v5 =	vld [tilespmem:s0+$0x30]  }
0x345: {  	v6 =	vld [tilespmem:s0+$0x50]  }
0x346: {  	v7 =	vld [tilespmem:s0+$0x70]  }
0x347: {  	v8 =	vld [tilespmem:s0+$0x20]  }
0x348: {  	v9 =	vld [tilespmem:s0+$0x430]  }
0x349: {  	v10 =	vld [tilespmem:s0+$0xC020]  }
0x34a: {  	v11 =	vld [tilespmem:s0+$0xC040]  }
0x34b: {  	v13 =	vld [tilespmem:s0+$0x440]  }
0x34c: {  	v14 =	vld [tilespmem:s0+$0xC050]  }
0x34d: {  	v15 =	vld [tilespmem:s0+$0x40]  }
0x34e: {  	v19 =	vld [tilespmem:s0+$0xC430]  }
0x34f: {  	v20 =	vld [tilespmem:s0+$0xC470]  }
0x350: {  	v22 =	vld [tilespmem:s0+$0xC420]  }
0x351: {  	v26 =	vld [tilespmem:s0+$0xC070];
	v5 =	vmax.f32 v5, $-9.998999590e+00;
	v7 =	vmax.f32 v7, $-9.998999590e+00  }
0x352: {  	v2 =	vmax.f32 v2, $-9.998999590e+00;
	v8 =	vmax.f32 v8, $-9.998999590e+00;
	v6 =	vmax.f32 v6, $-9.998999590e+00  }
0x353: {  	v9 =	vmax.f32 v9, $-9.998999590e+00;
	v16 =	vmax.f32 v4, $-9.998999590e+00;
	vm0 =	veq.s32 v10, $0x0  }
0x354: {  	v12 =	vld [tilespmem:s0+$0x420];
	v3 =	vmax.f32 v3, $-9.998999590e+00;
	v13 =	vmax.f32 v13, $-9.998999590e+00;
	vm3 =	veq.s32 v11, $0x0  }
0x355: {  	vm2 =	veq.s32 v14, $0x0;
	v14 =	vmax.f32 v15, $-9.998999590e+00;
	vm5 =	veq.s32 v19, $0x0  }
0x356: {  	vm7 =	veq.s32 v20, $0x0;
	vm4 =	veq.s32 v22, $0x0;
	vm6 =	veq.s32 v26, $0x0  }
0x357: {  	v7 =	vmin.f32 v7, $9.998999590e+00;
	v6 =	vmin.f32 v6, $9.998999590e+00;
	v4 =	vmin.f32 v9, $9.998999590e+00  }
0x358: {  	v2 =	vmin.f32 v2, $9.998999590e+00;
	v3 =	vmin.f32 v3, $9.998999590e+00;
	v5 =	vmin.f32 v5, $9.998999590e+00  }
0x359: {  	v10 =	vmul.f32 $4.096000060e+02, v6;
	v9 =	vmul.f32 $4.096000060e+02, v7;
	v7 =	vmax.f32 v12, $-9.998999590e+00  }
0x35a: {  	v25 =	vld [tilespmem:s0+$0xC440];
	v6 =	vmin.f32 v8, $9.998999590e+00;
	v11 =	vmul.f32 $4.096000060e+02, v4;
	v4 =	vmin.f32 v13, $9.998999590e+00  }
0x35b: {  	v12 =	vld [tilespmem:s0+$0xC010];
	v6 =	vmul.f32 $4.096000060e+02, v6;
	v18 =	vadd.f32 $4.096000000e+03, v10;
	v13 =	vsub.f32 $1.228800000e+04, v9  }
0x35c: {  	v8 =	vld [tilespmem:s0+$0x10];
	v15 =	vmul.f32 $4.096000060e+02, v4;
	v21 =	vsub.f32 $1.228800000e+04, v11;
	v23 =	vadd.f32 $4.096000000e+03, v11  }
0x35d: {  	v29 =	vld [tilespmem:s0+$0xC460];
	v63 =	vmin.f32 v16, $9.998999590e+00;
	v17 =	vadd.f32 $4.096000000e+03, v9;
	v9 =	vsub.f32 $1.228800000e+04, v10  }
0x35e: {  	v3 =	vmul.f32 $4.096000060e+02, v3;
	v4 =	vsub.f32 $1.228800000e+04, v6;
	v16 =	vadd.f32 $4.096000000e+03, v15  }
0x35f: {  	v11 =	vsub.f32 $1.228800000e+04, v15;
	v15 =	vsel vm2, v18, v9;
	v9 =	vsel vm5, v23, v21  }
0x360: {  	v19 =	vld [tilespmem:s0+$0xC030];
	vm5 =	veq.s32 v25, $0x0;
	v23 =	vmul.f32 $4.096000060e+02, v5;
	vm1 =	veq.s32 v12, $0x0  }
0x361: {  	v12 =	vmin.f32 v7, $9.998999590e+00;
	v7 =	vmax.f32 v8, $-9.998999590e+00;
	v8 =	vmul.f32 $4.096000060e+02, v2  }
0x362: {  	v18 =	vld [tilespmem:s0+$0xC450];
	v21 =	vmul.f32 $4.096000060e+02, v63;
	vm2 =	veq.s32 v29, $0x0;
	v2 =	vadd.f32 $4.096000000e+03, v3  }
0x363: {  	v5 =	vld [tilespmem:s0+$0xC400];
	v27 =	vmul.f32 $4.096000060e+02, v12;
	v28 =	vsub.f32 $1.228800000e+04, v8;
	v10 =	vadd.f32 $4.096000000e+03, v8  }
0x364: {  	v3 =	vsub.f32 $1.228800000e+04, v3;
	v9 =	vtrunc.f32 v9;
	v7 =	vmin.f32 v7, $9.998999590e+00;
	v12 =	vld [tilespmem:s0+$0x0]  }
0x365: {  	s26 =	simm.s32 $0x0;
	v8 =	vld [tilespmem:s0+$0x400];
	v20 =	vsub.f32 $1.228800000e+04, v27;
	v22 =	vadd.f32 $4.096000000e+03, v27;
	v10 =	vsel vm7, v10, v28  }
.LBB2_16:
0x366: {  	s26 =	sadd.s32 $0x10, s26;
	v24 =	vadd.f32 $4.096000000e+03, v23;
	v23 =	vsub.f32 $1.228800000e+04, v23;
	v25 =	vld [tilespmem:s0+$0xC060];
	v13 =	vsel vm6, v17, v13;
	s25 =	sadd.s32 $0x800, s25  }
0x367: {  	v14 =	vmin.f32 v14, $9.998999590e+00;
	v16 =	vsel vm5, v16, v11;
	s4 =	sshll.u32 s26, $0x4;
	s5 =	sshll.u32 s26, $0x2;
	p0 =	slt.u32 s26, $0x3F0;
	v17 =	vld [tilespmem:s0+$0x60];
	v11 =	vadd.f32 $4.096000000e+03, v21  }
0x368: {  	s6 =	sand.u32 $0x800, s25;
	v20 =	vsel vm4, v22, v20;
	v21 =	vsub.f32 $1.228800000e+04, v21;
	s4 =	sand.u32 $0x3000, s4;
	vm5 =	veq.s32 v19, $0x0;
	v19 =	vld [tilespmem:s0+$0x410]  }
0x369: {  	v14 =	vmul.f32 $4.096000060e+02, v14;
	s5 =	sand.u32 $0x380, s5;
	s4 =	sor.u32 s6, s4;
	v22 =	vld [tilespmem:s0+$0xC000];
	v23 =	vsel vm5, v24, v23;
	vm4 =	veq.s32 v18, $0x0  }
0x36a: {  	v20 =	vtrunc.f32 v20;
	v24 =	vcvt.f32.s32 v9;
	v18 =	vld [tilespmem:s0+$0xC410];
	s0 =	sor.u32 s5, s4;
	v11 =	vsel vm4, v11, v21  }
0x36b: {  	v21 =	vadd.f32 $4.096000000e+03, v14;
	v14 =	vsub.f32 $1.228800000e+04, v14;
	v9 =	vld [tilespmem:s0+$0xC470];
	v26 =	vtrunc.f32 v11  }
0x36c: {  	v27 =	vmax.f32 v12, $-9.998999590e+00;
	v20 =	vcvt.f32.s32 v20;
	v11 =	vld [tilespmem:s0+$0xC430];
	v26 =	vcvt.f32.s32 v26  }
0x36d: {  	v15 =	vtrunc.f32 v15;
	v21 =	vsel vm3, v21, v14;
	v12 =	vld [tilespmem:s0+$0xC010];
	v19 =	vmax.f32 v19, $-9.998999590e+00  }
0x36e: {  	v15 =	vcvt.f32.s32 v15;
	v21 =	vtrunc.f32 v21;
	v14 =	vld [tilespmem:s0+$0xC050];
	v19 =	vmin.f32 v19, $9.998999590e+00  }
0x36f: {  	v27 =	vmin.f32 v27, $9.998999590e+00;
	v21 =	vcvt.f32.s32 v21;
	v28 =	vld [tilespmem:s0+$0x470];
	v19 =	vmul.f32 $4.096000060e+02, v19  }
0x370: {  	v6 =	vadd.f32 $4.096000000e+03, v6;
	v16 =	vtrunc.f32 v16;
	v23 =	vtrunc.f32 v23;
	v29 =	vld [tilespmem:s0+$0x460]  }
0x371: {  	v23 =	vcvt.f32.s32 v23;
	v30 =	vld [tilespmem:s0+$0xC040];
	v31 =	vadd.f32 $4.096000000e+03, v19  }
0x372: {  	v4 =	vsel vm0, v6, v4;
	v6 =	vsub.f32 $1.228800000e+04, v19;
	v32 =	vld [tilespmem:s0+$0x450]  }
0x373: {  	v27 =	vmul.f32 $4.096000060e+02, v27;
	v4 =	vtrunc.f32 v4;
	vm0 =	veq.s32 v18, $0x0;
	v19 =	vld [tilespmem:s0+$0x430]  }
0x374: {  	v18 =	vmul.f32 $4.096000060e+02, v7;
	v7 =	vcvt.f32.s32 v4;
	v4 =	vsel vm0, v31, v6;
	[tilespmem:v24+s28+$0x0] =	vst.idx.add.f32.msk $0xffff, v1  }
0x375: {  	v6 =	vadd.f32 $4.096000000e+03, v27;
	v27 =	vsub.f32 $1.228800000e+04, v27;
	v4 =	vtrunc.f32 v4;
	v24 =	vld [tilespmem:s0+$0x40]  }
0x376: {  	v16 =	vcvt.f32.s32 v16;
	vm0 =	veq.s32 v22, $0x0;
	v4 =	vcvt.f32.s32 v4;
	v31 =	vld [tilespmem:s0+$0x30]  }
0x377: {  	v8 =	vmax.f32 v8, $-9.998999590e+00;
	v17 =	vmax.f32 v17, $-9.998999590e+00;
	v6 =	vsel vm0, v6, v27;
	v22 =	vld [tilespmem:s0+$0x50]  }
0x378: {  	v17 =	vmin.f32 v17, $9.998999590e+00;
	v33 =	vadd.f32 $4.096000000e+03, v18;
	v18 =	vsub.f32 $1.228800000e+04, v18;
	v27 =	vld [tilespmem:s0+$0x10]  }
0x379: {  	v10 =	vtrunc.f32 v10;
	v8 =	vmin.f32 v8, $9.998999590e+00;
	v17 =	vmul.f32 $4.096000060e+02, v17;
	v34 =	vld [tilespmem:s0+$0xC420]  }
0x37a: {  	v10 =	vcvt.f32.s32 v10;
	v18 =	vsel vm1, v33, v18;
	v6 =	vtrunc.f32 v6;
	v35 =	vld [tilespmem:s0+$0x70]  }
0x37b: {  	v36 =	vadd.f32 $4.096000000e+03, v17;
	v17 =	vsub.f32 $1.228800000e+04, v17;
	v18 =	vtrunc.f32 v18;
	v33 =	vld [tilespmem:s0+$0x440]  }
0x37c: {  	v8 =	vmul.f32 $4.096000060e+02, v8;
	v18 =	vcvt.f32.s32 v18;
	vm0 =	veq.s32 v25, $0x0;
	v37 =	vld [tilespmem:s0+$0x20]  }
0x37d: {  	v17 =	vsel vm0, v36, v17;
	vm0 =	veq.s32 v5, $0x0;
	v6 =	vcvt.f32.s32 v6;
	[tilespmem:v23+s28+$0x0] =	vst.idx.add.f32.msk $0xffff, v1  }
0x37e: {  	v5 =	vtrunc.f32 v17;
	v17 =	vadd.f32 $4.096000000e+03, v8;
	v8 =	vsub.f32 $1.228800000e+04, v8;
	[tilespmem:v4+s28+$0x0] =	vst.idx.add.f32.msk $0xffff, v1  }
0x37f: {  	v2 =	vsel vm2, v2, v3;
	v5 =	vcvt.f32.s32 v5;
	v23 =	vmax.f32 v31, $-9.998999590e+00;
	v4 =	vld [tilespmem:s0+$0xC020]  }
0x380: {  	v3 =	vtrunc.f32 v13;
	v8 =	vsel vm0, v17, v8;
	[tilespmem:v20+s28+$0x0] =	vst.idx.add.f32.msk $0xffff, v1  }
0x381: {  	v2 =	vtrunc.f32 v2;
	v13 =	vmax.f32 v35, $-9.998999590e+00;
	v20 =	vmax.f32 v28, $-9.998999590e+00;
	v17 =	vld [tilespmem:s0+$0x420]  }
0x382: {  	v2 =	vcvt.f32.s32 v2;
	v13 =	vmin.f32 v13, $9.998999590e+00;
	v25 =	vmax.f32 v37, $-9.998999590e+00;
	[tilespmem:v16+s28+$0x0] =	vst.idx.add.f32.msk $0xffff, v1  }
0x383: {  	v3 =	vcvt.f32.s32 v3;
	v19 =	vmax.f32 v19, $-9.998999590e+00;
	v16 =	vmax.f32 v22, $-9.998999590e+00;
	[tilespmem:v6+s28+$0x0] =	vst.idx.add.f32.msk $0xffff, v1  }
0x384: {  	v8 =	vtrunc.f32 v8;
	v6 =	vmin.f32 v16, $9.998999590e+00;
	v16 =	vmax.f32 v32, $-9.998999590e+00;
	[tilespmem:v26+s28+$0x0] =	vst.idx.add.f32.msk $0xffff, v1  }
0x385: {  	vm0 =	veq.s32 v4, $0x0;
	v22 =	vmul.f32 $4.096000060e+02, v6;
	v4 =	vmin.f32 v19, $9.998999590e+00;
	[tilespmem:v21+s28+$0x0] =	vst.idx.add.f32.msk $0xffff, v1  }
0x386: {  	v20 =	vmin.f32 v20, $9.998999590e+00;
	v19 =	vmul.f32 $4.096000060e+02, v13;
	v6 =	vmax.f32 v29, $-9.998999590e+00;
	[tilespmem:v15+s28+$0x0] =	vst.idx.add.f32.msk $0xffff, v1  }
0x387: {  	v13 =	vmax.f32 v33, $-9.998999590e+00;
	v15 =	vadd.f32 $4.096000000e+03, v22;
	v17 =	vmax.f32 v17, $-9.998999590e+00;
	[tilespmem:v10+s28+$0x0] =	vst.idx.add.f32.msk $0xffff, v1  }
0x388: {  	vm2 =	veq.s32 v14, $0x0;
	vm3 =	veq.s32 v30, $0x0;
	v10 =	vmin.f32 v25, $9.998999590e+00;
	[tilespmem:v18+s28+$0x0] =	vst.idx.add.f32.msk $0xffff, v1  }
0x389: {  	v21 =	vmin.f32 v6, $9.998999590e+00;
	v18 =	vmul.f32 $4.096000060e+02, v4;
	[tilespmem:v5+s28+$0x0] =	vst.idx.add.f32.msk $0xffff, v1;
	v5 =	vcvt.f32.s32 v8  }
0x38a: {  	v6 =	vmul.f32 $4.096000060e+02, v10;
	v10 =	vmin.f32 v23, $9.998999590e+00;
	v4 =	vmin.f32 v13, $9.998999590e+00;
	[tilespmem:v3+s28+$0x0] =	vst.idx.add.f32.msk $0xffff, v1  }
0x38b: {  	v14 =	vmax.f32 v24, $-9.998999590e+00;
	v13 =	vsub.f32 $1.228800000e+04, v19;
	v3 =	vmul.f32 $4.096000060e+02, v4;
	[tilespmem:v2+s28+$0x0] =	vst.idx.add.f32.msk $0xffff, v1  }
0x38c: {  	v25 =	vmin.f32 v16, $9.998999590e+00;
	v4 =	vsub.f32 $1.228800000e+04, v6;
	v23 =	vsub.f32 $1.228800000e+04, v18;
	v24 =	vld [tilespmem:s0+$0xC440]  }
0x38d: {  	vm1 =	veq.s32 v12, $0x0;
	v18 =	vadd.f32 $4.096000000e+03, v18;
	v2 =	vmin.f32 v17, $9.998999590e+00;
	v26 =	vld [tilespmem:s0+$0xC070]  }
0x38e: {  	v20 =	vmul.f32 $4.096000060e+02, v20;
	v8 =	vmax.f32 v27, $-9.998999590e+00;
	v16 =	vadd.f32 $4.096000000e+03, v3;
	[tilespmem:v7+s28+$0x0] =	vst.idx.add.f32.msk $0xffff, v1  }
0x38f: {  	vm5 =	veq.s32 v11, $0x0;
	v17 =	vadd.f32 $4.096000000e+03, v19;
	v7 =	vmin.f32 v8, $9.998999590e+00;
	[tilespmem:v5+s28+$0x0] =	vst.idx.add.f32.msk $0xffff, v1  }
0x390: {  	v27 =	vmul.f32 $4.096000060e+02, v2;
	v5 =	vmul.f32 $4.096000060e+02, v21;
	v21 =	vsub.f32 $1.228800000e+04, v20;
	v28 =	vld [tilespmem:s0+$0xC460]  }
0x391: {  	vm7 =	veq.s32 v9, $0x0;
	v19 =	vsub.f32 $1.228800000e+04, v22;
	v11 =	vsub.f32 $1.228800000e+04, v3;
	v12 =	vld [tilespmem:s0+$0x0]  }
.Ltmp7:
0x392: {  	vm4 =	veq.s32 v34, $0x0;
	v22 =	vadd.f32 $4.096000000e+03, v20;
	v2 =	vadd.f32 $4.096000000e+03, v5;
	v8 =	vld [tilespmem:s0+$0x400];
	(pc) =	sbr.rel @p0 .LBB2_16-.Ltmp7, $4  }
0x393: {  	v9 =	vsel vm5, v18, v23;
	v15 =	vsel vm2, v15, v19;
	vm5 =	veq.s32 v24, $0x0  }
0x394: {  	v23 =	vmul.f32 $4.096000060e+02, v10;
	v3 =	vsub.f32 $1.228800000e+04, v5;
	vm6 =	veq.s32 v26, $0x0;
	v19 =	vld [tilespmem:s0+$0xC030]  }
0x395: {  	v9 =	vtrunc.f32 v9;
	v20 =	vsub.f32 $1.228800000e+04, v27;
	v10 =	vsel vm7, v22, v21;
	v18 =	vld [tilespmem:s0+$0xC450]  }
0x396: {  	v22 =	vadd.f32 $4.096000000e+03, v27;
	v21 =	vmul.f32 $4.096000060e+02, v25;
	vm2 =	veq.s32 v28, $0x0;
	v5 =	vld [tilespmem:s0+$0xC400]  }
0x397: {  	v24 =	vadd.f32 $4.096000000e+03, v23;
	v23 =	vsub.f32 $1.228800000e+04, v23  }
0x398: {  	v13 =	vsel vm6, v17, v13;
	v14 =	vmin.f32 v14, $9.998999590e+00;
	v11 =	vsel vm5, v16, v11  }
0x399: {  	v9 =	vcvt.f32.s32 v9;
	v15 =	vtrunc.f32 v15;
	v12 =	vmax.f32 v12, $-9.998999590e+00  }
0x39a: {  	v6 =	vadd.f32 $4.096000000e+03, v6;
	v7 =	vmul.f32 $4.096000060e+02, v7;
	v8 =	vmax.f32 v8, $-9.998999590e+00  }
0x39b: {  	v2 =	vsel vm2, v2, v3;
	v16 =	vadd.f32 $4.096000000e+03, v21;
	v14 =	vmul.f32 $4.096000060e+02, v14  }
0x39c: {  	v15 =	vcvt.f32.s32 v15;
	v12 =	vmin.f32 v12, $9.998999590e+00;
	v11 =	vtrunc.f32 v11  }
0x39d: {  	v17 =	vld [tilespmem:s0+$0x410];
	v3 =	vtrunc.f32 v13;
	v2 =	vtrunc.f32 v2;
	vm5 =	veq.s32 v19, $0x0  }
0x39e: {  	v19 =	vsel vm4, v22, v20;
	v20 =	vsub.f32 $1.228800000e+04, v21;
	v12 =	vmul.f32 $4.096000060e+02, v12  }
0x39f: {  	v11 =	vcvt.f32.s32 v11;
	v4 =	vsel vm0, v6, v4;
	v6 =	vmin.f32 v8, $9.998999590e+00  }
0x3a0: {  	v8 =	vtrunc.f32 v10;
	v3 =	vcvt.f32.s32 v3;
	vm4 =	veq.s32 v18, $0x0  }
0x3a1: {  	v18 =	vtrunc.f32 v19;
	v19 =	vadd.f32 $4.096000000e+03, v14;
	v14 =	vsub.f32 $1.228800000e+04, v14  }
0x3a2: {  	v21 =	vld [tilespmem:s0+$0xC410];
	v2 =	vcvt.f32.s32 v2;
	v6 =	vmul.f32 $4.096000060e+02, v6;
	v17 =	vmax.f32 v17, $-9.998999590e+00  }
0x3a3: {  	v8 =	vcvt.f32.s32 v8;
	v14 =	vsel vm3, v19, v14;
	v19 =	vld [tilespmem:s0+$0xC000];
	v17 =	vmin.f32 v17, $9.998999590e+00  }
0x3a4: {  	v22 =	vld [tilespmem:s0+$0x60];
	v4 =	vtrunc.f32 v4;
	v16 =	vsel vm4, v16, v20;
	v17 =	vmul.f32 $4.096000060e+02, v17  }
0x3a5: {  	v20 =	vsel vm5, v24, v23;
	v18 =	vcvt.f32.s32 v18;
	v4 =	vcvt.f32.s32 v4  }
0x3a6: {  	v16 =	vtrunc.f32 v16;
	v23 =	vadd.f32 $4.096000000e+03, v17;
	v17 =	vsub.f32 $1.228800000e+04, v17  }
0x3a7: {  	vm3 =	veq.s32 v21, $0x0;
	v21 =	vadd.f32 $4.096000000e+03, v12;
	v12 =	vsub.f32 $1.228800000e+04, v12  }
0x3a8: {  	v20 =	vtrunc.f32 v20;
	v17 =	vsel vm3, v23, v17;
	vm3 =	veq.s32 v19, $0x0  }
0x3a9: {  	v16 =	vcvt.f32.s32 v16;
	v19 =	vld [tilespmem:s0+$0xC060];
	v12 =	vsel vm3, v21, v12;
	v21 =	vmax.f32 v22, $-9.998999590e+00  }
0x3aa: {  	v14 =	vtrunc.f32 v14;
	v20 =	vcvt.f32.s32 v20;
	[tilespmem:v9+s28+$0x0] =	vst.idx.add.f32.msk $0xffff, v1;
	v21 =	vmin.f32 v21, $9.998999590e+00  }
0x3ab: {  	v14 =	vcvt.f32.s32 v14;
	[tilespmem:v15+s28+$0x0] =	vst.idx.add.f32.msk $0xffff, v1;
	v21 =	vmul.f32 $4.096000060e+02, v21  }
0x3ac: {  	[tilespmem:v11+s28+$0x0] =	vst.idx.add.f32.msk $0xffff, v1;
	v17 =	vtrunc.f32 v17;
	v22 =	vadd.f32 $4.096000000e+03, v7;
	v7 =	vsub.f32 $1.228800000e+04, v7  }
0x3ad: {  	[tilespmem:v3+s28+$0x0] =	vst.idx.add.f32.msk $0xffff, v1;
	v17 =	vcvt.f32.s32 v17;
	v9 =	vadd.f32 $4.096000000e+03, v21;
	v10 =	vsub.f32 $1.228800000e+04, v21  }
0x3ae: {  	[tilespmem:v2+s28+$0x0] =	vst.idx.add.f32.msk $0xffff, v1;
	v12 =	vtrunc.f32 v12;
	v7 =	vsel vm1, v22, v7;
	vm0 =	veq.s32 v19, $0x0  }
0x3af: {  	[tilespmem:v8+s28+$0x0] =	vst.idx.add.f32.msk $0xffff, v1;
	v9 =	vsel vm0, v9, v10;
	v10 =	vadd.f32 $4.096000000e+03, v6;
	v6 =	vsub.f32 $1.228800000e+04, v6  }
0x3b0: {  	[tilespmem:v18+s28+$0x0] =	vst.idx.add.f32.msk $0xffff, v1;
	v12 =	vcvt.f32.s32 v12;
	v7 =	vtrunc.f32 v7;
	vm0 =	veq.s32 v5, $0x0  }
0x3b1: {  	[tilespmem:v4+s28+$0x0] =	vst.idx.add.f32.msk $0xffff, v1;
	v7 =	vcvt.f32.s32 v7;
	v9 =	vtrunc.f32 v9;
	v5 =	vsel vm0, v10, v6  }
0x3b2: {  	[tilespmem:v20+s28+$0x0] =	vst.idx.add.f32.msk $0xffff, v1;
	v9 =	vcvt.f32.s32 v9;
	v5 =	vtrunc.f32 v5  }
0x3b3: {  	[tilespmem:v16+s28+$0x0] =	vst.idx.add.f32.msk $0xffff, v1;
	v5 =	vcvt.f32.s32 v5  }
0x3b4: {  	[tilespmem:v14+s28+$0x0] =	vst.idx.add.f32.msk $0xffff, v1  }
0x3b5: {  	[tilespmem:v17+s28+$0x0] =	vst.idx.add.f32.msk $0xffff, v1  }
0x3b6: {  	[tilespmem:v12+s28+$0x0] =	vst.idx.add.f32.msk $0xffff, v1  }
0x3b7: {  	[tilespmem:v7+s28+$0x0] =	vst.idx.add.f32.msk $0xffff, v1  }
0x3b8: {  	[tilespmem:v9+s28+$0x0] =	vst.idx.add.f32.msk $0xffff, v1  }
0x3b9: {  	[tilespmem:v5+s28+$0x0] =	vst.idx.add.f32.msk $0xffff, v1  }
0x3ba: {  	_ =	swait.ge [sflag:s29], $0x4000  }
0x3bb: {  	s25 =	simm.s32 $0x0;
	[sflag:s29] =	ssyncset.done $0x0  }
0x3bc: {  	s26 =	simm.s32 $0x0;
	s4 =	simm.s32 $0x0;
	[sflag:s29] =	ssyncadd.s32 $0xFFFFC000  }
0x3bd: {  	s5 =	sand.u32 $0x800, s25;
	s0 =	sand.u32 $0x3000, s26;
	_ =	swait.ge [sflag:s29], $0x4000  }
0x3be: {  	s4 =	sand.u32 $0x380, s4;
	s0 =	sor.u32 s5, s0;
	[sflag:s29] =	ssyncset.done $0x0  }
0x3bf: {  	s0 =	sor.u32 s4, s0;
	[sflag:s29] =	ssyncadd.s32 $0xFFFFC000  }
0x3c0: {  	v2 =	vld [tilespmem:s0+$0x4470]  }
0x3c1: {  	v3 =	vld [tilespmem:s0+$0x4460]  }
0x3c2: {  	v4 =	vld [tilespmem:s0+$0x4450]  }
0x3c3: {  	v5 =	vld [tilespmem:s0+$0x4030]  }
0x3c4: {  	v6 =	vld [tilespmem:s0+$0x4050]  }
0x3c5: {  	v7 =	vld [tilespmem:s0+$0x4070]  }
0x3c6: {  	v8 =	vld [tilespmem:s0+$0x4020]  }
0x3c7: {  	v9 =	vld [tilespmem:s0+$0x4430]  }
0x3c8: {  	v10 =	vld [tilespmem:s0+$0x10020]  }
0x3c9: {  	v11 =	vld [tilespmem:s0+$0x10040]  }
0x3ca: {  	v13 =	vld [tilespmem:s0+$0x4440]  }
0x3cb: {  	v14 =	vld [tilespmem:s0+$0x10050]  }
0x3cc: {  	v15 =	vld [tilespmem:s0+$0x4040]  }
0x3cd: {  	v19 =	vld [tilespmem:s0+$0x10430]  }
0x3ce: {  	v20 =	vld [tilespmem:s0+$0x10470]  }
0x3cf: {  	v22 =	vld [tilespmem:s0+$0x10420]  }
0x3d0: {  	v26 =	vld [tilespmem:s0+$0x10070];
	v5 =	vmax.f32 v5, $-9.998999590e+00;
	v7 =	vmax.f32 v7, $-9.998999590e+00  }
0x3d1: {  	v2 =	vmax.f32 v2, $-9.998999590e+00;
	v8 =	vmax.f32 v8, $-9.998999590e+00;
	v6 =	vmax.f32 v6, $-9.998999590e+00  }
0x3d2: {  	v9 =	vmax.f32 v9, $-9.998999590e+00;
	v16 =	vmax.f32 v4, $-9.998999590e+00;
	vm0 =	veq.s32 v10, $0x0  }
0x3d3: {  	v12 =	vld [tilespmem:s0+$0x4420];
	v3 =	vmax.f32 v3, $-9.998999590e+00;
	v13 =	vmax.f32 v13, $-9.998999590e+00;
	vm3 =	veq.s32 v11, $0x0  }
0x3d4: {  	vm2 =	veq.s32 v14, $0x0;
	v14 =	vmax.f32 v15, $-9.998999590e+00;
	vm5 =	veq.s32 v19, $0x0  }
0x3d5: {  	vm7 =	veq.s32 v20, $0x0;
	vm4 =	veq.s32 v22, $0x0;
	vm6 =	veq.s32 v26, $0x0  }
0x3d6: {  	v7 =	vmin.f32 v7, $9.998999590e+00;
	v6 =	vmin.f32 v6, $9.998999590e+00;
	v4 =	vmin.f32 v9, $9.998999590e+00  }
0x3d7: {  	v2 =	vmin.f32 v2, $9.998999590e+00;
	v3 =	vmin.f32 v3, $9.998999590e+00;
	v5 =	vmin.f32 v5, $9.998999590e+00  }
0x3d8: {  	v10 =	vmul.f32 $4.096000060e+02, v6;
	v9 =	vmul.f32 $4.096000060e+02, v7;
	v7 =	vmax.f32 v12, $-9.998999590e+00  }
0x3d9: {  	v25 =	vld [tilespmem:s0+$0x10440];
	v6 =	vmin.f32 v8, $9.998999590e+00;
	v11 =	vmul.f32 $4.096000060e+02, v4;
	v4 =	vmin.f32 v13, $9.998999590e+00  }
0x3da: {  	v12 =	vld [tilespmem:s0+$0x10010];
	v6 =	vmul.f32 $4.096000060e+02, v6;
	v18 =	vadd.f32 $4.096000000e+03, v10;
	v13 =	vsub.f32 $1.228800000e+04, v9  }
0x3db: {  	v8 =	vld [tilespmem:s0+$0x4010];
	v15 =	vmul.f32 $4.096000060e+02, v4;
	v21 =	vsub.f32 $1.228800000e+04, v11;
	v23 =	vadd.f32 $4.096000000e+03, v11  }
0x3dc: {  	v29 =	vld [tilespmem:s0+$0x10460];
	v63 =	vmin.f32 v16, $9.998999590e+00;
	v17 =	vadd.f32 $4.096000000e+03, v9;
	v9 =	vsub.f32 $1.228800000e+04, v10  }
0x3dd: {  	v3 =	vmul.f32 $4.096000060e+02, v3;
	v4 =	vsub.f32 $1.228800000e+04, v6;
	v16 =	vadd.f32 $4.096000000e+03, v15  }
0x3de: {  	v11 =	vsub.f32 $1.228800000e+04, v15;
	v15 =	vsel vm2, v18, v9;
	v9 =	vsel vm5, v23, v21  }
0x3df: {  	v19 =	vld [tilespmem:s0+$0x10030];
	vm5 =	veq.s32 v25, $0x0;
	v23 =	vmul.f32 $4.096000060e+02, v5;
	vm1 =	veq.s32 v12, $0x0  }
0x3e0: {  	v12 =	vmin.f32 v7, $9.998999590e+00;
	v7 =	vmax.f32 v8, $-9.998999590e+00;
	v8 =	vmul.f32 $4.096000060e+02, v2  }
0x3e1: {  	v18 =	vld [tilespmem:s0+$0x10450];
	v21 =	vmul.f32 $4.096000060e+02, v63;
	vm2 =	veq.s32 v29, $0x0;
	v2 =	vadd.f32 $4.096000000e+03, v3  }
0x3e2: {  	v5 =	vld [tilespmem:s0+$0x10400];
	v27 =	vmul.f32 $4.096000060e+02, v12;
	v28 =	vsub.f32 $1.228800000e+04, v8;
	v10 =	vadd.f32 $4.096000000e+03, v8  }
0x3e3: {  	v3 =	vsub.f32 $1.228800000e+04, v3;
	v9 =	vtrunc.f32 v9;
	v7 =	vmin.f32 v7, $9.998999590e+00;
	v12 =	vld [tilespmem:s0+$0x4000]  }
0x3e4: {  	s26 =	simm.s32 $0x0;
	v8 =	vld [tilespmem:s0+$0x4400];
	v20 =	vsub.f32 $1.228800000e+04, v27;
	v22 =	vadd.f32 $4.096000000e+03, v27;
	v10 =	vsel vm7, v10, v28  }
.LBB2_18:
0x3e5: {  	s26 =	sadd.s32 $0x10, s26;
	v24 =	vadd.f32 $4.096000000e+03, v23;
	v23 =	vsub.f32 $1.228800000e+04, v23;
	v25 =	vld [tilespmem:s0+$0x10060];
	v13 =	vsel vm6, v17, v13;
	s25 =	sadd.s32 $0x800, s25  }
0x3e6: {  	v14 =	vmin.f32 v14, $9.998999590e+00;
	v16 =	vsel vm5, v16, v11;
	s4 =	sshll.u32 s26, $0x4;
	s5 =	sshll.u32 s26, $0x2;
	p0 =	slt.u32 s26, $0x3F0;
	v17 =	vld [tilespmem:s0+$0x4060];
	v11 =	vadd.f32 $4.096000000e+03, v21  }
0x3e7: {  	s6 =	sand.u32 $0x800, s25;
	v20 =	vsel vm4, v22, v20;
	v21 =	vsub.f32 $1.228800000e+04, v21;
	s4 =	sand.u32 $0x3000, s4;
	vm5 =	veq.s32 v19, $0x0;
	v19 =	vld [tilespmem:s0+$0x4410]  }
0x3e8: {  	v14 =	vmul.f32 $4.096000060e+02, v14;
	s5 =	sand.u32 $0x380, s5;
	s4 =	sor.u32 s6, s4;
	v22 =	vld [tilespmem:s0+$0x10000];
	v23 =	vsel vm5, v24, v23;
	vm4 =	veq.s32 v18, $0x0  }
0x3e9: {  	v20 =	vtrunc.f32 v20;
	v24 =	vcvt.f32.s32 v9;
	v18 =	vld [tilespmem:s0+$0x10410];
	s0 =	sor.u32 s5, s4;
	v11 =	vsel vm4, v11, v21  }
0x3ea: {  	v21 =	vadd.f32 $4.096000000e+03, v14;
	v14 =	vsub.f32 $1.228800000e+04, v14;
	v9 =	vld [tilespmem:s0+$0x10470];
	v26 =	vtrunc.f32 v11  }
0x3eb: {  	v27 =	vmax.f32 v12, $-9.998999590e+00;
	v20 =	vcvt.f32.s32 v20;
	v11 =	vld [tilespmem:s0+$0x10430];
	v26 =	vcvt.f32.s32 v26  }
0x3ec: {  	v15 =	vtrunc.f32 v15;
	v21 =	vsel vm3, v21, v14;
	v12 =	vld [tilespmem:s0+$0x10010];
	v19 =	vmax.f32 v19, $-9.998999590e+00  }
0x3ed: {  	v15 =	vcvt.f32.s32 v15;
	v21 =	vtrunc.f32 v21;
	v14 =	vld [tilespmem:s0+$0x10050];
	v19 =	vmin.f32 v19, $9.998999590e+00  }
0x3ee: {  	v27 =	vmin.f32 v27, $9.998999590e+00;
	v21 =	vcvt.f32.s32 v21;
	v28 =	vld [tilespmem:s0+$0x4470];
	v19 =	vmul.f32 $4.096000060e+02, v19  }
0x3ef: {  	v6 =	vadd.f32 $4.096000000e+03, v6;
	v16 =	vtrunc.f32 v16;
	v23 =	vtrunc.f32 v23;
	v29 =	vld [tilespmem:s0+$0x4460]  }
0x3f0: {  	v23 =	vcvt.f32.s32 v23;
	v30 =	vld [tilespmem:s0+$0x10040];
	v31 =	vadd.f32 $4.096000000e+03, v19  }
0x3f1: {  	v4 =	vsel vm0, v6, v4;
	v6 =	vsub.f32 $1.228800000e+04, v19;
	v32 =	vld [tilespmem:s0+$0x4450]  }
0x3f2: {  	v27 =	vmul.f32 $4.096000060e+02, v27;
	v4 =	vtrunc.f32 v4;
	vm0 =	veq.s32 v18, $0x0;
	v19 =	vld [tilespmem:s0+$0x4430]  }
0x3f3: {  	v18 =	vmul.f32 $4.096000060e+02, v7;
	v7 =	vcvt.f32.s32 v4;
	v4 =	vsel vm0, v31, v6;
	[tilespmem:v24+s28+$0x0] =	vst.idx.add.f32.msk $0xffff, v1  }
0x3f4: {  	v6 =	vadd.f32 $4.096000000e+03, v27;
	v27 =	vsub.f32 $1.228800000e+04, v27;
	v4 =	vtrunc.f32 v4;
	v24 =	vld [tilespmem:s0+$0x4040]  }
0x3f5: {  	v16 =	vcvt.f32.s32 v16;
	vm0 =	veq.s32 v22, $0x0;
	v4 =	vcvt.f32.s32 v4;
	v31 =	vld [tilespmem:s0+$0x4030]  }
0x3f6: {  	v8 =	vmax.f32 v8, $-9.998999590e+00;
	v17 =	vmax.f32 v17, $-9.998999590e+00;
	v6 =	vsel vm0, v6, v27;
	v22 =	vld [tilespmem:s0+$0x4050]  }
0x3f7: {  	v17 =	vmin.f32 v17, $9.998999590e+00;
	v33 =	vadd.f32 $4.096000000e+03, v18;
	v18 =	vsub.f32 $1.228800000e+04, v18;
	v27 =	vld [tilespmem:s0+$0x4010]  }
0x3f8: {  	v10 =	vtrunc.f32 v10;
	v8 =	vmin.f32 v8, $9.998999590e+00;
	v17 =	vmul.f32 $4.096000060e+02, v17;
	v34 =	vld [tilespmem:s0+$0x10420]  }
0x3f9: {  	v10 =	vcvt.f32.s32 v10;
	v18 =	vsel vm1, v33, v18;
	v6 =	vtrunc.f32 v6;
	v35 =	vld [tilespmem:s0+$0x4070]  }
0x3fa: {  	v36 =	vadd.f32 $4.096000000e+03, v17;
	v17 =	vsub.f32 $1.228800000e+04, v17;
	v18 =	vtrunc.f32 v18;
	v33 =	vld [tilespmem:s0+$0x4440]  }
0x3fb: {  	v8 =	vmul.f32 $4.096000060e+02, v8;
	v18 =	vcvt.f32.s32 v18;
	vm0 =	veq.s32 v25, $0x0;
	v37 =	vld [tilespmem:s0+$0x4020]  }
0x3fc: {  	v17 =	vsel vm0, v36, v17;
	vm0 =	veq.s32 v5, $0x0;
	v6 =	vcvt.f32.s32 v6;
	[tilespmem:v23+s28+$0x0] =	vst.idx.add.f32.msk $0xffff, v1  }
0x3fd: {  	v5 =	vtrunc.f32 v17;
	v17 =	vadd.f32 $4.096000000e+03, v8;
	v8 =	vsub.f32 $1.228800000e+04, v8;
	[tilespmem:v4+s28+$0x0] =	vst.idx.add.f32.msk $0xffff, v1  }
0x3fe: {  	v2 =	vsel vm2, v2, v3;
	v5 =	vcvt.f32.s32 v5;
	v23 =	vmax.f32 v31, $-9.998999590e+00;
	v4 =	vld [tilespmem:s0+$0x10020]  }
0x3ff: {  	v3 =	vtrunc.f32 v13;
	v8 =	vsel vm0, v17, v8;
	[tilespmem:v20+s28+$0x0] =	vst.idx.add.f32.msk $0xffff, v1  }
0x400: {  	v2 =	vtrunc.f32 v2;
	v13 =	vmax.f32 v35, $-9.998999590e+00;
	v20 =	vmax.f32 v28, $-9.998999590e+00;
	v17 =	vld [tilespmem:s0+$0x4420]  }
0x401: {  	v2 =	vcvt.f32.s32 v2;
	v13 =	vmin.f32 v13, $9.998999590e+00;
	v25 =	vmax.f32 v37, $-9.998999590e+00;
	[tilespmem:v16+s28+$0x0] =	vst.idx.add.f32.msk $0xffff, v1  }
0x402: {  	v3 =	vcvt.f32.s32 v3;
	v19 =	vmax.f32 v19, $-9.998999590e+00;
	v16 =	vmax.f32 v22, $-9.998999590e+00;
	[tilespmem:v6+s28+$0x0] =	vst.idx.add.f32.msk $0xffff, v1  }
0x403: {  	v8 =	vtrunc.f32 v8;
	v6 =	vmin.f32 v16, $9.998999590e+00;
	v16 =	vmax.f32 v32, $-9.998999590e+00;
	[tilespmem:v26+s28+$0x0] =	vst.idx.add.f32.msk $0xffff, v1  }
0x404: {  	vm0 =	veq.s32 v4, $0x0;
	v22 =	vmul.f32 $4.096000060e+02, v6;
	v4 =	vmin.f32 v19, $9.998999590e+00;
	[tilespmem:v21+s28+$0x0] =	vst.idx.add.f32.msk $0xffff, v1  }
0x405: {  	v20 =	vmin.f32 v20, $9.998999590e+00;
	v19 =	vmul.f32 $4.096000060e+02, v13;
	v6 =	vmax.f32 v29, $-9.998999590e+00;
	[tilespmem:v15+s28+$0x0] =	vst.idx.add.f32.msk $0xffff, v1  }
0x406: {  	v13 =	vmax.f32 v33, $-9.998999590e+00;
	v15 =	vadd.f32 $4.096000000e+03, v22;
	v17 =	vmax.f32 v17, $-9.998999590e+00;
	[tilespmem:v10+s28+$0x0] =	vst.idx.add.f32.msk $0xffff, v1  }
0x407: {  	vm2 =	veq.s32 v14, $0x0;
	vm3 =	veq.s32 v30, $0x0;
	v10 =	vmin.f32 v25, $9.998999590e+00;
	[tilespmem:v18+s28+$0x0] =	vst.idx.add.f32.msk $0xffff, v1  }
0x408: {  	v21 =	vmin.f32 v6, $9.998999590e+00;
	v18 =	vmul.f32 $4.096000060e+02, v4;
	[tilespmem:v5+s28+$0x0] =	vst.idx.add.f32.msk $0xffff, v1;
	v5 =	vcvt.f32.s32 v8  }
0x409: {  	v6 =	vmul.f32 $4.096000060e+02, v10;
	v10 =	vmin.f32 v23, $9.998999590e+00;
	v4 =	vmin.f32 v13, $9.998999590e+00;
	[tilespmem:v3+s28+$0x0] =	vst.idx.add.f32.msk $0xffff, v1  }
0x40a: {  	v14 =	vmax.f32 v24, $-9.998999590e+00;
	v13 =	vsub.f32 $1.228800000e+04, v19;
	v3 =	vmul.f32 $4.096000060e+02, v4;
	[tilespmem:v2+s28+$0x0] =	vst.idx.add.f32.msk $0xffff, v1  }
0x40b: {  	v25 =	vmin.f32 v16, $9.998999590e+00;
	v4 =	vsub.f32 $1.228800000e+04, v6;
	v23 =	vsub.f32 $1.228800000e+04, v18;
	v24 =	vld [tilespmem:s0+$0x10440]  }
0x40c: {  	vm1 =	veq.s32 v12, $0x0;
	v18 =	vadd.f32 $4.096000000e+03, v18;
	v2 =	vmin.f32 v17, $9.998999590e+00;
	v26 =	vld [tilespmem:s0+$0x10070]  }
0x40d: {  	v20 =	vmul.f32 $4.096000060e+02, v20;
	v8 =	vmax.f32 v27, $-9.998999590e+00;
	v16 =	vadd.f32 $4.096000000e+03, v3;
	[tilespmem:v7+s28+$0x0] =	vst.idx.add.f32.msk $0xffff, v1  }
0x40e: {  	vm5 =	veq.s32 v11, $0x0;
	v17 =	vadd.f32 $4.096000000e+03, v19;
	v7 =	vmin.f32 v8, $9.998999590e+00;
	[tilespmem:v5+s28+$0x0] =	vst.idx.add.f32.msk $0xffff, v1  }
0x40f: {  	v27 =	vmul.f32 $4.096000060e+02, v2;
	v5 =	vmul.f32 $4.096000060e+02, v21;
	v21 =	vsub.f32 $1.228800000e+04, v20;
	v28 =	vld [tilespmem:s0+$0x10460]  }
0x410: {  	vm7 =	veq.s32 v9, $0x0;
	v19 =	vsub.f32 $1.228800000e+04, v22;
	v11 =	vsub.f32 $1.228800000e+04, v3;
	v12 =	vld [tilespmem:s0+$0x4000]  }
.Ltmp8:
0x411: {  	vm4 =	veq.s32 v34, $0x0;
	v22 =	vadd.f32 $4.096000000e+03, v20;
	v2 =	vadd.f32 $4.096000000e+03, v5;
	v8 =	vld [tilespmem:s0+$0x4400];
	(pc) =	sbr.rel @p0 .LBB2_18-.Ltmp8, $4  }
0x412: {  	v9 =	vsel vm5, v18, v23;
	v15 =	vsel vm2, v15, v19;
	vm5 =	veq.s32 v24, $0x0  }
0x413: {  	v23 =	vmul.f32 $4.096000060e+02, v10;
	v3 =	vsub.f32 $1.228800000e+04, v5;
	vm6 =	veq.s32 v26, $0x0;
	v19 =	vld [tilespmem:s0+$0x10030]  }
0x414: {  	v9 =	vtrunc.f32 v9;
	v20 =	vsub.f32 $1.228800000e+04, v27;
	v10 =	vsel vm7, v22, v21;
	v18 =	vld [tilespmem:s0+$0x10450]  }
0x415: {  	v22 =	vadd.f32 $4.096000000e+03, v27;
	v21 =	vmul.f32 $4.096000060e+02, v25;
	vm2 =	veq.s32 v28, $0x0;
	v5 =	vld [tilespmem:s0+$0x10400]  }
0x416: {  	v24 =	vadd.f32 $4.096000000e+03, v23  }
0x417: {  	v43 =	vsub.f32 $1.228800000e+04, v23;
	v13 =	vsel vm6, v17, v13;
	v14 =	vmin.f32 v14, $9.998999590e+00  }
0x418: {  	v11 =	vsel vm5, v16, v11;
	v9 =	vcvt.f32.s32 v9;
	v15 =	vtrunc.f32 v15  }
0x419: {  	v12 =	vmax.f32 v12, $-9.998999590e+00;
	v6 =	vadd.f32 $4.096000000e+03, v6;
	v7 =	vmul.f32 $4.096000060e+02, v7  }
0x41a: {  	v8 =	vmax.f32 v8, $-9.998999590e+00;
	v60 =	vtrunc.f32 v10;
	v2 =	vsel vm2, v2, v3  }
0x41b: {  	v44 =	vadd.f32 $4.096000000e+03, v21;
	v46 =	vsel vm4, v22, v20;
	v14 =	vmul.f32 $4.096000060e+02, v14  }
0x41c: {  	v47 =	vsub.f32 $1.228800000e+04, v21;
	v15 =	vcvt.f32.s32 v15;
	v11 =	vtrunc.f32 v11  }
0x41d: {  	v59 =	vmin.f32 v8, $9.998999590e+00;
	v8 =	vcvt.f32.s32 v60;
	v3 =	vtrunc.f32 v13  }
0x41e: {  	v12 =	vmin.f32 v12, $9.998999590e+00;
	v2 =	vtrunc.f32 v2;
	v48 =	vtrunc.f32 v46  }
0x41f: {  	vm10 =	veq.s32 v19, $0x0;
	v12 =	vmul.f32 $4.096000060e+02, v12;
	v11 =	vcvt.f32.s32 v11  }
0x420: {  	v45 =	vld [tilespmem:s0+$0x4410];
	v58 =	vadd.f32 $4.096000000e+03, v7;
	v4 =	vsel vm0, v6, v4;
	v6 =	vmul.f32 $4.096000060e+02, v59  }
0x421: {  	v51 =	vld [tilespmem:s0+$0x10410];
	v7 =	vsub.f32 $1.228800000e+04, v7;
	v3 =	vcvt.f32.s32 v3;
	v2 =	vcvt.f32.s32 v2  }
0x422: {  	v52 =	vld [tilespmem:s0+$0x10000];
	vm11 =	veq.s32 v18, $0x0;
	v49 =	vadd.f32 $4.096000000e+03, v14;
	v14 =	vsub.f32 $1.228800000e+04, v14  }
0x423: {  	v53 =	vld [tilespmem:s0+$0x4060];
	v50 =	vsel vm10, v24, v43;
	v18 =	vcvt.f32.s32 v48;
	v4 =	vtrunc.f32 v4  }
0x424: {  	v56 =	vld [tilespmem:s0+$0x10060];
	v16 =	vsel vm11, v44, v47;
	v20 =	vtrunc.f32 v50;
	v55 =	vadd.f32 $4.096000000e+03, v12  }
0x425: {  	v12 =	vsub.f32 $1.228800000e+04, v12;
	v7 =	vsel vm1, v58, v7;
	v63 =	vadd.f32 $4.096000000e+03, v6  }
0x426: {  	v6 =	vsub.f32 $1.228800000e+04, v6;
	vm15 =	veq.s32 v5, $0x0;
	v4 =	vcvt.f32.s32 v4  }
0x427: {  	v16 =	vtrunc.f32 v16;
	v14 =	vsel vm3, v49, v14;
	v17 =	vmax.f32 v45, $-9.998999590e+00  }
0x428: {  	vm12 =	veq.s32 v51, $0x0;
	v20 =	vcvt.f32.s32 v20;
	vm13 =	veq.s32 v52, $0x0  }
0x429: {  	v57 =	vmax.f32 v53, $-9.998999590e+00;
	v7 =	vtrunc.f32 v7;
	vm14 =	veq.s32 v56, $0x0;
	[tilespmem:v9+s28+$0x0] =	vst.idx.add.f32.msk $0xffff, v1  }
0x42a: {  	v16 =	vcvt.f32.s32 v16;
	v14 =	vtrunc.f32 v14;
	v17 =	vmin.f32 v17, $9.998999590e+00;
	[tilespmem:v15+s28+$0x0] =	vst.idx.add.f32.msk $0xffff, v1  }
0x42b: {  	v12 =	vsel vm13, v55, v12;
	v21 =	vmin.f32 v57, $9.998999590e+00;
	v17 =	vmul.f32 $4.096000060e+02, v17;
	[tilespmem:v8+s28+$0x0] =	vst.idx.add.f32.msk $0xffff, v1  }
0x42c: {  	v7 =	vcvt.f32.s32 v7;
	v5 =	vsel vm15, v63, v6;
	v21 =	vmul.f32 $4.096000060e+02, v21;
	[tilespmem:v11+s28+$0x0] =	vst.idx.add.f32.msk $0xffff, v1  }
0x42d: {  	v14 =	vcvt.f32.s32 v14;
	[tilespmem:v3+s28+$0x0] =	vst.idx.add.f32.msk $0xffff, v1;
	v54 =	vadd.f32 $4.096000000e+03, v17;
	v17 =	vsub.f32 $1.228800000e+04, v17  }
0x42e: {  	v12 =	vtrunc.f32 v12;
	[tilespmem:v2+s28+$0x0] =	vst.idx.add.f32.msk $0xffff, v1;
	v61 =	vadd.f32 $4.096000000e+03, v21;
	v62 =	vsub.f32 $1.228800000e+04, v21  }
0x42f: {  	v5 =	vtrunc.f32 v5;
	v12 =	vcvt.f32.s32 v12;
	[tilespmem:v18+s28+$0x0] =	vst.idx.add.f32.msk $0xffff, v1;
	v17 =	vsel vm12, v54, v17  }
0x430: {  	v5 =	vcvt.f32.s32 v5;
	[tilespmem:v4+s28+$0x0] =	vst.idx.add.f32.msk $0xffff, v1;
	v9 =	vsel vm14, v61, v62;
	v17 =	vtrunc.f32 v17  }
0x431: {  	[tilespmem:v20+s28+$0x0] =	vst.idx.add.f32.msk $0xffff, v1;
	v9 =	vtrunc.f32 v9;
	v17 =	vcvt.f32.s32 v17  }
0x432: {  	[tilespmem:v16+s28+$0x0] =	vst.idx.add.f32.msk $0xffff, v1;
	v9 =	vcvt.f32.s32 v9  }
0x433: {  	[tilespmem:v7+s28+$0x0] =	vst.idx.add.f32.msk $0xffff, v1  }
0x434: {  	[tilespmem:v14+s28+$0x0] =	vst.idx.add.f32.msk $0xffff, v1  }
0x435: {  	[tilespmem:v12+s28+$0x0] =	vst.idx.add.f32.msk $0xffff, v1  }
0x436: {  	s1 =	sadd.s32 $0x1, s1;
	[tilespmem:v5+s28+$0x0] =	vst.idx.add.f32.msk $0xffff, v1  }
0x437: {  	p0 =	sne.s32 s1, s21;
	[tilespmem:v17+s28+$0x0] =	vst.idx.add.f32.msk $0xffff, v1  }
.Ltmp9:
0x438: {  	[tilespmem:v9+s28+$0x0] =	vst.idx.add.f32.msk $0xffff, v1;
	(pc) =	sbr.rel @p0 .LBB2_1-.Ltmp9, $4  }
0x439: {  	[hbm4b:s20+s2] =	stream.linear.scatter [tilespmem:s28], [sflag:$0x4], $0x4000, $0x38;
	[tilespmem:$0x1C000] =	vst v63  }
0x43a: {  	_ =	swait.ge [sflag:s31], $0x4000  }
0x43b: {  	[sflag:s31] =	ssyncset.done $0x0  }
0x43c: {  	[sflag:s31] =	ssyncadd.s32 $0xFFFFC000  }
0x43d: {  	_ =	sfence.sel $0x180000  }
0x43e: {  	[bflag:$0x0] =	sbarrier.arrive $0xFFFF  }
0x43f: {  	_ =	strace $0x90000047  }
0x440: {  	s0 =	stileid.u32;
	[bflag:$0x2] =	sbarrier.arrive $0xFFFF  }
0x441: {  	p0 =	sne.s32 s0, $0x0;
	s0 =	rddreg [dreg:$0x3]  }
0x442: {  	s0 =	sadd.s32 @!p0 $0x100000, s0  }
0x443: {  	[sflag:s0] =	ssyncadd.tile.s32 @!p0 $0x1;
	_ =	shalt  }
.Lfunc_end2:
_tile_overlayer_lowered:
.L_overlay_start_2:
0x444: {  	(tag) =	ssettag $0x2  }
0x445: {  	s0 =	rddreg [dreg:$0x0];
	s2 =	stileid.u32  }
0x446: {  	s1 =	rddreg [dreg:$0x1];
	p0 =	sne.s32 s2, $0x0  }
0x447: {  	s3 =	rddreg [dreg:$0x2];
	[bflag:$0x3] =	sbarrier.arrive $0xFFFF;
	s2 =	simm.s32 @!p0 $0x1C04  }
0x448: {  	[timem:s3], [sflag:s2] =	dma.local @!p0 [hbm:s0], s1  }
0x449: {  	s0 =	simm.s32 @!p0 $0x4  }
0x44a: {  	_ =	swait.ge @!p0 [sflag:s0], s1  }
0x44b: {  	s1 =	ssub.s32 @!p0 $0x0, s1;
	[sflag:s0] =	ssyncset.done @!p0 $0x0  }
0x44c: {  	[sflag:s0] =	ssyncadd.s32 @!p0 s1  }
0x44d: {  	[bflag:$0x3] =	sbarrier.arrive $0xFFFF  }
0x44e: {  	_ =	shalt  }

</sc_bundles>
